<compile_context>
chip_gen: v7x
topology: tpu7x:2x2x1
jax: 0.10.2.dev20260603
libtpu: 0.0.44.dev20260713+nightly
codegen_flags: <defaults>
</compile_context>

<pallas_src>
import functools

import jax
import jax.numpy as jnp
from jax import lax
from jax.experimental import pallas as pl
from jax.experimental.pallas import tpu as pltpu
from jax.experimental.pallas import tpu_sc as plsc

B, T, N, E, D, S = 8, 512, 256, 8192, 768, 3
NC, NS = 2, 16
NW = NC * NS
ROWS = B * T
HROWS = 32
GROWS = (ROWS - B * HROWS) // (NW - B)
RND = 16
NBUF = 3


def _row_dst(tok_hbm, g):
    return tok_hbm.at[g // T, pl.ds(g % T, RND), :]


def _sc_body(ids_hbm, edges_hbm, table_hbm, tok_hbm, hist_hbm,
             idx_v, rows_v, acc_v, ebuf_v, esem, gsem, wsema, wsemb, wsemc):
    wid = lax.axis_index("s") * NC + lax.axis_index("c")
    bufs = tuple(rows_v.at[pl.ds(k * RND, RND)] for k in range(NBUF))
    sems = (wsema, wsemb, wsemc)

    @pl.when(wid < B)
    def _():
        b = wid
        ed = pltpu.async_copy(edges_hbm.at[b], ebuf_v, esem)

        zv = jnp.zeros((16,), jnp.float32)

        def zero_body(i, carry):
            for j in range(32):
                acc_v[2 * i + j // 16, pl.ds((j % 16) * 16, 16)] = zv
            return carry

        lax.fori_loop(0, N // 2, zero_body, 0)

        ones = jnp.ones((16,), jnp.float32)

        def scan_body(i, carry):
            for u in range(4):
                k = (i * 4 + u) * 16
                src = ebuf_v[0, pl.ds(k, 16)]
                dst = ebuf_v[1, pl.ds(k, 16)]
                plsc.addupdate_scatter(acc_v, [dst, src], ones)
            return carry

        ed.wait()
        lax.fori_loop(0, E // 64, scan_body, 0)
        wh = pltpu.async_copy(acc_v, hist_hbm.at[b], wsemb)

        g = b * HROWS
        for r in range(HROWS // RND):
            pltpu.sync_copy(ids_hbm.at[pl.ds(g + r * RND, RND)],
                            idx_v.at[pl.ds(0, RND)])
            pltpu.async_copy(table_hbm.at[idx_v.at[pl.ds(0, RND)]],
                             bufs[0], gsem).wait()
            pltpu.sync_copy(bufs[0], _row_dst(tok_hbm, g + r * RND))
        wh.wait()

    @pl.when(wid >= B)
    def _():
        start = B * HROWS + (wid - B) * GROWS
        pltpu.sync_copy(ids_hbm.at[pl.ds(start, GROWS)], idx_v)

        def gat(r):
            return pltpu.async_copy(
                table_hbm.at[idx_v.at[pl.ds(r * RND, RND)]],
                bufs[r % NBUF], gsem)

        def put(r):
            return pltpu.async_copy(
                bufs[r % NBUF], _row_dst(tok_hbm, start + r * RND),
                sems[r % NBUF])

        nr = GROWS // RND
        gd = [gat(r) for r in range(NBUF - 1)]
        wd = [None] * nr
        for r in range(nr):
            gd[r].wait()
            nxt = r + NBUF - 1
            if nxt < nr:
                if wd and r >= 1 and nxt - NBUF >= 0:
                    wd[nxt - NBUF].wait()
                gd.append(gat(nxt))
            wd[r] = put(r)
        for r in range(nr - NBUF, nr):
            if r >= 0:
                wd[r].wait()


@functools.cache
def _sc_call():
    mesh = plsc.VectorSubcoreMesh(
        core_axis_name="c", subcore_axis_name="s",
        num_cores=NC, num_subcores=NS)
    return pl.kernel(
        _sc_body,
        out_type=(
            jax.ShapeDtypeStruct((B, T, D), jnp.float32),
            jax.ShapeDtypeStruct((B, N, N), jnp.float32),
        ),
        mesh=mesh,
        scratch_types=[
            pltpu.VMEM((GROWS,), jnp.int32),
            pltpu.VMEM((NBUF * RND, D), jnp.float32),
            pltpu.VMEM((N, N), jnp.float32),
            pltpu.VMEM((2, E), jnp.int32),
            pltpu.SemaphoreType.DMA,
            pltpu.SemaphoreType.DMA,
            pltpu.SemaphoreType.DMA,
            pltpu.SemaphoreType.DMA,
            pltpu.SemaphoreType.DMA,
        ],
        compiler_params=pltpu.CompilerParams(needs_layout_passes=False),
    )


GPB = 2


def _tc_body(pm_ref, tok_ref, pos_ref, gam_ref, bet_ref, wg_ref, a2_ref,
             hist_ref, cnt_ref, wout_ref, out_ref):
    f32 = jnp.float32
    cs = lax.dot_general(wg_ref[:], a2_ref[:], (((1,), (1,)), ((), ())),
                         preferred_element_type=f32)
    for k in range(GPB):
        tokb = tok_ref[k] + pos_ref[:]
        node = jnp.dot(pm_ref[k], tokb, preferred_element_type=f32)
        mu = jnp.mean(node, axis=1, keepdims=True)
        xc = node - mu
        var = jnp.mean(xc * xc, axis=1, keepdims=True)
        node = xc * lax.rsqrt(var + 1e-12) * gam_ref[:] + bet_ref[:]
        wh = jnp.dot(node, wg_ref[:], preferred_element_type=f32)
        sv = jnp.dot(node, cs, preferred_element_type=f32)
        s_src = lax.dot_general(a2_ref[pl.ds(0, 1), :], wh,
                                (((1,), (1,)), ((), ())),
                                preferred_element_type=f32)
        s_dst = sv[:, 1:2]
        x = s_dst + s_src
        x = jnp.where(x >= 0, x, 0.2 * x)
        cmat = hist_ref[k]
        xm = jnp.where(cmat > 0, x, -1e30)
        emax = jnp.max(xm, axis=1, keepdims=True)
        emax = jnp.where(emax > -1e29, emax, 0.0)
        p = cmat * jnp.exp(xm - emax)
        den = jnp.sum(p, axis=1, keepdims=True)
        a = p / (den + 1e-16)
        msg = jnp.dot(a, wh, preferred_element_type=f32)
        g = jnp.where(msg > 0, msg, jnp.exp(msg) - 1.0)
        gs = jnp.sum(g, axis=0, keepdims=True)
        bidx = pl.program_id(0) * GPB + k
        cnt = jnp.maximum(cnt_ref[bidx], 1).astype(f32)
        avg = gs / cnt
        out_ref[pl.ds(bidx, 1), :] = jnp.dot(
            avg, wout_ref[:], preferred_element_type=f32)


_tc_call = pl.pallas_call(
    _tc_body,
    grid=(B // GPB,),
    in_specs=[
        pl.BlockSpec((GPB, N, T), lambda b: (b, 0, 0)),
        pl.BlockSpec((GPB, T, D), lambda b: (b, 0, 0)),
        pl.BlockSpec((T, D), lambda b: (0, 0)),
        pl.BlockSpec((1, D), lambda b: (0, 0)),
        pl.BlockSpec((1, D), lambda b: (0, 0)),
        pl.BlockSpec((D, D), lambda b: (0, 0)),
        pl.BlockSpec((2, D), lambda b: (0, 0)),
        pl.BlockSpec((GPB, N, N), lambda b: (b, 0, 0)),
        pl.BlockSpec(memory_space=pltpu.SMEM),
        pl.BlockSpec((D, S), lambda b: (0, 0)),
    ],
    out_specs=pl.BlockSpec((B, S), lambda b: (0, 0)),
    out_shape=jax.ShapeDtypeStruct((B, S), jnp.float32),
)


def kernel(input_ids, pooling_mask, edge_indices, node_counts,
           word_emb, pos_emb, ln_gamma, ln_beta, W_gat, a_src, a_dst, W_out):
    ids = input_ids.reshape(ROWS).astype(jnp.int32)
    edges = edge_indices.astype(jnp.int32)
    tok, hist = _sc_call()(ids, edges, word_emb)
    a2 = jnp.stack([a_src, a_dst])
    logits = _tc_call(
        pooling_mask, tok, pos_emb,
        ln_gamma.reshape(1, D), ln_beta.reshape(1, D), W_gat,
        a2, hist, node_counts.astype(jnp.int32), W_out)
    return logits

# --- scband reference (transcript-rebuilt; emitter-appended) ---
"""Pipeline reference for scband-graph-only-classifier-75393855914188 (READ-ONLY COPY).

The authoritative reference and input builder live on the scoring server;
editing this copy changes nothing except your own understanding.
"""

import jax, jax.numpy as jnp
import numpy as np

B, T, N, E, D, V, S = 8, 512, 256, 8192, 768, 30522, 3


def setup_inputs(seed: int = 0) -> dict:
    key = jax.random.key(seed)
    ks = jax.random.split(key, 12)
    input_ids = jax.random.randint(ks[0], (B, T), 0, V, dtype=jnp.int64 if jax.config.jax_enable_x64 else jnp.int32)
    pooling_mask = jax.random.uniform(ks[1], (B, N, T), dtype=jnp.float32)
    edge_indices = jax.random.randint(ks[2], (B, 2, E), 0, N)
    node_counts = jax.random.randint(ks[3], (B,), 0, N)
    word_emb = jax.random.normal(ks[4], (V, D), dtype=jnp.float32) * 0.02
    pos_emb = jax.random.normal(ks[5], (T, D), dtype=jnp.float32) * 0.02
    ln_gamma = jnp.ones((D,), dtype=jnp.float32)
    ln_beta = jnp.zeros((D,), dtype=jnp.float32)
    W_gat = jax.random.normal(ks[6], (D, D), dtype=jnp.float32) * 0.02
    a_src = jax.random.normal(ks[7], (D,), dtype=jnp.float32) * 0.02
    a_dst = jax.random.normal(ks[8], (D,), dtype=jnp.float32) * 0.02
    W_out = jax.random.normal(ks[9], (D, S), dtype=jnp.float32) * 0.02
    return {
        'input_ids': input_ids, 'pooling_mask': pooling_mask,
        'edge_indices': edge_indices, 'node_counts': node_counts,
        'word_emb': word_emb, 'pos_emb': pos_emb,
        'ln_gamma': ln_gamma, 'ln_beta': ln_beta,
        'W_gat': W_gat, 'a_src': a_src, 'a_dst': a_dst, 'W_out': W_out,
    }


def _gat_per_graph(h, ei):
    # h: [N, D], ei: [2, E]
    src, dst = ei[0], ei[1]
    n = h.shape[0]
    e = jax.nn.leaky_relu(h[src] @ jnp.ones(0) if False else jax.nn.leaky_relu((h[src] * 0).sum(-1), 0.2), 0.2)
    return e  # placeholder, real impl in reference


def reference(input_ids, pooling_mask, edge_indices, node_counts,
              word_emb, pos_emb, ln_gamma, ln_beta, W_gat, a_src, a_dst, W_out):
    # GatbertEmbeddings: token embedding lookup + positions, pooled into graph nodes
    tok = jnp.take(word_emb, input_ids, axis=0) + pos_emb[None, :, :]   # [B, T, D]
    node = jnp.einsum('bnt,btd->bnd', pooling_mask, tok)                 # [B, N, D]
    mu = node.mean(axis=-1, keepdims=True)
    var = node.var(axis=-1, keepdims=True)
    node = (node - mu) / jnp.sqrt(var + 1e-12) * ln_gamma + ln_beta
    # GatbertEncoder: single GAT layer with edge-softmax message passing
    Wh = node @ W_gat                                                    # [B, N, D]
    def per_graph(h, ei):
        src, dst = ei[0], ei[1]
        n = h.shape[0]
        e = jax.nn.leaky_relu(h[src] @ a_src + h[dst] @ a_dst, 0.2)      # [E]
        emax = jax.ops.segment_max(e, dst, num_segments=n)
        emax = jnp.where(jnp.isfinite(emax), emax, 0.0)
        ex = jnp.exp(e - emax[dst])
        denom = jax.ops.segment_sum(ex, dst, num_segments=n)
        alpha = ex / (denom[dst] + 1e-16)
        msg = jax.ops.segment_sum(alpha[:, None] * h[src], dst, num_segments=n)
        return jax.nn.elu(msg)
    graph_hidden = jax.vmap(per_graph)(Wh, edge_indices)                 # [B, N, D]
    counts = jnp.maximum(node_counts, 1).astype(graph_hidden.dtype)
    avg = jnp.sum(graph_hidden, axis=1) / counts[:, None]                # [B, D]
    logits = avg @ W_out                                                 # [B, S]
    return logits

if __name__ == "__main__":
    import jax
    _d = setup_inputs()
    print(jax.jit(kernel)(*tuple(_d.values())))

</pallas_src>

<mosaic_0001>
#map = affine_map<(d0, d1) -> (0)>
#map1 = affine_map<(d0, d1) -> (0, 0, 0)>
#map2 = affine_map<(d0, d1) -> (0, 0)>
module attributes {stable_mosaic.version = 14 : i64} {
  func.func @_sc_body(%arg0: i32, %arg1: i32, %arg2: memref<4096xi32, #tpu.memory_space<hbm>>, %arg3: memref<8x2x8192xi32, #tpu.memory_space<hbm>>, %arg4: memref<30522x768xf32, #tpu.memory_space<hbm>>, %arg5: memref<8x512x768xf32, #tpu.memory_space<hbm>>, %arg6: memref<8x256x256xf32, #tpu.memory_space<hbm>>, %arg7: memref<160xi32, #tpu.memory_space<vmem>>, %arg8: memref<48x768xf32, #tpu.memory_space<vmem>>, %arg9: memref<256x256xf32, #tpu.memory_space<vmem>>, %arg10: memref<2x8192xi32, #tpu.memory_space<vmem>>, %arg11: memref<!tpu.dma_semaphore, #tpu.memory_space<semaphore_mem>>, %arg12: memref<!tpu.dma_semaphore, #tpu.memory_space<semaphore_mem>>, %arg13: memref<!tpu.dma_semaphore, #tpu.memory_space<semaphore_mem>>, %arg14: memref<!tpu.dma_semaphore, #tpu.memory_space<semaphore_mem>>, %arg15: memref<!tpu.dma_semaphore, #tpu.memory_space<semaphore_mem>>) attributes {dimension_semantics = [#tpu.dimension_semantics<core_parallel>, #tpu.dimension_semantics<subcore_parallel>], iteration_bounds = array<i64: 2, 16>, scalar_prefetch = 0 : i64, scratch_operands = 9 : i64, tpu.core_type = #tpu.core_type<sc_vector_subcore>, window_params = [{transform_indices = #map}, {transform_indices = #map1}, {transform_indices = #map2}, {transform_indices = #map1}, {transform_indices = #map1}]} {
    %mul3A = arith.constant 2 : i32
    %mul3A_0 = arith.muli %arg1, %mul3A : i32
    %add3A = arith.addi %mul3A_0, %arg0 : i32
    %lt3A = arith.constant 8 : i32
    %lt3A_1 = arith.cmpi slt, %add3A, %lt3A : i32
    %convert_element_type3A = arith.extui %lt3A_1 : i1 to i32
    %cond3A = arith.constant 0 : i32
    %cond3A_2 = arith.cmpi ne, %convert_element_type3A, %cond3A : i32
    scf.if %cond3A_2 {
      %dma_start3A = arith.constant 0 : i32
      %dma_start3A_7 = arith.constant 0 : i32
      %dma_start3A_8 = tpu.memref_slice %arg3[%add3A, %dma_start3A, %dma_start3A_7] : memref<8x2x8192xi32, #tpu.memory_space<hbm>> -> memref<1x2x8192xi32, #tpu.memory_space<hbm>>
      %dma_start3A_9 = tpu.memref_squeeze %dma_start3A_8 : memref<1x2x8192xi32, #tpu.memory_space<hbm>> -> memref<2x8192xi32, #tpu.memory_space<hbm>>
      %dma_start3A_10 = arith.constant 0 : i32
      %dma_start3A_11 = arith.constant 0 : i32
      %dma_start3A_12 = tpu.memref_slice %arg3[%add3A, %dma_start3A_10, %dma_start3A_11] : memref<8x2x8192xi32, #tpu.memory_space<hbm>> -> memref<1x2x8192xi32, #tpu.memory_space<hbm>>
      %dma_start3A_13 = tpu.memref_squeeze %dma_start3A_12 : memref<1x2x8192xi32, #tpu.memory_space<hbm>> -> memref<2x8192xi32, #tpu.memory_space<hbm>>
      tpu.enqueue_dma source(%dma_start3A_13 : memref<2x8192xi32, #tpu.memory_space<hbm>>) target(%arg10 : memref<2x8192xi32, #tpu.memory_space<vmem>>) target_semaphore(%arg11 : memref<!tpu.dma_semaphore, #tpu.memory_space<semaphore_mem>>)
      %broadcast_in_dim3A = arith.constant 0.000000e+00 : f32
      %broadcast_in_dim3A_14 = vector.broadcast %broadcast_in_dim3A : f32 to vector<16xf32>
      %scan3A = arith.constant 0 : i32
      %scan3A_15 = arith.constant 0 : i32
      %scan3A_16 = arith.constant 128 : i32
      %scan3A_17 = arith.addi %scan3A_15, %scan3A_16 : i32
      %scan3A_18 = arith.constant 1 : i32
      scf.for %scan3A_164 = %scan3A_15 to %scan3A_17 step %scan3A_18  : i32 {
        %mul3A_165 = arith.constant 2 : i32
        %mul3A_166 = arith.muli %mul3A_165, %scan3A_164 : i32
        %add3A_167 = arith.constant 0 : i32
        %add3A_168 = arith.addi %mul3A_166, %add3A_167 : i32
        %swap3A = arith.index_cast %add3A_168 : i32 to index
        %swap3A_169 = arith.constant 0 : index
        %swap3A_170 = tpu.vector_load %arg9[%swap3A, %swap3A_169] {strides = array<i32>} : memref<256x256xf32, #tpu.memory_space<vmem>>, vector<16xf32>,
        tpu.vector_store %arg9[%swap3A, %swap3A_169], %broadcast_in_dim3A_14 {strides = array<i32>} : memref<256x256xf32, #tpu.memory_space<vmem>>, vector<16xf32>,
        %mul3A_171 = arith.constant 2 : i32
        %mul3A_172 = arith.muli %mul3A_171, %scan3A_164 : i32
        %add3A_173 = arith.constant 0 : i32
        %add3A_174 = arith.addi %mul3A_172, %add3A_173 : i32
        %swap3A_175 = arith.index_cast %add3A_174 : i32 to index
        %swap3A_176 = arith.constant 16 : index
        %swap3A_177 = tpu.vector_load %arg9[%swap3A_175, %swap3A_176] {strides = array<i32>} : memref<256x256xf32, #tpu.memory_space<vmem>>, vector<16xf32>,
        tpu.vector_store %arg9[%swap3A_175, %swap3A_176], %broadcast_in_dim3A_14 {strides = array<i32>} : memref<256x256xf32, #tpu.memory_space<vmem>>, vector<16xf32>,
        %mul3A_178 = arith.constant 2 : i32
        %mul3A_179 = arith.muli %mul3A_178, %scan3A_164 : i32
        %add3A_180 = arith.constant 0 : i32
        %add3A_181 = arith.addi %mul3A_179, %add3A_180 : i32
        %swap3A_182 = arith.index_cast %add3A_181 : i32 to index
        %swap3A_183 = arith.constant 32 : index
        %swap3A_184 = tpu.vector_load %arg9[%swap3A_182, %swap3A_183] {strides = array<i32>} : memref<256x256xf32, #tpu.memory_space<vmem>>, vector<16xf32>,
        tpu.vector_store %arg9[%swap3A_182, %swap3A_183], %broadcast_in_dim3A_14 {strides = array<i32>} : memref<256x256xf32, #tpu.memory_space<vmem>>, vector<16xf32>,
        %mul3A_185 = arith.constant 2 : i32
        %mul3A_186 = arith.muli %mul3A_185, %scan3A_164 : i32
        %add3A_187 = arith.constant 0 : i32
        %add3A_188 = arith.addi %mul3A_186, %add3A_187 : i32
        %swap3A_189 = arith.index_cast %add3A_188 : i32 to index
        %swap3A_190 = arith.constant 48 : index
        %swap3A_191 = tpu.vector_load %arg9[%swap3A_189, %swap3A_190] {strides = array<i32>} : memref<256x256xf32, #tpu.memory_space<vmem>>, vector<16xf32>,
        tpu.vector_store %arg9[%swap3A_189, %swap3A_190], %broadcast_in_dim3A_14 {strides = array<i32>} : memref<256x256xf32, #tpu.memory_space<vmem>>, vector<16xf32>,
        %mul3A_192 = arith.constant 2 : i32
        %mul3A_193 = arith.muli %mul3A_192, %scan3A_164 : i32
        %add3A_194 = arith.constant 0 : i32
        %add3A_195 = arith.addi %mul3A_193, %add3A_194 : i32
        %swap3A_196 = arith.index_cast %add3A_195 : i32 to index
        %swap3A_197 = arith.constant 64 : index
        %swap3A_198 = tpu.vector_load %arg9[%swap3A_196, %swap3A_197] {strides = array<i32>} : memref<256x256xf32, #tpu.memory_space<vmem>>, vector<16xf32>,
        tpu.vector_store %arg9[%swap3A_196, %swap3A_197], %broadcast_in_dim3A_14 {strides = array<i32>} : memref<256x256xf32, #tpu.memory_space<vmem>>, vector<16xf32>,
        %mul3A_199 = arith.constant 2 : i32
        %mul3A_200 = arith.muli %mul3A_199, %scan3A_164 : i32
        %add3A_201 = arith.constant 0 : i32
        %add3A_202 = arith.addi %mul3A_200, %add3A_201 : i32
        %swap3A_203 = arith.index_cast %add3A_202 : i32 to index
        %swap3A_204 = arith.constant 80 : index
        %swap3A_205 = tpu.vector_load %arg9[%swap3A_203, %swap3A_204] {strides = array<i32>} : memref<256x256xf32, #tpu.memory_space<vmem>>, vector<16xf32>,
        tpu.vector_store %arg9[%swap3A_203, %swap3A_204], %broadcast_in_dim3A_14 {strides = array<i32>} : memref<256x256xf32, #tpu.memory_space<vmem>>, vector<16xf32>,
        %mul3A_206 = arith.constant 2 : i32
        %mul3A_207 = arith.muli %mul3A_206, %scan3A_164 : i32
        %add3A_208 = arith.constant 0 : i32
        %add3A_209 = arith.addi %mul3A_207, %add3A_208 : i32
        %swap3A_210 = arith.index_cast %add3A_209 : i32 to index
        %swap3A_211 = arith.constant 96 : index
        %swap3A_212 = tpu.vector_load %arg9[%swap3A_210, %swap3A_211] {strides = array<i32>} : memref<256x256xf32, #tpu.memory_space<vmem>>, vector<16xf32>,
        tpu.vector_store %arg9[%swap3A_210, %swap3A_211], %broadcast_in_dim3A_14 {strides = array<i32>} : memref<256x256xf32, #tpu.memory_space<vmem>>, vector<16xf32>,
        %mul3A_213 = arith.constant 2 : i32
        %mul3A_214 = arith.muli %mul3A_213, %scan3A_164 : i32
        %add3A_215 = arith.constant 0 : i32
        %add3A_216 = arith.addi %mul3A_214, %add3A_215 : i32
        %swap3A_217 = arith.index_cast %add3A_216 : i32 to index
        %swap3A_218 = arith.constant 112 : index
        %swap3A_219 = tpu.vector_load %arg9[%swap3A_217, %swap3A_218] {strides = array<i32>} : memref<256x256xf32, #tpu.memory_space<vmem>>, vector<16xf32>,
        tpu.vector_store %arg9[%swap3A_217, %swap3A_218], %broadcast_in_dim3A_14 {strides = array<i32>} : memref<256x256xf32, #tpu.memory_space<vmem>>, vector<16xf32>,
        %mul3A_220 = arith.constant 2 : i32
        %mul3A_221 = arith.muli %mul3A_220, %scan3A_164 : i32
        %add3A_222 = arith.constant 0 : i32
        %add3A_223 = arith.addi %mul3A_221, %add3A_222 : i32
        %swap3A_224 = arith.index_cast %add3A_223 : i32 to index
        %swap3A_225 = arith.constant 128 : index
        %swap3A_226 = tpu.vector_load %arg9[%swap3A_224, %swap3A_225] {strides = array<i32>} : memref<256x256xf32, #tpu.memory_space<vmem>>, vector<16xf32>,
        tpu.vector_store %arg9[%swap3A_224, %swap3A_225], %broadcast_in_dim3A_14 {strides = array<i32>} : memref<256x256xf32, #tpu.memory_space<vmem>>, vector<16xf32>,
        %mul3A_227 = arith.constant 2 : i32
        %mul3A_228 = arith.muli %mul3A_227, %scan3A_164 : i32
        %add3A_229 = arith.constant 0 : i32
        %add3A_230 = arith.addi %mul3A_228, %add3A_229 : i32
        %swap3A_231 = arith.index_cast %add3A_230 : i32 to index
        %swap3A_232 = arith.constant 144 : index
        %swap3A_233 = tpu.vector_load %arg9[%swap3A_231, %swap3A_232] {strides = array<i32>} : memref<256x256xf32, #tpu.memory_space<vmem>>, vector<16xf32>,
        tpu.vector_store %arg9[%swap3A_231, %swap3A_232], %broadcast_in_dim3A_14 {strides = array<i32>} : memref<256x256xf32, #tpu.memory_space<vmem>>, vector<16xf32>,
        %mul3A_234 = arith.constant 2 : i32
        %mul3A_235 = arith.muli %mul3A_234, %scan3A_164 : i32
        %add3A_236 = arith.constant 0 : i32
        %add3A_237 = arith.addi %mul3A_235, %add3A_236 : i32
        %swap3A_238 = arith.index_cast %add3A_237 : i32 to index
        %swap3A_239 = arith.constant 160 : index
        %swap3A_240 = tpu.vector_load %arg9[%swap3A_238, %swap3A_239] {strides = array<i32>} : memref<256x256xf32, #tpu.memory_space<vmem>>, vector<16xf32>,
        tpu.vector_store %arg9[%swap3A_238, %swap3A_239], %broadcast_in_dim3A_14 {strides = array<i32>} : memref<256x256xf32, #tpu.memory_space<vmem>>, vector<16xf32>,
        %mul3A_241 = arith.constant 2 : i32
        %mul3A_242 = arith.muli %mul3A_241, %scan3A_164 : i32
        %add3A_243 = arith.constant 0 : i32
        %add3A_244 = arith.addi %mul3A_242, %add3A_243 : i32
        %swap3A_245 = arith.index_cast %add3A_244 : i32 to index
        %swap3A_246 = arith.constant 176 : index
        %swap3A_247 = tpu.vector_load %arg9[%swap3A_245, %swap3A_246] {strides = array<i32>} : memref<256x256xf32, #tpu.memory_space<vmem>>, vector<16xf32>,
        tpu.vector_store %arg9[%swap3A_245, %swap3A_246], %broadcast_in_dim3A_14 {strides = array<i32>} : memref<256x256xf32, #tpu.memory_space<vmem>>, vector<16xf32>,
        %mul3A_248 = arith.constant 2 : i32
        %mul3A_249 = arith.muli %mul3A_248, %scan3A_164 : i32
        %add3A_250 = arith.constant 0 : i32
        %add3A_251 = arith.addi %mul3A_249, %add3A_250 : i32
        %swap3A_252 = arith.index_cast %add3A_251 : i32 to index
        %swap3A_253 = arith.constant 192 : index
        %swap3A_254 = tpu.vector_load %arg9[%swap3A_252, %swap3A_253] {strides = array<i32>} : memref<256x256xf32, #tpu.memory_space<vmem>>, vector<16xf32>,
        tpu.vector_store %arg9[%swap3A_252, %swap3A_253], %broadcast_in_dim3A_14 {strides = array<i32>} : memref<256x256xf32, #tpu.memory_space<vmem>>, vector<16xf32>,
        %mul3A_255 = arith.constant 2 : i32
        %mul3A_256 = arith.muli %mul3A_255, %scan3A_164 : i32
        %add3A_257 = arith.constant 0 : i32
        %add3A_258 = arith.addi %mul3A_256, %add3A_257 : i32
        %swap3A_259 = arith.index_cast %add3A_258 : i32 to index
        %swap3A_260 = arith.constant 208 : index
        %swap3A_261 = tpu.vector_load %arg9[%swap3A_259, %swap3A_260] {strides = array<i32>} : memref<256x256xf32, #tpu.memory_space<vmem>>, vector<16xf32>,
        tpu.vector_store %arg9[%swap3A_259, %swap3A_260], %broadcast_in_dim3A_14 {strides = array<i32>} : memref<256x256xf32, #tpu.memory_space<vmem>>, vector<16xf32>,
        %mul3A_262 = arith.constant 2 : i32
        %mul3A_263 = arith.muli %mul3A_262, %scan3A_164 : i32
        %add3A_264 = arith.constant 0 : i32
        %add3A_265 = arith.addi %mul3A_263, %add3A_264 : i32
        %swap3A_266 = arith.index_cast %add3A_265 : i32 to index
        %swap3A_267 = arith.constant 224 : index
        %swap3A_268 = tpu.vector_load %arg9[%swap3A_266, %swap3A_267] {strides = array<i32>} : memref<256x256xf32, #tpu.memory_space<vmem>>, vector<16xf32>,
        tpu.vector_store %arg9[%swap3A_266, %swap3A_267], %broadcast_in_dim3A_14 {strides = array<i32>} : memref<256x256xf32, #tpu.memory_space<vmem>>, vector<16xf32>,
        %mul3A_269 = arith.constant 2 : i32
        %mul3A_270 = arith.muli %mul3A_269, %scan3A_164 : i32
        %add3A_271 = arith.constant 0 : i32
        %add3A_272 = arith.addi %mul3A_270, %add3A_271 : i32
        %swap3A_273 = arith.index_cast %add3A_272 : i32 to index
        %swap3A_274 = arith.constant 240 : index
        %swap3A_275 = tpu.vector_load %arg9[%swap3A_273, %swap3A_274] {strides = array<i32>} : memref<256x256xf32, #tpu.memory_space<vmem>>, vector<16xf32>,
        tpu.vector_store %arg9[%swap3A_273, %swap3A_274], %broadcast_in_dim3A_14 {strides = array<i32>} : memref<256x256xf32, #tpu.memory_space<vmem>>, vector<16xf32>,
        %mul3A_276 = arith.constant 2 : i32
        %mul3A_277 = arith.muli %mul3A_276, %scan3A_164 : i32
        %add3A_278 = arith.constant 1 : i32
        %add3A_279 = arith.addi %mul3A_277, %add3A_278 : i32
        %swap3A_280 = arith.index_cast %add3A_279 : i32 to index
        %swap3A_281 = arith.constant 0 : index
        %swap3A_282 = tpu.vector_load %arg9[%swap3A_280, %swap3A_281] {strides = array<i32>} : memref<256x256xf32, #tpu.memory_space<vmem>>, vector<16xf32>,
        tpu.vector_store %arg9[%swap3A_280, %swap3A_281], %broadcast_in_dim3A_14 {strides = array<i32>} : memref<256x256xf32, #tpu.memory_space<vmem>>, vector<16xf32>,
        %mul3A_283 = arith.constant 2 : i32
        %mul3A_284 = arith.muli %mul3A_283, %scan3A_164 : i32
        %add3A_285 = arith.constant 1 : i32
        %add3A_286 = arith.addi %mul3A_284, %add3A_285 : i32
        %swap3A_287 = arith.index_cast %add3A_286 : i32 to index
        %swap3A_288 = arith.constant 16 : index
        %swap3A_289 = tpu.vector_load %arg9[%swap3A_287, %swap3A_288] {strides = array<i32>} : memref<256x256xf32, #tpu.memory_space<vmem>>, vector<16xf32>,
        tpu.vector_store %arg9[%swap3A_287, %swap3A_288], %broadcast_in_dim3A_14 {strides = array<i32>} : memref<256x256xf32, #tpu.memory_space<vmem>>, vector<16xf32>,
        %mul3A_290 = arith.constant 2 : i32
        %mul3A_291 = arith.muli %mul3A_290, %scan3A_164 : i32
        %add3A_292 = arith.constant 1 : i32
        %add3A_293 = arith.addi %mul3A_291, %add3A_292 : i32
        %swap3A_294 = arith.index_cast %add3A_293 : i32 to index
        %swap3A_295 = arith.constant 32 : index
        %swap3A_296 = tpu.vector_load %arg9[%swap3A_294, %swap3A_295] {strides = array<i32>} : memref<256x256xf32, #tpu.memory_space<vmem>>, vector<16xf32>,
        tpu.vector_store %arg9[%swap3A_294, %swap3A_295], %broadcast_in_dim3A_14 {strides = array<i32>} : memref<256x256xf32, #tpu.memory_space<vmem>>, vector<16xf32>,
        %mul3A_297 = arith.constant 2 : i32
        %mul3A_298 = arith.muli %mul3A_297, %scan3A_164 : i32
        %add3A_299 = arith.constant 1 : i32
        %add3A_300 = arith.addi %mul3A_298, %add3A_299 : i32
        %swap3A_301 = arith.index_cast %add3A_300 : i32 to index
        %swap3A_302 = arith.constant 48 : index
        %swap3A_303 = tpu.vector_load %arg9[%swap3A_301, %swap3A_302] {strides = array<i32>} : memref<256x256xf32, #tpu.memory_space<vmem>>, vector<16xf32>,
        tpu.vector_store %arg9[%swap3A_301, %swap3A_302], %broadcast_in_dim3A_14 {strides = array<i32>} : memref<256x256xf32, #tpu.memory_space<vmem>>, vector<16xf32>,
        %mul3A_304 = arith.constant 2 : i32
        %mul3A_305 = arith.muli %mul3A_304, %scan3A_164 : i32
        %add3A_306 = arith.constant 1 : i32
        %add3A_307 = arith.addi %mul3A_305, %add3A_306 : i32
        %swap3A_308 = arith.index_cast %add3A_307 : i32 to index
        %swap3A_309 = arith.constant 64 : index
        %swap3A_310 = tpu.vector_load %arg9[%swap3A_308, %swap3A_309] {strides = array<i32>} : memref<256x256xf32, #tpu.memory_space<vmem>>, vector<16xf32>,
        tpu.vector_store %arg9[%swap3A_308, %swap3A_309], %broadcast_in_dim3A_14 {strides = array<i32>} : memref<256x256xf32, #tpu.memory_space<vmem>>, vector<16xf32>,
        %mul3A_311 = arith.constant 2 : i32
        %mul3A_312 = arith.muli %mul3A_311, %scan3A_164 : i32
        %add3A_313 = arith.constant 1 : i32
        %add3A_314 = arith.addi %mul3A_312, %add3A_313 : i32
        %swap3A_315 = arith.index_cast %add3A_314 : i32 to index
        %swap3A_316 = arith.constant 80 : index
        %swap3A_317 = tpu.vector_load %arg9[%swap3A_315, %swap3A_316] {strides = array<i32>} : memref<256x256xf32, #tpu.memory_space<vmem>>, vector<16xf32>,
        tpu.vector_store %arg9[%swap3A_315, %swap3A_316], %broadcast_in_dim3A_14 {strides = array<i32>} : memref<256x256xf32, #tpu.memory_space<vmem>>, vector<16xf32>,
        %mul3A_318 = arith.constant 2 : i32
        %mul3A_319 = arith.muli %mul3A_318, %scan3A_164 : i32
        %add3A_320 = arith.constant 1 : i32
        %add3A_321 = arith.addi %mul3A_319, %add3A_320 : i32
        %swap3A_322 = arith.index_cast %add3A_321 : i32 to index
        %swap3A_323 = arith.constant 96 : index
        %swap3A_324 = tpu.vector_load %arg9[%swap3A_322, %swap3A_323] {strides = array<i32>} : memref<256x256xf32, #tpu.memory_space<vmem>>, vector<16xf32>,
        tpu.vector_store %arg9[%swap3A_322, %swap3A_323], %broadcast_in_dim3A_14 {strides = array<i32>} : memref<256x256xf32, #tpu.memory_space<vmem>>, vector<16xf32>,
        %mul3A_325 = arith.constant 2 : i32
        %mul3A_326 = arith.muli %mul3A_325, %scan3A_164 : i32
        %add3A_327 = arith.constant 1 : i32
        %add3A_328 = arith.addi %mul3A_326, %add3A_327 : i32
        %swap3A_329 = arith.index_cast %add3A_328 : i32 to index
        %swap3A_330 = arith.constant 112 : index
        %swap3A_331 = tpu.vector_load %arg9[%swap3A_329, %swap3A_330] {strides = array<i32>} : memref<256x256xf32, #tpu.memory_space<vmem>>, vector<16xf32>,
        tpu.vector_store %arg9[%swap3A_329, %swap3A_330], %broadcast_in_dim3A_14 {strides = array<i32>} : memref<256x256xf32, #tpu.memory_space<vmem>>, vector<16xf32>,
        %mul3A_332 = arith.constant 2 : i32
        %mul3A_333 = arith.muli %mul3A_332, %scan3A_164 : i32
        %add3A_334 = arith.constant 1 : i32
        %add3A_335 = arith.addi %mul3A_333, %add3A_334 : i32
        %swap3A_336 = arith.index_cast %add3A_335 : i32 to index
        %swap3A_337 = arith.constant 128 : index
        %swap3A_338 = tpu.vector_load %arg9[%swap3A_336, %swap3A_337] {strides = array<i32>} : memref<256x256xf32, #tpu.memory_space<vmem>>, vector<16xf32>,
        tpu.vector_store %arg9[%swap3A_336, %swap3A_337], %broadcast_in_dim3A_14 {strides = array<i32>} : memref<256x256xf32, #tpu.memory_space<vmem>>, vector<16xf32>,
        %mul3A_339 = arith.constant 2 : i32
        %mul3A_340 = arith.muli %mul3A_339, %scan3A_164 : i32
        %add3A_341 = arith.constant 1 : i32
        %add3A_342 = arith.addi %mul3A_340, %add3A_341 : i32
        %swap3A_343 = arith.index_cast %add3A_342 : i32 to index
        %swap3A_344 = arith.constant 144 : index
        %swap3A_345 = tpu.vector_load %arg9[%swap3A_343, %swap3A_344] {strides = array<i32>} : memref<256x256xf32, #tpu.memory_space<vmem>>, vector<16xf32>,
        tpu.vector_store %arg9[%swap3A_343, %swap3A_344], %broadcast_in_dim3A_14 {strides = array<i32>} : memref<256x256xf32, #tpu.memory_space<vmem>>, vector<16xf32>,
        %mul3A_346 = arith.constant 2 : i32
        %mul3A_347 = arith.muli %mul3A_346, %scan3A_164 : i32
        %add3A_348 = arith.constant 1 : i32
        %add3A_349 = arith.addi %mul3A_347, %add3A_348 : i32
        %swap3A_350 = arith.index_cast %add3A_349 : i32 to index
        %swap3A_351 = arith.constant 160 : index
        %swap3A_352 = tpu.vector_load %arg9[%swap3A_350, %swap3A_351] {strides = array<i32>} : memref<256x256xf32, #tpu.memory_space<vmem>>, vector<16xf32>,
        tpu.vector_store %arg9[%swap3A_350, %swap3A_351], %broadcast_in_dim3A_14 {strides = array<i32>} : memref<256x256xf32, #tpu.memory_space<vmem>>, vector<16xf32>,
        %mul3A_353 = arith.constant 2 : i32
        %mul3A_354 = arith.muli %mul3A_353, %scan3A_164 : i32
        %add3A_355 = arith.constant 1 : i32
        %add3A_356 = arith.addi %mul3A_354, %add3A_355 : i32
        %swap3A_357 = arith.index_cast %add3A_356 : i32 to index
        %swap3A_358 = arith.constant 176 : index
        %swap3A_359 = tpu.vector_load %arg9[%swap3A_357, %swap3A_358] {strides = array<i32>} : memref<256x256xf32, #tpu.memory_space<vmem>>, vector<16xf32>,
        tpu.vector_store %arg9[%swap3A_357, %swap3A_358], %broadcast_in_dim3A_14 {strides = array<i32>} : memref<256x256xf32, #tpu.memory_space<vmem>>, vector<16xf32>,
        %mul3A_360 = arith.constant 2 : i32
        %mul3A_361 = arith.muli %mul3A_360, %scan3A_164 : i32
        %add3A_362 = arith.constant 1 : i32
        %add3A_363 = arith.addi %mul3A_361, %add3A_362 : i32
        %swap3A_364 = arith.index_cast %add3A_363 : i32 to index
        %swap3A_365 = arith.constant 192 : index
        %swap3A_366 = tpu.vector_load %arg9[%swap3A_364, %swap3A_365] {strides = array<i32>} : memref<256x256xf32, #tpu.memory_space<vmem>>, vector<16xf32>,
        tpu.vector_store %arg9[%swap3A_364, %swap3A_365], %broadcast_in_dim3A_14 {strides = array<i32>} : memref<256x256xf32, #tpu.memory_space<vmem>>, vector<16xf32>,
        %mul3A_367 = arith.constant 2 : i32
        %mul3A_368 = arith.muli %mul3A_367, %scan3A_164 : i32
        %add3A_369 = arith.constant 1 : i32
        %add3A_370 = arith.addi %mul3A_368, %add3A_369 : i32
        %swap3A_371 = arith.index_cast %add3A_370 : i32 to index
        %swap3A_372 = arith.constant 208 : index
        %swap3A_373 = tpu.vector_load %arg9[%swap3A_371, %swap3A_372] {strides = array<i32>} : memref<256x256xf32, #tpu.memory_space<vmem>>, vector<16xf32>,
        tpu.vector_store %arg9[%swap3A_371, %swap3A_372], %broadcast_in_dim3A_14 {strides = array<i32>} : memref<256x256xf32, #tpu.memory_space<vmem>>, vector<16xf32>,
        %mul3A_374 = arith.constant 2 : i32
        %mul3A_375 = arith.muli %mul3A_374, %scan3A_164 : i32
        %add3A_376 = arith.constant 1 : i32
        %add3A_377 = arith.addi %mul3A_375, %add3A_376 : i32
        %swap3A_378 = arith.index_cast %add3A_377 : i32 to index
        %swap3A_379 = arith.constant 224 : index
        %swap3A_380 = tpu.vector_load %arg9[%swap3A_378, %swap3A_379] {strides = array<i32>} : memref<256x256xf32, #tpu.memory_space<vmem>>, vector<16xf32>,
        tpu.vector_store %arg9[%swap3A_378, %swap3A_379], %broadcast_in_dim3A_14 {strides = array<i32>} : memref<256x256xf32, #tpu.memory_space<vmem>>, vector<16xf32>,
        %mul3A_381 = arith.constant 2 : i32
        %mul3A_382 = arith.muli %mul3A_381, %scan3A_164 : i32
        %add3A_383 = arith.constant 1 : i32
        %add3A_384 = arith.addi %mul3A_382, %add3A_383 : i32
        %swap3A_385 = arith.index_cast %add3A_384 : i32 to index
        %swap3A_386 = arith.constant 240 : index
        %swap3A_387 = tpu.vector_load %arg9[%swap3A_385, %swap3A_386] {strides = array<i32>} : memref<256x256xf32, #tpu.memory_space<vmem>>, vector<16xf32>,
        tpu.vector_store %arg9[%swap3A_385, %swap3A_386], %broadcast_in_dim3A_14 {strides = array<i32>} : memref<256x256xf32, #tpu.memory_space<vmem>>, vector<16xf32>,
      }
      %scan3A_19 = arith.constant 128 : i32
      %broadcast_in_dim3A_20 = arith.constant 1.000000e+00 : f32
      %broadcast_in_dim3A_21 = vector.broadcast %broadcast_in_dim3A_20 : f32 to vector<16xf32>
      %dma_wait3A = arith.constant 0 : i32
      %dma_wait3A_22 = arith.constant 0 : i32
      %dma_wait3A_23 = tpu.memref_slice %arg3[%add3A, %dma_wait3A, %dma_wait3A_22] : memref<8x2x8192xi32, #tpu.memory_space<hbm>> -> memref<1x2x8192xi32, #tpu.memory_space<hbm>>
      %dma_wait3A_24 = tpu.memref_squeeze %dma_wait3A_23 : memref<1x2x8192xi32, #tpu.memory_space<hbm>> -> memref<2x8192xi32, #tpu.memory_space<hbm>>
      %dma_wait3A_25 = arith.constant 0 : i32
      %dma_wait3A_26 = arith.constant 0 : i32
      %dma_wait3A_27 = tpu.memref_slice %arg3[%add3A, %dma_wait3A_25, %dma_wait3A_26] : memref<8x2x8192xi32, #tpu.memory_space<hbm>> -> memref<1x2x8192xi32, #tpu.memory_space<hbm>>
      %dma_wait3A_28 = tpu.memref_squeeze %dma_wait3A_27 : memref<1x2x8192xi32, #tpu.memory_space<hbm>> -> memref<2x8192xi32, #tpu.memory_space<hbm>>
      tpu.wait_dma2 semaphore(%arg11 : memref<!tpu.dma_semaphore, #tpu.memory_space<semaphore_mem>>) src(%dma_wait3A_28 : memref<2x8192xi32, #tpu.memory_space<hbm>>) dst(%arg10 : memref<2x8192xi32, #tpu.memory_space<vmem>>)
      %scan3A_29 = arith.constant 0 : i32
      %scan3A_30 = arith.constant 0 : i32
      %scan3A_31 = arith.constant 128 : i32
      %scan3A_32 = arith.addi %scan3A_30, %scan3A_31 : i32
      %scan3A_33 = arith.constant 1 : i32
      scf.for %scan3A_164 = %scan3A_30 to %scan3A_32 step %scan3A_33  : i32 {
        %mul3A_165 = arith.constant 4 : i32
        %mul3A_166 = arith.muli %scan3A_164, %mul3A_165 : i32
        %add3A_167 = arith.constant 0 : i32
        %add3A_168 = arith.addi %mul3A_166, %add3A_167 : i32
        %mul3A_169 = arith.constant 16 : i32
        %mul3A_170 = arith.muli %add3A_168, %mul3A_169 : i32
        %get3A = arith.constant 0 : i32
        %get3A_171 = arith.index_cast %get3A : i32 to index
        %get3A_172 = arith.index_cast %mul3A_170 : i32 to index
        %get3A_173 = tpu.vector_load %arg10[%get3A_171, %get3A_172] {strides = array<i32>} : memref<2x8192xi32, #tpu.memory_space<vmem>>, vector<16xi32>,
        %get3A_174 = arith.constant 1 : i32
        %get3A_175 = arith.index_cast %get3A_174 : i32 to index
        %get3A_176 = arith.index_cast %mul3A_170 : i32 to index
        %get3A_177 = tpu.vector_load %arg10[%get3A_175, %get3A_176] {strides = array<i32>} : memref<2x8192xi32, #tpu.memory_space<vmem>>, vector<16xi32>,
        tpu.vector_store_idx %arg9[%get3A_177, %get3A_173], %broadcast_in_dim3A_21 {add = true} : memref<256x256xf32, #tpu.memory_space<vmem>>[vector<16xi32>, vector<16xi32>], vector<16xf32>,
        %mul3A_178 = arith.constant 4 : i32
        %mul3A_179 = arith.muli %scan3A_164, %mul3A_178 : i32
        %add3A_180 = arith.constant 1 : i32
        %add3A_181 = arith.addi %mul3A_179, %add3A_180 : i32
        %mul3A_182 = arith.constant 16 : i32
        %mul3A_183 = arith.muli %add3A_181, %mul3A_182 : i32
        %get3A_184 = arith.constant 0 : i32
        %get3A_185 = arith.index_cast %get3A_184 : i32 to index
        %get3A_186 = arith.index_cast %mul3A_183 : i32 to index
        %get3A_187 = tpu.vector_load %arg10[%get3A_185, %get3A_186] {strides = array<i32>} : memref<2x8192xi32, #tpu.memory_space<vmem>>, vector<16xi32>,
        %get3A_188 = arith.constant 1 : i32
        %get3A_189 = arith.index_cast %get3A_188 : i32 to index
        %get3A_190 = arith.index_cast %mul3A_183 : i32 to index
        %get3A_191 = tpu.vector_load %arg10[%get3A_189, %get3A_190] {strides = array<i32>} : memref<2x8192xi32, #tpu.memory_space<vmem>>, vector<16xi32>,
        tpu.vector_store_idx %arg9[%get3A_191, %get3A_187], %broadcast_in_dim3A_21 {add = true} : memref<256x256xf32, #tpu.memory_space<vmem>>[vector<16xi32>, vector<16xi32>], vector<16xf32>,
        %mul3A_192 = arith.constant 4 : i32
        %mul3A_193 = arith.muli %scan3A_164, %mul3A_192 : i32
        %add3A_194 = arith.constant 2 : i32
        %add3A_195 = arith.addi %mul3A_193, %add3A_194 : i32
        %mul3A_196 = arith.constant 16 : i32
        %mul3A_197 = arith.muli %add3A_195, %mul3A_196 : i32
        %get3A_198 = arith.constant 0 : i32
        %get3A_199 = arith.index_cast %get3A_198 : i32 to index
        %get3A_200 = arith.index_cast %mul3A_197 : i32 to index
        %get3A_201 = tpu.vector_load %arg10[%get3A_199, %get3A_200] {strides = array<i32>} : memref<2x8192xi32, #tpu.memory_space<vmem>>, vector<16xi32>,
        %get3A_202 = arith.constant 1 : i32
        %get3A_203 = arith.index_cast %get3A_202 : i32 to index
        %get3A_204 = arith.index_cast %mul3A_197 : i32 to index
        %get3A_205 = tpu.vector_load %arg10[%get3A_203, %get3A_204] {strides = array<i32>} : memref<2x8192xi32, #tpu.memory_space<vmem>>, vector<16xi32>,
        tpu.vector_store_idx %arg9[%get3A_205, %get3A_201], %broadcast_in_dim3A_21 {add = true} : memref<256x256xf32, #tpu.memory_space<vmem>>[vector<16xi32>, vector<16xi32>], vector<16xf32>,
        %mul3A_206 = arith.constant 4 : i32
        %mul3A_207 = arith.muli %scan3A_164, %mul3A_206 : i32
        %add3A_208 = arith.constant 3 : i32
        %add3A_209 = arith.addi %mul3A_207, %add3A_208 : i32
        %mul3A_210 = arith.constant 16 : i32
        %mul3A_211 = arith.muli %add3A_209, %mul3A_210 : i32
        %get3A_212 = arith.constant 0 : i32
        %get3A_213 = arith.index_cast %get3A_212 : i32 to index
        %get3A_214 = arith.index_cast %mul3A_211 : i32 to index
        %get3A_215 = tpu.vector_load %arg10[%get3A_213, %get3A_214] {strides = array<i32>} : memref<2x8192xi32, #tpu.memory_space<vmem>>, vector<16xi32>,
        %get3A_216 = arith.constant 1 : i32
        %get3A_217 = arith.index_cast %get3A_216 : i32 to index
        %get3A_218 = arith.index_cast %mul3A_211 : i32 to index
        %get3A_219 = tpu.vector_load %arg10[%get3A_217, %get3A_218] {strides = array<i32>} : memref<2x8192xi32, #tpu.memory_space<vmem>>, vector<16xi32>,
        tpu.vector_store_idx %arg9[%get3A_219, %get3A_215], %broadcast_in_dim3A_21 {add = true} : memref<256x256xf32, #tpu.memory_space<vmem>>[vector<16xi32>, vector<16xi32>], vector<16xf32>,
      }
      %scan3A_34 = arith.constant 128 : i32
      %dma_start3A_35 = arith.constant 0 : i32
      %dma_start3A_36 = arith.constant 0 : i32
      %dma_start3A_37 = tpu.memref_slice %arg6[%add3A, %dma_start3A_35, %dma_start3A_36] : memref<8x256x256xf32, #tpu.memory_space<hbm>> -> memref<1x256x256xf32, #tpu.memory_space<hbm>>
      %dma_start3A_38 = tpu.memref_squeeze %dma_start3A_37 : memref<1x256x256xf32, #tpu.memory_space<hbm>> -> memref<256x256xf32, #tpu.memory_space<hbm>>
      %dma_start3A_39 = arith.constant 0 : i32
      %dma_start3A_40 = arith.constant 0 : i32
      %dma_start3A_41 = tpu.memref_slice %arg6[%add3A, %dma_start3A_39, %dma_start3A_40] : memref<8x256x256xf32, #tpu.memory_space<hbm>> -> memref<1x256x256xf32, #tpu.memory_space<hbm>>
      %dma_start3A_42 = tpu.memref_squeeze %dma_start3A_41 : memref<1x256x256xf32, #tpu.memory_space<hbm>> -> memref<256x256xf32, #tpu.memory_space<hbm>>
      tpu.enqueue_dma source(%arg9 : memref<256x256xf32, #tpu.memory_space<vmem>>) target(%dma_start3A_42 : memref<256x256xf32, #tpu.memory_space<hbm>>) target_semaphore(%arg14 : memref<!tpu.dma_semaphore, #tpu.memory_space<semaphore_mem>>)
      %mul3A_43 = arith.constant 32 : i32
      %mul3A_44 = arith.muli %add3A, %mul3A_43 : i32
      %add3A_45 = arith.constant 0 : i32
      %add3A_46 = arith.addi %mul3A_44, %add3A_45 : i32
      "tpu.region"() ({
        %run_scoped3A = tpu.sem_alloc : memref<!tpu.dma_semaphore, #tpu.memory_space<semaphore_mem>>
        %dma_start3A_164 = arith.constant 0 : i32
        %dma_start3A_165 = tpu.memref_slice %arg7[%dma_start3A_164] : memref<160xi32, #tpu.memory_space<vmem>> -> memref<16xi32, #tpu.memory_space<vmem>>
        %dma_start3A_166 = tpu.memref_slice %arg2[%add3A_46] : memref<4096xi32, #tpu.memory_space<hbm>> -> memref<16xi32, #tpu.memory_space<hbm>>
        %dma_start3A_167 = arith.constant 0 : i32
        %dma_start3A_168 = tpu.memref_slice %arg7[%dma_start3A_167] : memref<160xi32, #tpu.memory_space<vmem>> -> memref<16xi32, #tpu.memory_space<vmem>>
        %dma_start3A_169 = tpu.memref_slice %arg2[%add3A_46] : memref<4096xi32, #tpu.memory_space<hbm>> -> memref<16xi32, #tpu.memory_space<hbm>>
        tpu.enqueue_dma source(%dma_start3A_169 : memref<16xi32, #tpu.memory_space<hbm>>) target(%dma_start3A_168 : memref<16xi32, #tpu.memory_space<vmem>>) target_semaphore(%run_scoped3A : memref<!tpu.dma_semaphore, #tpu.memory_space<semaphore_mem>>)
        %dma_wait3A_170 = arith.constant 0 : i32
        %dma_wait3A_171 = tpu.memref_slice %arg7[%dma_wait3A_170] : memref<160xi32, #tpu.memory_space<vmem>> -> memref<16xi32, #tpu.memory_space<vmem>>
        %dma_wait3A_172 = tpu.memref_slice %arg2[%add3A_46] : memref<4096xi32, #tpu.memory_space<hbm>> -> memref<16xi32, #tpu.memory_space<hbm>>
        %dma_wait3A_173 = arith.constant 0 : i32
        %dma_wait3A_174 = tpu.memref_slice %arg7[%dma_wait3A_173] : memref<160xi32, #tpu.memory_space<vmem>> -> memref<16xi32, #tpu.memory_space<vmem>>
        %dma_wait3A_175 = tpu.memref_slice %arg2[%add3A_46] : memref<4096xi32, #tpu.memory_space<hbm>> -> memref<16xi32, #tpu.memory_space<hbm>>
        tpu.wait_dma2 semaphore(%run_scoped3A : memref<!tpu.dma_semaphore, #tpu.memory_space<semaphore_mem>>) src(%dma_wait3A_175 : memref<16xi32, #tpu.memory_space<hbm>>) dst(%dma_wait3A_174 : memref<16xi32, #tpu.memory_space<vmem>>)
        tpu.yield
      }) : () -> ()
      %dma_start3A_47 = arith.constant 0 : i32
      %dma_start3A_48 = arith.constant 0 : i32
      %dma_start3A_49 = tpu.memref_slice %arg8[%dma_start3A_47, %dma_start3A_48] : memref<48x768xf32, #tpu.memory_space<vmem>> -> memref<16x768xf32, #tpu.memory_space<vmem>>
      %dma_start3A_50 = arith.constant 0 : i32
      %dma_start3A_51 = tpu.memref_slice %arg7[%dma_start3A_50] : memref<160xi32, #tpu.memory_space<vmem>> -> memref<16xi32, #tpu.memory_space<vmem>>
      %dma_start3A_52 = arith.constant 0 : i32
      %dma_start3A_53 = arith.constant 0 : i32
      %dma_start3A_54 = tpu.memref_slice %arg4[%dma_start3A_52, %dma_start3A_53] : memref<30522x768xf32, #tpu.memory_space<hbm>> -> memref<30522x768xf32, #tpu.memory_space<hbm>>
      tpu.enqueue_indirect_dma source(%dma_start3A_54 : memref<30522x768xf32, #tpu.memory_space<hbm>>) target(%dma_start3A_49 : memref<16x768xf32, #tpu.memory_space<vmem>>) offsets(%dma_start3A_51 : memref<16xi32, #tpu.memory_space<vmem>>) semaphore(%arg12 : memref<!tpu.dma_semaphore, #tpu.memory_space<semaphore_mem>>)
      %dma_wait3A_55 = arith.constant 0 : i32
      %dma_wait3A_56 = arith.constant 0 : i32
      %dma_wait3A_57 = tpu.memref_slice %arg8[%dma_wait3A_55, %dma_wait3A_56] : memref<48x768xf32, #tpu.memory_space<vmem>> -> memref<16x768xf32, #tpu.memory_space<vmem>>
      %dma_wait3A_58 = arith.constant 0 : i32
      %dma_wait3A_59 = tpu.memref_slice %arg7[%dma_wait3A_58] : memref<160xi32, #tpu.memory_space<vmem>> -> memref<16xi32, #tpu.memory_space<vmem>>
      %dma_wait3A_60 = arith.constant 0 : i32
      %dma_wait3A_61 = arith.constant 0 : i32
      %dma_wait3A_62 = tpu.memref_slice %arg4[%dma_wait3A_60, %dma_wait3A_61] : memref<30522x768xf32, #tpu.memory_space<hbm>> -> memref<30522x768xf32, #tpu.memory_space<hbm>>
      tpu.wait_indirect_dma semaphore(%arg12 : memref<!tpu.dma_semaphore, #tpu.memory_space<semaphore_mem>>) src(%dma_wait3A_62 : memref<30522x768xf32, #tpu.memory_space<hbm>>) dst(%dma_wait3A_57 : memref<16x768xf32, #tpu.memory_space<vmem>>)
      %add3A_63 = arith.constant 0 : i32
      %add3A_64 = arith.addi %mul3A_44, %add3A_63 : i32
      %jit3A = arith.constant 512 : i32
      %div3A = arith.divsi %add3A_64, %jit3A : i32
      %sign3A = arith.constant 0 : i32
      %sign3A_65 = arith.cmpi sgt, %add3A_64, %sign3A : i32
      %sign3A_66 = arith.extui %sign3A_65 : i1 to i32
      %sign3A_67 = arith.constant 0 : i32
      %sign3A_68 = arith.cmpi slt, %add3A_64, %sign3A_67 : i32
      %sign3A_69 = arith.extui %sign3A_68 : i1 to i32
      %sign3A_70 = arith.subi %sign3A_66, %sign3A_69 : i32
      %sign3A_71 = arith.constant 0 : i32
      %sign3A_72 = arith.cmpi sgt, %jit3A, %sign3A_71 : i32
      %sign3A_73 = arith.extui %sign3A_72 : i1 to i32
      %sign3A_74 = arith.constant 0 : i32
      %sign3A_75 = arith.cmpi slt, %jit3A, %sign3A_74 : i32
      %sign3A_76 = arith.extui %sign3A_75 : i1 to i32
      %sign3A_77 = arith.subi %sign3A_73, %sign3A_76 : i32
      %ne3A = arith.cmpi ne, %sign3A_70, %sign3A_77 : i32
      %rem3A = arith.remsi %add3A_64, %jit3A : i32
      %ne3A_78 = arith.constant 0 : i32
      %ne3A_79 = arith.cmpi ne, %rem3A, %ne3A_78 : i32
      %and3A = arith.andi %ne3A, %ne3A_79 : i1
      %sub3A = arith.constant 1 : i32
      %sub3A_80 = arith.subi %div3A, %sub3A : i32
      %select_n3A = arith.select %and3A, %sub3A_80, %div3A : i32
      %jit3A_81 = arith.constant 512 : i32
      %eq3A = arith.constant 0 : i32
      %eq3A_82 = arith.cmpi eq, %jit3A_81, %eq3A : i32
      %jit3A_83 = arith.constant 1 : i32
      %select_n3A_84 = arith.select %eq3A_82, %jit3A_83, %jit3A_81 : i32
      %rem3A_85 = arith.remsi %add3A_64, %select_n3A_84 : i32
      %ne3A_86 = arith.constant 0 : i32
      %ne3A_87 = arith.cmpi ne, %rem3A_85, %ne3A_86 : i32
      %lt3A_88 = arith.constant 0 : i32
      %lt3A_89 = arith.cmpi slt, %rem3A_85, %lt3A_88 : i32
      %lt3A_90 = arith.constant 0 : i32
      %lt3A_91 = arith.cmpi slt, %select_n3A_84, %lt3A_90 : i32
      %ne3A_92 = arith.xori %lt3A_89, %lt3A_91 : i1
      %and3A_93 = arith.andi %ne3A_92, %ne3A_87 : i1
      %add3A_94 = arith.addi %rem3A_85, %select_n3A_84 : i32
      %select_n3A_95 = arith.select %and3A_93, %add3A_94, %rem3A_85 : i32
      "tpu.region"() ({
        %run_scoped3A = tpu.sem_alloc : memref<!tpu.dma_semaphore, #tpu.memory_space<semaphore_mem>>
        %dma_start3A_164 = arith.constant 0 : i32
        %dma_start3A_165 = arith.constant 0 : i32
        %dma_start3A_166 = tpu.memref_slice %arg8[%dma_start3A_164, %dma_start3A_165] : memref<48x768xf32, #tpu.memory_space<vmem>> -> memref<16x768xf32, #tpu.memory_space<vmem>>
        %dma_start3A_167 = arith.constant 0 : i32
        %dma_start3A_168 = tpu.memref_slice %arg5[%select_n3A, %select_n3A_95, %dma_start3A_167] : memref<8x512x768xf32, #tpu.memory_space<hbm>> -> memref<1x16x768xf32, #tpu.memory_space<hbm>>
        %dma_start3A_169 = tpu.memref_squeeze %dma_start3A_168 : memref<1x16x768xf32, #tpu.memory_space<hbm>> -> memref<16x768xf32, #tpu.memory_space<hbm>>
        %dma_start3A_170 = arith.constant 0 : i32
        %dma_start3A_171 = tpu.memref_slice %arg5[%select_n3A, %select_n3A_95, %dma_start3A_170] : memref<8x512x768xf32, #tpu.memory_space<hbm>> -> memref<1x16x768xf32, #tpu.memory_space<hbm>>
        %dma_start3A_172 = tpu.memref_squeeze %dma_start3A_171 : memref<1x16x768xf32, #tpu.memory_space<hbm>> -> memref<16x768xf32, #tpu.memory_space<hbm>>
        %dma_start3A_173 = arith.constant 0 : i32
        %dma_start3A_174 = arith.constant 0 : i32
        %dma_start3A_175 = tpu.memref_slice %arg8[%dma_start3A_173, %dma_start3A_174] : memref<48x768xf32, #tpu.memory_space<vmem>> -> memref<16x768xf32, #tpu.memory_space<vmem>>
        tpu.enqueue_dma source(%dma_start3A_175 : memref<16x768xf32, #tpu.memory_space<vmem>>) target(%dma_start3A_172 : memref<16x768xf32, #tpu.memory_space<hbm>>) target_semaphore(%run_scoped3A : memref<!tpu.dma_semaphore, #tpu.memory_space<semaphore_mem>>)
        %dma_wait3A_176 = arith.constant 0 : i32
        %dma_wait3A_177 = arith.constant 0 : i32
        %dma_wait3A_178 = tpu.memref_slice %arg8[%dma_wait3A_176, %dma_wait3A_177] : memref<48x768xf32, #tpu.memory_space<vmem>> -> memref<16x768xf32, #tpu.memory_space<vmem>>
        %dma_wait3A_179 = arith.constant 0 : i32
        %dma_wait3A_180 = tpu.memref_slice %arg5[%select_n3A, %select_n3A_95, %dma_wait3A_179] : memref<8x512x768xf32, #tpu.memory_space<hbm>> -> memref<1x16x768xf32, #tpu.memory_space<hbm>>
        %dma_wait3A_181 = tpu.memref_squeeze %dma_wait3A_180 : memref<1x16x768xf32, #tpu.memory_space<hbm>> -> memref<16x768xf32, #tpu.memory_space<hbm>>
        %dma_wait3A_182 = arith.constant 0 : i32
        %dma_wait3A_183 = tpu.memref_slice %arg5[%select_n3A, %select_n3A_95, %dma_wait3A_182] : memref<8x512x768xf32, #tpu.memory_space<hbm>> -> memref<1x16x768xf32, #tpu.memory_space<hbm>>
        %dma_wait3A_184 = tpu.memref_squeeze %dma_wait3A_183 : memref<1x16x768xf32, #tpu.memory_space<hbm>> -> memref<16x768xf32, #tpu.memory_space<hbm>>
        %dma_wait3A_185 = arith.constant 0 : i32
        %dma_wait3A_186 = arith.constant 0 : i32
        %dma_wait3A_187 = tpu.memref_slice %arg8[%dma_wait3A_185, %dma_wait3A_186] : memref<48x768xf32, #tpu.memory_space<vmem>> -> memref<16x768xf32, #tpu.memory_space<vmem>>
        tpu.wait_dma2 semaphore(%run_scoped3A : memref<!tpu.dma_semaphore, #tpu.memory_space<semaphore_mem>>) src(%dma_wait3A_187 : memref<16x768xf32, #tpu.memory_space<vmem>>) dst(%dma_wait3A_184 : memref<16x768xf32, #tpu.memory_space<hbm>>)
        tpu.yield
      }) : () -> ()
      %add3A_96 = arith.constant 16 : i32
      %add3A_97 = arith.addi %mul3A_44, %add3A_96 : i32
      "tpu.region"() ({
        %run_scoped3A = tpu.sem_alloc : memref<!tpu.dma_semaphore, #tpu.memory_space<semaphore_mem>>
        %dma_start3A_164 = arith.constant 0 : i32
        %dma_start3A_165 = tpu.memref_slice %arg7[%dma_start3A_164] : memref<160xi32, #tpu.memory_space<vmem>> -> memref<16xi32, #tpu.memory_space<vmem>>
        %dma_start3A_166 = tpu.memref_slice %arg2[%add3A_97] : memref<4096xi32, #tpu.memory_space<hbm>> -> memref<16xi32, #tpu.memory_space<hbm>>
        %dma_start3A_167 = arith.constant 0 : i32
        %dma_start3A_168 = tpu.memref_slice %arg7[%dma_start3A_167] : memref<160xi32, #tpu.memory_space<vmem>> -> memref<16xi32, #tpu.memory_space<vmem>>
        %dma_start3A_169 = tpu.memref_slice %arg2[%add3A_97] : memref<4096xi32, #tpu.memory_space<hbm>> -> memref<16xi32, #tpu.memory_space<hbm>>
        tpu.enqueue_dma source(%dma_start3A_169 : memref<16xi32, #tpu.memory_space<hbm>>) target(%dma_start3A_168 : memref<16xi32, #tpu.memory_space<vmem>>) target_semaphore(%run_scoped3A : memref<!tpu.dma_semaphore, #tpu.memory_space<semaphore_mem>>)
        %dma_wait3A_170 = arith.constant 0 : i32
        %dma_wait3A_171 = tpu.memref_slice %arg7[%dma_wait3A_170] : memref<160xi32, #tpu.memory_space<vmem>> -> memref<16xi32, #tpu.memory_space<vmem>>
        %dma_wait3A_172 = tpu.memref_slice %arg2[%add3A_97] : memref<4096xi32, #tpu.memory_space<hbm>> -> memref<16xi32, #tpu.memory_space<hbm>>
        %dma_wait3A_173 = arith.constant 0 : i32
        %dma_wait3A_174 = tpu.memref_slice %arg7[%dma_wait3A_173] : memref<160xi32, #tpu.memory_space<vmem>> -> memref<16xi32, #tpu.memory_space<vmem>>
        %dma_wait3A_175 = tpu.memref_slice %arg2[%add3A_97] : memref<4096xi32, #tpu.memory_space<hbm>> -> memref<16xi32, #tpu.memory_space<hbm>>
        tpu.wait_dma2 semaphore(%run_scoped3A : memref<!tpu.dma_semaphore, #tpu.memory_space<semaphore_mem>>) src(%dma_wait3A_175 : memref<16xi32, #tpu.memory_space<hbm>>) dst(%dma_wait3A_174 : memref<16xi32, #tpu.memory_space<vmem>>)
        tpu.yield
      }) : () -> ()
      %dma_start3A_98 = arith.constant 0 : i32
      %dma_start3A_99 = arith.constant 0 : i32
      %dma_start3A_100 = tpu.memref_slice %arg8[%dma_start3A_98, %dma_start3A_99] : memref<48x768xf32, #tpu.memory_space<vmem>> -> memref<16x768xf32, #tpu.memory_space<vmem>>
      %dma_start3A_101 = arith.constant 0 : i32
      %dma_start3A_102 = tpu.memref_slice %arg7[%dma_start3A_101] : memref<160xi32, #tpu.memory_space<vmem>> -> memref<16xi32, #tpu.memory_space<vmem>>
      %dma_start3A_103 = arith.constant 0 : i32
      %dma_start3A_104 = arith.constant 0 : i32
      %dma_start3A_105 = tpu.memref_slice %arg4[%dma_start3A_103, %dma_start3A_104] : memref<30522x768xf32, #tpu.memory_space<hbm>> -> memref<30522x768xf32, #tpu.memory_space<hbm>>
      tpu.enqueue_indirect_dma source(%dma_start3A_105 : memref<30522x768xf32, #tpu.memory_space<hbm>>) target(%dma_start3A_100 : memref<16x768xf32, #tpu.memory_space<vmem>>) offsets(%dma_start3A_102 : memref<16xi32, #tpu.memory_space<vmem>>) semaphore(%arg12 : memref<!tpu.dma_semaphore, #tpu.memory_space<semaphore_mem>>)
      %dma_wait3A_106 = arith.constant 0 : i32
      %dma_wait3A_107 = arith.constant 0 : i32
      %dma_wait3A_108 = tpu.memref_slice %arg8[%dma_wait3A_106, %dma_wait3A_107] : memref<48x768xf32, #tpu.memory_space<vmem>> -> memref<16x768xf32, #tpu.memory_space<vmem>>
      %dma_wait3A_109 = arith.constant 0 : i32
      %dma_wait3A_110 = tpu.memref_slice %arg7[%dma_wait3A_109] : memref<160xi32, #tpu.memory_space<vmem>> -> memref<16xi32, #tpu.memory_space<vmem>>
      %dma_wait3A_111 = arith.constant 0 : i32
      %dma_wait3A_112 = arith.constant 0 : i32
      %dma_wait3A_113 = tpu.memref_slice %arg4[%dma_wait3A_111, %dma_wait3A_112] : memref<30522x768xf32, #tpu.memory_space<hbm>> -> memref<30522x768xf32, #tpu.memory_space<hbm>>
      tpu.wait_indirect_dma semaphore(%arg12 : memref<!tpu.dma_semaphore, #tpu.memory_space<semaphore_mem>>) src(%dma_wait3A_113 : memref<30522x768xf32, #tpu.memory_space<hbm>>) dst(%dma_wait3A_108 : memref<16x768xf32, #tpu.memory_space<vmem>>)
      %add3A_114 = arith.constant 16 : i32
      %add3A_115 = arith.addi %mul3A_44, %add3A_114 : i32
      %jit3A_116 = arith.constant 512 : i32
      %div3A_117 = arith.divsi %add3A_115, %jit3A_116 : i32
      %sign3A_118 = arith.constant 0 : i32
      %sign3A_119 = arith.cmpi sgt, %add3A_115, %sign3A_118 : i32
      %sign3A_120 = arith.extui %sign3A_119 : i1 to i32
      %sign3A_121 = arith.constant 0 : i32
      %sign3A_122 = arith.cmpi slt, %add3A_115, %sign3A_121 : i32
      %sign3A_123 = arith.extui %sign3A_122 : i1 to i32
      %sign3A_124 = arith.subi %sign3A_120, %sign3A_123 : i32
      %sign3A_125 = arith.constant 0 : i32
      %sign3A_126 = arith.cmpi sgt, %jit3A_116, %sign3A_125 : i32
      %sign3A_127 = arith.extui %sign3A_126 : i1 to i32
      %sign3A_128 = arith.constant 0 : i32
      %sign3A_129 = arith.cmpi slt, %jit3A_116, %sign3A_128 : i32
      %sign3A_130 = arith.extui %sign3A_129 : i1 to i32
      %sign3A_131 = arith.subi %sign3A_127, %sign3A_130 : i32
      %ne3A_132 = arith.cmpi ne, %sign3A_124, %sign3A_131 : i32
      %rem3A_133 = arith.remsi %add3A_115, %jit3A_116 : i32
      %ne3A_134 = arith.constant 0 : i32
      %ne3A_135 = arith.cmpi ne, %rem3A_133, %ne3A_134 : i32
      %and3A_136 = arith.andi %ne3A_132, %ne3A_135 : i1
      %sub3A_137 = arith.constant 1 : i32
      %sub3A_138 = arith.subi %div3A_117, %sub3A_137 : i32
      %select_n3A_139 = arith.select %and3A_136, %sub3A_138, %div3A_117 : i32
      %jit3A_140 = arith.constant 512 : i32
      %eq3A_141 = arith.constant 0 : i32
      %eq3A_142 = arith.cmpi eq, %jit3A_140, %eq3A_141 : i32
      %jit3A_143 = arith.constant 1 : i32
      %select_n3A_144 = arith.select %eq3A_142, %jit3A_143, %jit3A_140 : i32
      %rem3A_145 = arith.remsi %add3A_115, %select_n3A_144 : i32
      %ne3A_146 = arith.constant 0 : i32
      %ne3A_147 = arith.cmpi ne, %rem3A_145, %ne3A_146 : i32
      %lt3A_148 = arith.constant 0 : i32
      %lt3A_149 = arith.cmpi slt, %rem3A_145, %lt3A_148 : i32
      %lt3A_150 = arith.constant 0 : i32
      %lt3A_151 = arith.cmpi slt, %select_n3A_144, %lt3A_150 : i32
      %ne3A_152 = arith.xori %lt3A_149, %lt3A_151 : i1
      %and3A_153 = arith.andi %ne3A_152, %ne3A_147 : i1
      %add3A_154 = arith.addi %rem3A_145, %select_n3A_144 : i32
      %select_n3A_155 = arith.select %and3A_153, %add3A_154, %rem3A_145 : i32
      "tpu.region"() ({
        %run_scoped3A = tpu.sem_alloc : memref<!tpu.dma_semaphore, #tpu.memory_space<semaphore_mem>>
        %dma_start3A_164 = arith.constant 0 : i32
        %dma_start3A_165 = arith.constant 0 : i32
        %dma_start3A_166 = tpu.memref_slice %arg8[%dma_start3A_164, %dma_start3A_165] : memref<48x768xf32, #tpu.memory_space<vmem>> -> memref<16x768xf32, #tpu.memory_space<vmem>>
        %dma_start3A_167 = arith.constant 0 : i32
        %dma_start3A_168 = tpu.memref_slice %arg5[%select_n3A_139, %select_n3A_155, %dma_start3A_167] : memref<8x512x768xf32, #tpu.memory_space<hbm>> -> memref<1x16x768xf32, #tpu.memory_space<hbm>>
        %dma_start3A_169 = tpu.memref_squeeze %dma_start3A_168 : memref<1x16x768xf32, #tpu.memory_space<hbm>> -> memref<16x768xf32, #tpu.memory_space<hbm>>
        %dma_start3A_170 = arith.constant 0 : i32
        %dma_start3A_171 = tpu.memref_slice %arg5[%select_n3A_139, %select_n3A_155, %dma_start3A_170] : memref<8x512x768xf32, #tpu.memory_space<hbm>> -> memref<1x16x768xf32, #tpu.memory_space<hbm>>
        %dma_start3A_172 = tpu.memref_squeeze %dma_start3A_171 : memref<1x16x768xf32, #tpu.memory_space<hbm>> -> memref<16x768xf32, #tpu.memory_space<hbm>>
        %dma_start3A_173 = arith.constant 0 : i32
        %dma_start3A_174 = arith.constant 0 : i32
        %dma_start3A_175 = tpu.memref_slice %arg8[%dma_start3A_173, %dma_start3A_174] : memref<48x768xf32, #tpu.memory_space<vmem>> -> memref<16x768xf32, #tpu.memory_space<vmem>>
        tpu.enqueue_dma source(%dma_start3A_175 : memref<16x768xf32, #tpu.memory_space<vmem>>) target(%dma_start3A_172 : memref<16x768xf32, #tpu.memory_space<hbm>>) target_semaphore(%run_scoped3A : memref<!tpu.dma_semaphore, #tpu.memory_space<semaphore_mem>>)
        %dma_wait3A_176 = arith.constant 0 : i32
        %dma_wait3A_177 = arith.constant 0 : i32
        %dma_wait3A_178 = tpu.memref_slice %arg8[%dma_wait3A_176, %dma_wait3A_177] : memref<48x768xf32, #tpu.memory_space<vmem>> -> memref<16x768xf32, #tpu.memory_space<vmem>>
        %dma_wait3A_179 = arith.constant 0 : i32
        %dma_wait3A_180 = tpu.memref_slice %arg5[%select_n3A_139, %select_n3A_155, %dma_wait3A_179] : memref<8x512x768xf32, #tpu.memory_space<hbm>> -> memref<1x16x768xf32, #tpu.memory_space<hbm>>
        %dma_wait3A_181 = tpu.memref_squeeze %dma_wait3A_180 : memref<1x16x768xf32, #tpu.memory_space<hbm>> -> memref<16x768xf32, #tpu.memory_space<hbm>>
        %dma_wait3A_182 = arith.constant 0 : i32
        %dma_wait3A_183 = tpu.memref_slice %arg5[%select_n3A_139, %select_n3A_155, %dma_wait3A_182] : memref<8x512x768xf32, #tpu.memory_space<hbm>> -> memref<1x16x768xf32, #tpu.memory_space<hbm>>
        %dma_wait3A_184 = tpu.memref_squeeze %dma_wait3A_183 : memref<1x16x768xf32, #tpu.memory_space<hbm>> -> memref<16x768xf32, #tpu.memory_space<hbm>>
        %dma_wait3A_185 = arith.constant 0 : i32
        %dma_wait3A_186 = arith.constant 0 : i32
        %dma_wait3A_187 = tpu.memref_slice %arg8[%dma_wait3A_185, %dma_wait3A_186] : memref<48x768xf32, #tpu.memory_space<vmem>> -> memref<16x768xf32, #tpu.memory_space<vmem>>
        tpu.wait_dma2 semaphore(%run_scoped3A : memref<!tpu.dma_semaphore, #tpu.memory_space<semaphore_mem>>) src(%dma_wait3A_187 : memref<16x768xf32, #tpu.memory_space<vmem>>) dst(%dma_wait3A_184 : memref<16x768xf32, #tpu.memory_space<hbm>>)
        tpu.yield
      }) : () -> ()
      %dma_wait3A_156 = arith.constant 0 : i32
      %dma_wait3A_157 = arith.constant 0 : i32
      %dma_wait3A_158 = tpu.memref_slice %arg6[%add3A, %dma_wait3A_156, %dma_wait3A_157] : memref<8x256x256xf32, #tpu.memory_space<hbm>> -> memref<1x256x256xf32, #tpu.memory_space<hbm>>
      %dma_wait3A_159 = tpu.memref_squeeze %dma_wait3A_158 : memref<1x256x256xf32, #tpu.memory_space<hbm>> -> memref<256x256xf32, #tpu.memory_space<hbm>>
      %dma_wait3A_160 = arith.constant 0 : i32
      %dma_wait3A_161 = arith.constant 0 : i32
      %dma_wait3A_162 = tpu.memref_slice %arg6[%add3A, %dma_wait3A_160, %dma_wait3A_161] : memref<8x256x256xf32, #tpu.memory_space<hbm>> -> memref<1x256x256xf32, #tpu.memory_space<hbm>>
      %dma_wait3A_163 = tpu.memref_squeeze %dma_wait3A_162 : memref<1x256x256xf32, #tpu.memory_space<hbm>> -> memref<256x256xf32, #tpu.memory_space<hbm>>
      tpu.wait_dma2 semaphore(%arg14 : memref<!tpu.dma_semaphore, #tpu.memory_space<semaphore_mem>>) src(%arg9 : memref<256x256xf32, #tpu.memory_space<vmem>>) dst(%dma_wait3A_163 : memref<256x256xf32, #tpu.memory_space<hbm>>)
    } else {
    }
    %ge3A = arith.constant 8 : i32
    %ge3A_3 = arith.cmpi sge, %add3A, %ge3A : i32
    %convert_element_type3A_4 = arith.extui %ge3A_3 : i1 to i32
    %cond3A_5 = arith.constant 0 : i32
    %cond3A_6 = arith.cmpi ne, %convert_element_type3A_4, %cond3A_5 : i32
    scf.if %cond3A_6 {
      %sub3A = arith.constant 8 : i32
      %sub3A_7 = arith.subi %add3A, %sub3A : i32
      %mul3A_8 = arith.constant 160 : i32
      %mul3A_9 = arith.muli %sub3A_7, %mul3A_8 : i32
      %add3A_10 = arith.constant 256 : i32
      %add3A_11 = arith.addi %add3A_10, %mul3A_9 : i32
      "tpu.region"() ({
        %run_scoped3A = tpu.sem_alloc : memref<!tpu.dma_semaphore, #tpu.memory_space<semaphore_mem>>
        %dma_start3A_822 = tpu.memref_slice %arg2[%add3A_11] : memref<4096xi32, #tpu.memory_space<hbm>> -> memref<160xi32, #tpu.memory_space<hbm>>
        %dma_start3A_823 = tpu.memref_slice %arg2[%add3A_11] : memref<4096xi32, #tpu.memory_space<hbm>> -> memref<160xi32, #tpu.memory_space<hbm>>
        tpu.enqueue_dma source(%dma_start3A_823 : memref<160xi32, #tpu.memory_space<hbm>>) target(%arg7 : memref<160xi32, #tpu.memory_space<vmem>>) target_semaphore(%run_scoped3A : memref<!tpu.dma_semaphore, #tpu.memory_space<semaphore_mem>>)
        %dma_wait3A_824 = tpu.memref_slice %arg2[%add3A_11] : memref<4096xi32, #tpu.memory_space<hbm>> -> memref<160xi32, #tpu.memory_space<hbm>>
        %dma_wait3A_825 = tpu.memref_slice %arg2[%add3A_11] : memref<4096xi32, #tpu.memory_space<hbm>> -> memref<160xi32, #tpu.memory_space<hbm>>
        tpu.wait_dma2 semaphore(%run_scoped3A : memref<!tpu.dma_semaphore, #tpu.memory_space<semaphore_mem>>) src(%dma_wait3A_825 : memref<160xi32, #tpu.memory_space<hbm>>) dst(%arg7 : memref<160xi32, #tpu.memory_space<vmem>>)
        tpu.yield
      }) : () -> ()
      %dma_start3A = arith.constant 0 : i32
      %dma_start3A_12 = arith.constant 0 : i32
      %dma_start3A_13 = tpu.memref_slice %arg8[%dma_start3A, %dma_start3A_12] : memref<48x768xf32, #tpu.memory_space<vmem>> -> memref<16x768xf32, #tpu.memory_space<vmem>>
      %dma_start3A_14 = arith.constant 0 : i32
      %dma_start3A_15 = tpu.memref_slice %arg7[%dma_start3A_14] : memref<160xi32, #tpu.memory_space<vmem>> -> memref<16xi32, #tpu.memory_space<vmem>>
      %dma_start3A_16 = arith.constant 0 : i32
      %dma_start3A_17 = arith.constant 0 : i32
      %dma_start3A_18 = tpu.memref_slice %arg4[%dma_start3A_16, %dma_start3A_17] : memref<30522x768xf32, #tpu.memory_space<hbm>> -> memref<30522x768xf32, #tpu.memory_space<hbm>>
      tpu.enqueue_indirect_dma source(%dma_start3A_18 : memref<30522x768xf32, #tpu.memory_space<hbm>>) target(%dma_start3A_13 : memref<16x768xf32, #tpu.memory_space<vmem>>) offsets(%dma_start3A_15 : memref<16xi32, #tpu.memory_space<vmem>>) semaphore(%arg12 : memref<!tpu.dma_semaphore, #tpu.memory_space<semaphore_mem>>)
      %dma_start3A_19 = arith.constant 16 : i32
      %dma_start3A_20 = arith.constant 0 : i32
      %dma_start3A_21 = tpu.memref_slice %arg8[%dma_start3A_19, %dma_start3A_20] : memref<48x768xf32, #tpu.memory_space<vmem>> -> memref<16x768xf32, #tpu.memory_space<vmem>>
      %dma_start3A_22 = arith.constant 16 : i32
      %dma_start3A_23 = tpu.memref_slice %arg7[%dma_start3A_22] : memref<160xi32, #tpu.memory_space<vmem>> -> memref<16xi32, #tpu.memory_space<vmem>>
      %dma_start3A_24 = arith.constant 0 : i32
      %dma_start3A_25 = arith.constant 0 : i32
      %dma_start3A_26 = tpu.memref_slice %arg4[%dma_start3A_24, %dma_start3A_25] : memref<30522x768xf32, #tpu.memory_space<hbm>> -> memref<30522x768xf32, #tpu.memory_space<hbm>>
      tpu.enqueue_indirect_dma source(%dma_start3A_26 : memref<30522x768xf32, #tpu.memory_space<hbm>>) target(%dma_start3A_21 : memref<16x768xf32, #tpu.memory_space<vmem>>) offsets(%dma_start3A_23 : memref<16xi32, #tpu.memory_space<vmem>>) semaphore(%arg12 : memref<!tpu.dma_semaphore, #tpu.memory_space<semaphore_mem>>)
      %dma_wait3A = arith.constant 0 : i32
      %dma_wait3A_27 = arith.constant 0 : i32
      %dma_wait3A_28 = tpu.memref_slice %arg8[%dma_wait3A, %dma_wait3A_27] : memref<48x768xf32, #tpu.memory_space<vmem>> -> memref<16x768xf32, #tpu.memory_space<vmem>>
      %dma_wait3A_29 = arith.constant 0 : i32
      %dma_wait3A_30 = tpu.memref_slice %arg7[%dma_wait3A_29] : memref<160xi32, #tpu.memory_space<vmem>> -> memref<16xi32, #tpu.memory_space<vmem>>
      %dma_wait3A_31 = arith.constant 0 : i32
      %dma_wait3A_32 = arith.constant 0 : i32
      %dma_wait3A_33 = tpu.memref_slice %arg4[%dma_wait3A_31, %dma_wait3A_32] : memref<30522x768xf32, #tpu.memory_space<hbm>> -> memref<30522x768xf32, #tpu.memory_space<hbm>>
      tpu.wait_indirect_dma semaphore(%arg12 : memref<!tpu.dma_semaphore, #tpu.memory_space<semaphore_mem>>) src(%dma_wait3A_33 : memref<30522x768xf32, #tpu.memory_space<hbm>>) dst(%dma_wait3A_28 : memref<16x768xf32, #tpu.memory_space<vmem>>)
      %dma_start3A_34 = arith.constant 32 : i32
      %dma_start3A_35 = arith.constant 0 : i32
      %dma_start3A_36 = tpu.memref_slice %arg8[%dma_start3A_34, %dma_start3A_35] : memref<48x768xf32, #tpu.memory_space<vmem>> -> memref<16x768xf32, #tpu.memory_space<vmem>>
      %dma_start3A_37 = arith.constant 32 : i32
      %dma_start3A_38 = tpu.memref_slice %arg7[%dma_start3A_37] : memref<160xi32, #tpu.memory_space<vmem>> -> memref<16xi32, #tpu.memory_space<vmem>>
      %dma_start3A_39 = arith.constant 0 : i32
      %dma_start3A_40 = arith.constant 0 : i32
      %dma_start3A_41 = tpu.memref_slice %arg4[%dma_start3A_39, %dma_start3A_40] : memref<30522x768xf32, #tpu.memory_space<hbm>> -> memref<30522x768xf32, #tpu.memory_space<hbm>>
      tpu.enqueue_indirect_dma source(%dma_start3A_41 : memref<30522x768xf32, #tpu.memory_space<hbm>>) target(%dma_start3A_36 : memref<16x768xf32, #tpu.memory_space<vmem>>) offsets(%dma_start3A_38 : memref<16xi32, #tpu.memory_space<vmem>>) semaphore(%arg12 : memref<!tpu.dma_semaphore, #tpu.memory_space<semaphore_mem>>)
      %add3A_42 = arith.constant 0 : i32
      %add3A_43 = arith.addi %add3A_11, %add3A_42 : i32
      %jit3A = arith.constant 512 : i32
      %div3A = arith.divsi %add3A_43, %jit3A : i32
      %sign3A = arith.constant 0 : i32
      %sign3A_44 = arith.cmpi sgt, %add3A_43, %sign3A : i32
      %sign3A_45 = arith.extui %sign3A_44 : i1 to i32
      %sign3A_46 = arith.constant 0 : i32
      %sign3A_47 = arith.cmpi slt, %add3A_43, %sign3A_46 : i32
      %sign3A_48 = arith.extui %sign3A_47 : i1 to i32
      %sign3A_49 = arith.subi %sign3A_45, %sign3A_48 : i32
      %sign3A_50 = arith.constant 0 : i32
      %sign3A_51 = arith.cmpi sgt, %jit3A, %sign3A_50 : i32
      %sign3A_52 = arith.extui %sign3A_51 : i1 to i32
      %sign3A_53 = arith.constant 0 : i32
      %sign3A_54 = arith.cmpi slt, %jit3A, %sign3A_53 : i32
      %sign3A_55 = arith.extui %sign3A_54 : i1 to i32
      %sign3A_56 = arith.subi %sign3A_52, %sign3A_55 : i32
      %ne3A = arith.cmpi ne, %sign3A_49, %sign3A_56 : i32
      %rem3A = arith.remsi %add3A_43, %jit3A : i32
      %ne3A_57 = arith.constant 0 : i32
      %ne3A_58 = arith.cmpi ne, %rem3A, %ne3A_57 : i32
      %and3A = arith.andi %ne3A, %ne3A_58 : i1
      %sub3A_59 = arith.constant 1 : i32
      %sub3A_60 = arith.subi %div3A, %sub3A_59 : i32
      %select_n3A = arith.select %and3A, %sub3A_60, %div3A : i32
      %jit3A_61 = arith.constant 512 : i32
      %eq3A = arith.constant 0 : i32
      %eq3A_62 = arith.cmpi eq, %jit3A_61, %eq3A : i32
      %jit3A_63 = arith.constant 1 : i32
      %select_n3A_64 = arith.select %eq3A_62, %jit3A_63, %jit3A_61 : i32
      %rem3A_65 = arith.remsi %add3A_43, %select_n3A_64 : i32
      %ne3A_66 = arith.constant 0 : i32
      %ne3A_67 = arith.cmpi ne, %rem3A_65, %ne3A_66 : i32
      %lt3A_68 = arith.constant 0 : i32
      %lt3A_69 = arith.cmpi slt, %rem3A_65, %lt3A_68 : i32
      %lt3A_70 = arith.constant 0 : i32
      %lt3A_71 = arith.cmpi slt, %select_n3A_64, %lt3A_70 : i32
      %ne3A_72 = arith.xori %lt3A_69, %lt3A_71 : i1
      %and3A_73 = arith.andi %ne3A_72, %ne3A_67 : i1
      %add3A_74 = arith.addi %rem3A_65, %select_n3A_64 : i32
      %select_n3A_75 = arith.select %and3A_73, %add3A_74, %rem3A_65 : i32
      %dma_start3A_76 = arith.constant 0 : i32
      %dma_start3A_77 = arith.constant 0 : i32
      %dma_start3A_78 = tpu.memref_slice %arg8[%dma_start3A_76, %dma_start3A_77] : memref<48x768xf32, #tpu.memory_space<vmem>> -> memref<16x768xf32, #tpu.memory_space<vmem>>
      %dma_start3A_79 = arith.constant 0 : i32
      %dma_start3A_80 = tpu.memref_slice %arg5[%select_n3A, %select_n3A_75, %dma_start3A_79] : memref<8x512x768xf32, #tpu.memory_space<hbm>> -> memref<1x16x768xf32, #tpu.memory_space<hbm>>
      %dma_start3A_81 = tpu.memref_squeeze %dma_start3A_80 : memref<1x16x768xf32, #tpu.memory_space<hbm>> -> memref<16x768xf32, #tpu.memory_space<hbm>>
      %dma_start3A_82 = arith.constant 0 : i32
      %dma_start3A_83 = tpu.memref_slice %arg5[%select_n3A, %select_n3A_75, %dma_start3A_82] : memref<8x512x768xf32, #tpu.memory_space<hbm>> -> memref<1x16x768xf32, #tpu.memory_space<hbm>>
      %dma_start3A_84 = tpu.memref_squeeze %dma_start3A_83 : memref<1x16x768xf32, #tpu.memory_space<hbm>> -> memref<16x768xf32, #tpu.memory_space<hbm>>
      %dma_start3A_85 = arith.constant 0 : i32
      %dma_start3A_86 = arith.constant 0 : i32
      %dma_start3A_87 = tpu.memref_slice %arg8[%dma_start3A_85, %dma_start3A_86] : memref<48x768xf32, #tpu.memory_space<vmem>> -> memref<16x768xf32, #tpu.memory_space<vmem>>
      tpu.enqueue_dma source(%dma_start3A_87 : memref<16x768xf32, #tpu.memory_space<vmem>>) target(%dma_start3A_84 : memref<16x768xf32, #tpu.memory_space<hbm>>) target_semaphore(%arg13 : memref<!tpu.dma_semaphore, #tpu.memory_space<semaphore_mem>>)
      %dma_wait3A_88 = arith.constant 16 : i32
      %dma_wait3A_89 = arith.constant 0 : i32
      %dma_wait3A_90 = tpu.memref_slice %arg8[%dma_wait3A_88, %dma_wait3A_89] : memref<48x768xf32, #tpu.memory_space<vmem>> -> memref<16x768xf32, #tpu.memory_space<vmem>>
      %dma_wait3A_91 = arith.constant 16 : i32
      %dma_wait3A_92 = tpu.memref_slice %arg7[%dma_wait3A_91] : memref<160xi32, #tpu.memory_space<vmem>> -> memref<16xi32, #tpu.memory_space<vmem>>
      %dma_wait3A_93 = arith.constant 0 : i32
      %dma_wait3A_94 = arith.constant 0 : i32
      %dma_wait3A_95 = tpu.memref_slice %arg4[%dma_wait3A_93, %dma_wait3A_94] : memref<30522x768xf32, #tpu.memory_space<hbm>> -> memref<30522x768xf32, #tpu.memory_space<hbm>>
      tpu.wait_indirect_dma semaphore(%arg12 : memref<!tpu.dma_semaphore, #tpu.memory_space<semaphore_mem>>) src(%dma_wait3A_95 : memref<30522x768xf32, #tpu.memory_space<hbm>>) dst(%dma_wait3A_90 : memref<16x768xf32, #tpu.memory_space<vmem>>)
      %dma_wait3A_96 = arith.constant 0 : i32
      %dma_wait3A_97 = arith.constant 0 : i32
      %dma_wait3A_98 = tpu.memref_slice %arg8[%dma_wait3A_96, %dma_wait3A_97] : memref<48x768xf32, #tpu.memory_space<vmem>> -> memref<16x768xf32, #tpu.memory_space<vmem>>
      %dma_wait3A_99 = arith.constant 0 : i32
      %dma_wait3A_100 = tpu.memref_slice %arg5[%select_n3A, %select_n3A_75, %dma_wait3A_99] : memref<8x512x768xf32, #tpu.memory_space<hbm>> -> memref<1x16x768xf32, #tpu.memory_space<hbm>>
      %dma_wait3A_101 = tpu.memref_squeeze %dma_wait3A_100 : memref<1x16x768xf32, #tpu.memory_space<hbm>> -> memref<16x768xf32, #tpu.memory_space<hbm>>
      %dma_wait3A_102 = arith.constant 0 : i32
      %dma_wait3A_103 = tpu.memref_slice %arg5[%select_n3A, %select_n3A_75, %dma_wait3A_102] : memref<8x512x768xf32, #tpu.memory_space<hbm>> -> memref<1x16x768xf32, #tpu.memory_space<hbm>>
      %dma_wait3A_104 = tpu.memref_squeeze %dma_wait3A_103 : memref<1x16x768xf32, #tpu.memory_space<hbm>> -> memref<16x768xf32, #tpu.memory_space<hbm>>
      %dma_wait3A_105 = arith.constant 0 : i32
      %dma_wait3A_106 = arith.constant 0 : i32
      %dma_wait3A_107 = tpu.memref_slice %arg8[%dma_wait3A_105, %dma_wait3A_106] : memref<48x768xf32, #tpu.memory_space<vmem>> -> memref<16x768xf32, #tpu.memory_space<vmem>>
      tpu.wait_dma2 semaphore(%arg13 : memref<!tpu.dma_semaphore, #tpu.memory_space<semaphore_mem>>) src(%dma_wait3A_107 : memref<16x768xf32, #tpu.memory_space<vmem>>) dst(%dma_wait3A_104 : memref<16x768xf32, #tpu.memory_space<hbm>>)
      %dma_start3A_108 = arith.constant 0 : i32
      %dma_start3A_109 = arith.constant 0 : i32
      %dma_start3A_110 = tpu.memref_slice %arg8[%dma_start3A_108, %dma_start3A_109] : memref<48x768xf32, #tpu.memory_space<vmem>> -> memref<16x768xf32, #tpu.memory_space<vmem>>
      %dma_start3A_111 = arith.constant 48 : i32
      %dma_start3A_112 = tpu.memref_slice %arg7[%dma_start3A_111] : memref<160xi32, #tpu.memory_space<vmem>> -> memref<16xi32, #tpu.memory_space<vmem>>
      %dma_start3A_113 = arith.constant 0 : i32
      %dma_start3A_114 = arith.constant 0 : i32
      %dma_start3A_115 = tpu.memref_slice %arg4[%dma_start3A_113, %dma_start3A_114] : memref<30522x768xf32, #tpu.memory_space<hbm>> -> memref<30522x768xf32, #tpu.memory_space<hbm>>
      tpu.enqueue_indirect_dma source(%dma_start3A_115 : memref<30522x768xf32, #tpu.memory_space<hbm>>) target(%dma_start3A_110 : memref<16x768xf32, #tpu.memory_space<vmem>>) offsets(%dma_start3A_112 : memref<16xi32, #tpu.memory_space<vmem>>) semaphore(%arg12 : memref<!tpu.dma_semaphore, #tpu.memory_space<semaphore_mem>>)
      %add3A_116 = arith.constant 16 : i32
      %add3A_117 = arith.addi %add3A_11, %add3A_116 : i32
      %jit3A_118 = arith.constant 512 : i32
      %div3A_119 = arith.divsi %add3A_117, %jit3A_118 : i32
      %sign3A_120 = arith.constant 0 : i32
      %sign3A_121 = arith.cmpi sgt, %add3A_117, %sign3A_120 : i32
      %sign3A_122 = arith.extui %sign3A_121 : i1 to i32
      %sign3A_123 = arith.constant 0 : i32
      %sign3A_124 = arith.cmpi slt, %add3A_117, %sign3A_123 : i32
      %sign3A_125 = arith.extui %sign3A_124 : i1 to i32
      %sign3A_126 = arith.subi %sign3A_122, %sign3A_125 : i32
      %sign3A_127 = arith.constant 0 : i32
      %sign3A_128 = arith.cmpi sgt, %jit3A_118, %sign3A_127 : i32
      %sign3A_129 = arith.extui %sign3A_128 : i1 to i32
      %sign3A_130 = arith.constant 0 : i32
      %sign3A_131 = arith.cmpi slt, %jit3A_118, %sign3A_130 : i32
      %sign3A_132 = arith.extui %sign3A_131 : i1 to i32
      %sign3A_133 = arith.subi %sign3A_129, %sign3A_132 : i32
      %ne3A_134 = arith.cmpi ne, %sign3A_126, %sign3A_133 : i32
      %rem3A_135 = arith.remsi %add3A_117, %jit3A_118 : i32
      %ne3A_136 = arith.constant 0 : i32
      %ne3A_137 = arith.cmpi ne, %rem3A_135, %ne3A_136 : i32
      %and3A_138 = arith.andi %ne3A_134, %ne3A_137 : i1
      %sub3A_139 = arith.constant 1 : i32
      %sub3A_140 = arith.subi %div3A_119, %sub3A_139 : i32
      %select_n3A_141 = arith.select %and3A_138, %sub3A_140, %div3A_119 : i32
      %jit3A_142 = arith.constant 512 : i32
      %eq3A_143 = arith.constant 0 : i32
      %eq3A_144 = arith.cmpi eq, %jit3A_142, %eq3A_143 : i32
      %jit3A_145 = arith.constant 1 : i32
      %select_n3A_146 = arith.select %eq3A_144, %jit3A_145, %jit3A_142 : i32
      %rem3A_147 = arith.remsi %add3A_117, %select_n3A_146 : i32
      %ne3A_148 = arith.constant 0 : i32
      %ne3A_149 = arith.cmpi ne, %rem3A_147, %ne3A_148 : i32
      %lt3A_150 = arith.constant 0 : i32
      %lt3A_151 = arith.cmpi slt, %rem3A_147, %lt3A_150 : i32
      %lt3A_152 = arith.constant 0 : i32
      %lt3A_153 = arith.cmpi slt, %select_n3A_146, %lt3A_152 : i32
      %ne3A_154 = arith.xori %lt3A_151, %lt3A_153 : i1
      %and3A_155 = arith.andi %ne3A_154, %ne3A_149 : i1
      %add3A_156 = arith.addi %rem3A_147, %select_n3A_146 : i32
      %select_n3A_157 = arith.select %and3A_155, %add3A_156, %rem3A_147 : i32
      %dma_start3A_158 = arith.constant 16 : i32
      %dma_start3A_159 = arith.constant 0 : i32
      %dma_start3A_160 = tpu.memref_slice %arg8[%dma_start3A_158, %dma_start3A_159] : memref<48x768xf32, #tpu.memory_space<vmem>> -> memref<16x768xf32, #tpu.memory_space<vmem>>
      %dma_start3A_161 = arith.constant 0 : i32
      %dma_start3A_162 = tpu.memref_slice %arg5[%select_n3A_141, %select_n3A_157, %dma_start3A_161] : memref<8x512x768xf32, #tpu.memory_space<hbm>> -> memref<1x16x768xf32, #tpu.memory_space<hbm>>
      %dma_start3A_163 = tpu.memref_squeeze %dma_start3A_162 : memref<1x16x768xf32, #tpu.memory_space<hbm>> -> memref<16x768xf32, #tpu.memory_space<hbm>>
      %dma_start3A_164 = arith.constant 0 : i32
      %dma_start3A_165 = tpu.memref_slice %arg5[%select_n3A_141, %select_n3A_157, %dma_start3A_164] : memref<8x512x768xf32, #tpu.memory_space<hbm>> -> memref<1x16x768xf32, #tpu.memory_space<hbm>>
      %dma_start3A_166 = tpu.memref_squeeze %dma_start3A_165 : memref<1x16x768xf32, #tpu.memory_space<hbm>> -> memref<16x768xf32, #tpu.memory_space<hbm>>
      %dma_start3A_167 = arith.constant 16 : i32
      %dma_start3A_168 = arith.constant 0 : i32
      %dma_start3A_169 = tpu.memref_slice %arg8[%dma_start3A_167, %dma_start3A_168] : memref<48x768xf32, #tpu.memory_space<vmem>> -> memref<16x768xf32, #tpu.memory_space<vmem>>
      tpu.enqueue_dma source(%dma_start3A_169 : memref<16x768xf32, #tpu.memory_space<vmem>>) target(%dma_start3A_166 : memref<16x768xf32, #tpu.memory_space<hbm>>) target_semaphore(%arg14 : memref<!tpu.dma_semaphore, #tpu.memory_space<semaphore_mem>>)
      %dma_wait3A_170 = arith.constant 32 : i32
      %dma_wait3A_171 = arith.constant 0 : i32
      %dma_wait3A_172 = tpu.memref_slice %arg8[%dma_wait3A_170, %dma_wait3A_171] : memref<48x768xf32, #tpu.memory_space<vmem>> -> memref<16x768xf32, #tpu.memory_space<vmem>>
      %dma_wait3A_173 = arith.constant 32 : i32
      %dma_wait3A_174 = tpu.memref_slice %arg7[%dma_wait3A_173] : memref<160xi32, #tpu.memory_space<vmem>> -> memref<16xi32, #tpu.memory_space<vmem>>
      %dma_wait3A_175 = arith.constant 0 : i32
      %dma_wait3A_176 = arith.constant 0 : i32
      %dma_wait3A_177 = tpu.memref_slice %arg4[%dma_wait3A_175, %dma_wait3A_176] : memref<30522x768xf32, #tpu.memory_space<hbm>> -> memref<30522x768xf32, #tpu.memory_space<hbm>>
      tpu.wait_indirect_dma semaphore(%arg12 : memref<!tpu.dma_semaphore, #tpu.memory_space<semaphore_mem>>) src(%dma_wait3A_177 : memref<30522x768xf32, #tpu.memory_space<hbm>>) dst(%dma_wait3A_172 : memref<16x768xf32, #tpu.memory_space<vmem>>)
      %dma_wait3A_178 = arith.constant 16 : i32
      %dma_wait3A_179 = arith.constant 0 : i32
      %dma_wait3A_180 = tpu.memref_slice %arg8[%dma_wait3A_178, %dma_wait3A_179] : memref<48x768xf32, #tpu.memory_space<vmem>> -> memref<16x768xf32, #tpu.memory_space<vmem>>
      %dma_wait3A_181 = arith.constant 0 : i32
      %dma_wait3A_182 = tpu.memref_slice %arg5[%select_n3A_141, %select_n3A_157, %dma_wait3A_181] : memref<8x512x768xf32, #tpu.memory_space<hbm>> -> memref<1x16x768xf32, #tpu.memory_space<hbm>>
      %dma_wait3A_183 = tpu.memref_squeeze %dma_wait3A_182 : memref<1x16x768xf32, #tpu.memory_space<hbm>> -> memref<16x768xf32, #tpu.memory_space<hbm>>
      %dma_wait3A_184 = arith.constant 0 : i32
      %dma_wait3A_185 = tpu.memref_slice %arg5[%select_n3A_141, %select_n3A_157, %dma_wait3A_184] : memref<8x512x768xf32, #tpu.memory_space<hbm>> -> memref<1x16x768xf32, #tpu.memory_space<hbm>>
      %dma_wait3A_186 = tpu.memref_squeeze %dma_wait3A_185 : memref<1x16x768xf32, #tpu.memory_space<hbm>> -> memref<16x768xf32, #tpu.memory_space<hbm>>
      %dma_wait3A_187 = arith.constant 16 : i32
      %dma_wait3A_188 = arith.constant 0 : i32
      %dma_wait3A_189 = tpu.memref_slice %arg8[%dma_wait3A_187, %dma_wait3A_188] : memref<48x768xf32, #tpu.memory_space<vmem>> -> memref<16x768xf32, #tpu.memory_space<vmem>>
      tpu.wait_dma2 semaphore(%arg14 : memref<!tpu.dma_semaphore, #tpu.memory_space<semaphore_mem>>) src(%dma_wait3A_189 : memref<16x768xf32, #tpu.memory_space<vmem>>) dst(%dma_wait3A_186 : memref<16x768xf32, #tpu.memory_space<hbm>>)
      %dma_start3A_190 = arith.constant 16 : i32
      %dma_start3A_191 = arith.constant 0 : i32
      %dma_start3A_192 = tpu.memref_slice %arg8[%dma_start3A_190, %dma_start3A_191] : memref<48x768xf32, #tpu.memory_space<vmem>> -> memref<16x768xf32, #tpu.memory_space<vmem>>
      %dma_start3A_193 = arith.constant 64 : i32
      %dma_start3A_194 = tpu.memref_slice %arg7[%dma_start3A_193] : memref<160xi32, #tpu.memory_space<vmem>> -> memref<16xi32, #tpu.memory_space<vmem>>
      %dma_start3A_195 = arith.constant 0 : i32
      %dma_start3A_196 = arith.constant 0 : i32
      %dma_start3A_197 = tpu.memref_slice %arg4[%dma_start3A_195, %dma_start3A_196] : memref<30522x768xf32, #tpu.memory_space<hbm>> -> memref<30522x768xf32, #tpu.memory_space<hbm>>
      tpu.enqueue_indirect_dma source(%dma_start3A_197 : memref<30522x768xf32, #tpu.memory_space<hbm>>) target(%dma_start3A_192 : memref<16x768xf32, #tpu.memory_space<vmem>>) offsets(%dma_start3A_194 : memref<16xi32, #tpu.memory_space<vmem>>) semaphore(%arg12 : memref<!tpu.dma_semaphore, #tpu.memory_space<semaphore_mem>>)
      %add3A_198 = arith.constant 32 : i32
      %add3A_199 = arith.addi %add3A_11, %add3A_198 : i32
      %jit3A_200 = arith.constant 512 : i32
      %div3A_201 = arith.divsi %add3A_199, %jit3A_200 : i32
      %sign3A_202 = arith.constant 0 : i32
      %sign3A_203 = arith.cmpi sgt, %add3A_199, %sign3A_202 : i32
      %sign3A_204 = arith.extui %sign3A_203 : i1 to i32
      %sign3A_205 = arith.constant 0 : i32
      %sign3A_206 = arith.cmpi slt, %add3A_199, %sign3A_205 : i32
      %sign3A_207 = arith.extui %sign3A_206 : i1 to i32
      %sign3A_208 = arith.subi %sign3A_204, %sign3A_207 : i32
      %sign3A_209 = arith.constant 0 : i32
      %sign3A_210 = arith.cmpi sgt, %jit3A_200, %sign3A_209 : i32
      %sign3A_211 = arith.extui %sign3A_210 : i1 to i32
      %sign3A_212 = arith.constant 0 : i32
      %sign3A_213 = arith.cmpi slt, %jit3A_200, %sign3A_212 : i32
      %sign3A_214 = arith.extui %sign3A_213 : i1 to i32
      %sign3A_215 = arith.subi %sign3A_211, %sign3A_214 : i32
      %ne3A_216 = arith.cmpi ne, %sign3A_208, %sign3A_215 : i32
      %rem3A_217 = arith.remsi %add3A_199, %jit3A_200 : i32
      %ne3A_218 = arith.constant 0 : i32
      %ne3A_219 = arith.cmpi ne, %rem3A_217, %ne3A_218 : i32
      %and3A_220 = arith.andi %ne3A_216, %ne3A_219 : i1
      %sub3A_221 = arith.constant 1 : i32
      %sub3A_222 = arith.subi %div3A_201, %sub3A_221 : i32
      %select_n3A_223 = arith.select %and3A_220, %sub3A_222, %div3A_201 : i32
      %jit3A_224 = arith.constant 512 : i32
      %eq3A_225 = arith.constant 0 : i32
      %eq3A_226 = arith.cmpi eq, %jit3A_224, %eq3A_225 : i32
      %jit3A_227 = arith.constant 1 : i32
      %select_n3A_228 = arith.select %eq3A_226, %jit3A_227, %jit3A_224 : i32
      %rem3A_229 = arith.remsi %add3A_199, %select_n3A_228 : i32
      %ne3A_230 = arith.constant 0 : i32
      %ne3A_231 = arith.cmpi ne, %rem3A_229, %ne3A_230 : i32
      %lt3A_232 = arith.constant 0 : i32
      %lt3A_233 = arith.cmpi slt, %rem3A_229, %lt3A_232 : i32
      %lt3A_234 = arith.constant 0 : i32
      %lt3A_235 = arith.cmpi slt, %select_n3A_228, %lt3A_234 : i32
      %ne3A_236 = arith.xori %lt3A_233, %lt3A_235 : i1
      %and3A_237 = arith.andi %ne3A_236, %ne3A_231 : i1
      %add3A_238 = arith.addi %rem3A_229, %select_n3A_228 : i32
      %select_n3A_239 = arith.select %and3A_237, %add3A_238, %rem3A_229 : i32
      %dma_start3A_240 = arith.constant 32 : i32
      %dma_start3A_241 = arith.constant 0 : i32
      %dma_start3A_242 = tpu.memref_slice %arg8[%dma_start3A_240, %dma_start3A_241] : memref<48x768xf32, #tpu.memory_space<vmem>> -> memref<16x768xf32, #tpu.memory_space<vmem>>
      %dma_start3A_243 = arith.constant 0 : i32
      %dma_start3A_244 = tpu.memref_slice %arg5[%select_n3A_223, %select_n3A_239, %dma_start3A_243] : memref<8x512x768xf32, #tpu.memory_space<hbm>> -> memref<1x16x768xf32, #tpu.memory_space<hbm>>
      %dma_start3A_245 = tpu.memref_squeeze %dma_start3A_244 : memref<1x16x768xf32, #tpu.memory_space<hbm>> -> memref<16x768xf32, #tpu.memory_space<hbm>>
      %dma_start3A_246 = arith.constant 0 : i32
      %dma_start3A_247 = tpu.memref_slice %arg5[%select_n3A_223, %select_n3A_239, %dma_start3A_246] : memref<8x512x768xf32, #tpu.memory_space<hbm>> -> memref<1x16x768xf32, #tpu.memory_space<hbm>>
      %dma_start3A_248 = tpu.memref_squeeze %dma_start3A_247 : memref<1x16x768xf32, #tpu.memory_space<hbm>> -> memref<16x768xf32, #tpu.memory_space<hbm>>
      %dma_start3A_249 = arith.constant 32 : i32
      %dma_start3A_250 = arith.constant 0 : i32
      %dma_start3A_251 = tpu.memref_slice %arg8[%dma_start3A_249, %dma_start3A_250] : memref<48x768xf32, #tpu.memory_space<vmem>> -> memref<16x768xf32, #tpu.memory_space<vmem>>
      tpu.enqueue_dma source(%dma_start3A_251 : memref<16x768xf32, #tpu.memory_space<vmem>>) target(%dma_start3A_248 : memref<16x768xf32, #tpu.memory_space<hbm>>) target_semaphore(%arg15 : memref<!tpu.dma_semaphore, #tpu.memory_space<semaphore_mem>>)
      %dma_wait3A_252 = arith.constant 0 : i32
      %dma_wait3A_253 = arith.constant 0 : i32
      %dma_wait3A_254 = tpu.memref_slice %arg8[%dma_wait3A_252, %dma_wait3A_253] : memref<48x768xf32, #tpu.memory_space<vmem>> -> memref<16x768xf32, #tpu.memory_space<vmem>>
      %dma_wait3A_255 = arith.constant 48 : i32
      %dma_wait3A_256 = tpu.memref_slice %arg7[%dma_wait3A_255] : memref<160xi32, #tpu.memory_space<vmem>> -> memref<16xi32, #tpu.memory_space<vmem>>
      %dma_wait3A_257 = arith.constant 0 : i32
      %dma_wait3A_258 = arith.constant 0 : i32
      %dma_wait3A_259 = tpu.memref_slice %arg4[%dma_wait3A_257, %dma_wait3A_258] : memref<30522x768xf32, #tpu.memory_space<hbm>> -> memref<30522x768xf32, #tpu.memory_space<hbm>>
      tpu.wait_indirect_dma semaphore(%arg12 : memref<!tpu.dma_semaphore, #tpu.memory_space<semaphore_mem>>) src(%dma_wait3A_259 : memref<30522x768xf32, #tpu.memory_space<hbm>>) dst(%dma_wait3A_254 : memref<16x768xf32, #tpu.memory_space<vmem>>)
      %dma_wait3A_260 = arith.constant 32 : i32
      %dma_wait3A_261 = arith.constant 0 : i32
      %dma_wait3A_262 = tpu.memref_slice %arg8[%dma_wait3A_260, %dma_wait3A_261] : memref<48x768xf32, #tpu.memory_space<vmem>> -> memref<16x768xf32, #tpu.memory_space<vmem>>
      %dma_wait3A_263 = arith.constant 0 : i32
      %dma_wait3A_264 = tpu.memref_slice %arg5[%select_n3A_223, %select_n3A_239, %dma_wait3A_263] : memref<8x512x768xf32, #tpu.memory_space<hbm>> -> memref<1x16x768xf32, #tpu.memory_space<hbm>>
      %dma_wait3A_265 = tpu.memref_squeeze %dma_wait3A_264 : memref<1x16x768xf32, #tpu.memory_space<hbm>> -> memref<16x768xf32, #tpu.memory_space<hbm>>
      %dma_wait3A_266 = arith.constant 0 : i32
      %dma_wait3A_267 = tpu.memref_slice %arg5[%select_n3A_223, %select_n3A_239, %dma_wait3A_266] : memref<8x512x768xf32, #tpu.memory_space<hbm>> -> memref<1x16x768xf32, #tpu.memory_space<hbm>>
      %dma_wait3A_268 = tpu.memref_squeeze %dma_wait3A_267 : memref<1x16x768xf32, #tpu.memory_space<hbm>> -> memref<16x768xf32, #tpu.memory_space<hbm>>
      %dma_wait3A_269 = arith.constant 32 : i32
      %dma_wait3A_270 = arith.constant 0 : i32
      %dma_wait3A_271 = tpu.memref_slice %arg8[%dma_wait3A_269, %dma_wait3A_270] : memref<48x768xf32, #tpu.memory_space<vmem>> -> memref<16x768xf32, #tpu.memory_space<vmem>>
      tpu.wait_dma2 semaphore(%arg15 : memref<!tpu.dma_semaphore, #tpu.memory_space<semaphore_mem>>) src(%dma_wait3A_271 : memref<16x768xf32, #tpu.memory_space<vmem>>) dst(%dma_wait3A_268 : memref<16x768xf32, #tpu.memory_space<hbm>>)
      %dma_start3A_272 = arith.constant 32 : i32
      %dma_start3A_273 = arith.constant 0 : i32
      %dma_start3A_274 = tpu.memref_slice %arg8[%dma_start3A_272, %dma_start3A_273] : memref<48x768xf32, #tpu.memory_space<vmem>> -> memref<16x768xf32, #tpu.memory_space<vmem>>
      %dma_start3A_275 = arith.constant 80 : i32
      %dma_start3A_276 = tpu.memref_slice %arg7[%dma_start3A_275] : memref<160xi32, #tpu.memory_space<vmem>> -> memref<16xi32, #tpu.memory_space<vmem>>
      %dma_start3A_277 = arith.constant 0 : i32
      %dma_start3A_278 = arith.constant 0 : i32
      %dma_start3A_279 = tpu.memref_slice %arg4[%dma_start3A_277, %dma_start3A_278] : memref<30522x768xf32, #tpu.memory_space<hbm>> -> memref<30522x768xf32, #tpu.memory_space<hbm>>
      tpu.enqueue_indirect_dma source(%dma_start3A_279 : memref<30522x768xf32, #tpu.memory_space<hbm>>) target(%dma_start3A_274 : memref<16x768xf32, #tpu.memory_space<vmem>>) offsets(%dma_start3A_276 : memref<16xi32, #tpu.memory_space<vmem>>) semaphore(%arg12 : memref<!tpu.dma_semaphore, #tpu.memory_space<semaphore_mem>>)
      %add3A_280 = arith.constant 48 : i32
      %add3A_281 = arith.addi %add3A_11, %add3A_280 : i32
      %jit3A_282 = arith.constant 512 : i32
      %div3A_283 = arith.divsi %add3A_281, %jit3A_282 : i32
      %sign3A_284 = arith.constant 0 : i32
      %sign3A_285 = arith.cmpi sgt, %add3A_281, %sign3A_284 : i32
      %sign3A_286 = arith.extui %sign3A_285 : i1 to i32
      %sign3A_287 = arith.constant 0 : i32
      %sign3A_288 = arith.cmpi slt, %add3A_281, %sign3A_287 : i32
      %sign3A_289 = arith.extui %sign3A_288 : i1 to i32
      %sign3A_290 = arith.subi %sign3A_286, %sign3A_289 : i32
      %sign3A_291 = arith.constant 0 : i32
      %sign3A_292 = arith.cmpi sgt, %jit3A_282, %sign3A_291 : i32
      %sign3A_293 = arith.extui %sign3A_292 : i1 to i32
      %sign3A_294 = arith.constant 0 : i32
      %sign3A_295 = arith.cmpi slt, %jit3A_282, %sign3A_294 : i32
      %sign3A_296 = arith.extui %sign3A_295 : i1 to i32
      %sign3A_297 = arith.subi %sign3A_293, %sign3A_296 : i32
      %ne3A_298 = arith.cmpi ne, %sign3A_290, %sign3A_297 : i32
      %rem3A_299 = arith.remsi %add3A_281, %jit3A_282 : i32
      %ne3A_300 = arith.constant 0 : i32
      %ne3A_301 = arith.cmpi ne, %rem3A_299, %ne3A_300 : i32
      %and3A_302 = arith.andi %ne3A_298, %ne3A_301 : i1
      %sub3A_303 = arith.constant 1 : i32
      %sub3A_304 = arith.subi %div3A_283, %sub3A_303 : i32
      %select_n3A_305 = arith.select %and3A_302, %sub3A_304, %div3A_283 : i32
      %jit3A_306 = arith.constant 512 : i32
      %eq3A_307 = arith.constant 0 : i32
      %eq3A_308 = arith.cmpi eq, %jit3A_306, %eq3A_307 : i32
      %jit3A_309 = arith.constant 1 : i32
      %select_n3A_310 = arith.select %eq3A_308, %jit3A_309, %jit3A_306 : i32
      %rem3A_311 = arith.remsi %add3A_281, %select_n3A_310 : i32
      %ne3A_312 = arith.constant 0 : i32
      %ne3A_313 = arith.cmpi ne, %rem3A_311, %ne3A_312 : i32
      %lt3A_314 = arith.constant 0 : i32
      %lt3A_315 = arith.cmpi slt, %rem3A_311, %lt3A_314 : i32
      %lt3A_316 = arith.constant 0 : i32
      %lt3A_317 = arith.cmpi slt, %select_n3A_310, %lt3A_316 : i32
      %ne3A_318 = arith.xori %lt3A_315, %lt3A_317 : i1
      %and3A_319 = arith.andi %ne3A_318, %ne3A_313 : i1
      %add3A_320 = arith.addi %rem3A_311, %select_n3A_310 : i32
      %select_n3A_321 = arith.select %and3A_319, %add3A_320, %rem3A_311 : i32
      %dma_start3A_322 = arith.constant 0 : i32
      %dma_start3A_323 = arith.constant 0 : i32
      %dma_start3A_324 = tpu.memref_slice %arg8[%dma_start3A_322, %dma_start3A_323] : memref<48x768xf32, #tpu.memory_space<vmem>> -> memref<16x768xf32, #tpu.memory_space<vmem>>
      %dma_start3A_325 = arith.constant 0 : i32
      %dma_start3A_326 = tpu.memref_slice %arg5[%select_n3A_305, %select_n3A_321, %dma_start3A_325] : memref<8x512x768xf32, #tpu.memory_space<hbm>> -> memref<1x16x768xf32, #tpu.memory_space<hbm>>
      %dma_start3A_327 = tpu.memref_squeeze %dma_start3A_326 : memref<1x16x768xf32, #tpu.memory_space<hbm>> -> memref<16x768xf32, #tpu.memory_space<hbm>>
      %dma_start3A_328 = arith.constant 0 : i32
      %dma_start3A_329 = tpu.memref_slice %arg5[%select_n3A_305, %select_n3A_321, %dma_start3A_328] : memref<8x512x768xf32, #tpu.memory_space<hbm>> -> memref<1x16x768xf32, #tpu.memory_space<hbm>>
      %dma_start3A_330 = tpu.memref_squeeze %dma_start3A_329 : memref<1x16x768xf32, #tpu.memory_space<hbm>> -> memref<16x768xf32, #tpu.memory_space<hbm>>
      %dma_start3A_331 = arith.constant 0 : i32
      %dma_start3A_332 = arith.constant 0 : i32
      %dma_start3A_333 = tpu.memref_slice %arg8[%dma_start3A_331, %dma_start3A_332] : memref<48x768xf32, #tpu.memory_space<vmem>> -> memref<16x768xf32, #tpu.memory_space<vmem>>
      tpu.enqueue_dma source(%dma_start3A_333 : memref<16x768xf32, #tpu.memory_space<vmem>>) target(%dma_start3A_330 : memref<16x768xf32, #tpu.memory_space<hbm>>) target_semaphore(%arg13 : memref<!tpu.dma_semaphore, #tpu.memory_space<semaphore_mem>>)
      %dma_wait3A_334 = arith.constant 16 : i32
      %dma_wait3A_335 = arith.constant 0 : i32
      %dma_wait3A_336 = tpu.memref_slice %arg8[%dma_wait3A_334, %dma_wait3A_335] : memref<48x768xf32, #tpu.memory_space<vmem>> -> memref<16x768xf32, #tpu.memory_space<vmem>>
      %dma_wait3A_337 = arith.constant 64 : i32
      %dma_wait3A_338 = tpu.memref_slice %arg7[%dma_wait3A_337] : memref<160xi32, #tpu.memory_space<vmem>> -> memref<16xi32, #tpu.memory_space<vmem>>
      %dma_wait3A_339 = arith.constant 0 : i32
      %dma_wait3A_340 = arith.constant 0 : i32
      %dma_wait3A_341 = tpu.memref_slice %arg4[%dma_wait3A_339, %dma_wait3A_340] : memref<30522x768xf32, #tpu.memory_space<hbm>> -> memref<30522x768xf32, #tpu.memory_space<hbm>>
      tpu.wait_indirect_dma semaphore(%arg12 : memref<!tpu.dma_semaphore, #tpu.memory_space<semaphore_mem>>) src(%dma_wait3A_341 : memref<30522x768xf32, #tpu.memory_space<hbm>>) dst(%dma_wait3A_336 : memref<16x768xf32, #tpu.memory_space<vmem>>)
      %dma_wait3A_342 = arith.constant 0 : i32
      %dma_wait3A_343 = arith.constant 0 : i32
      %dma_wait3A_344 = tpu.memref_slice %arg8[%dma_wait3A_342, %dma_wait3A_343] : memref<48x768xf32, #tpu.memory_space<vmem>> -> memref<16x768xf32, #tpu.memory_space<vmem>>
      %dma_wait3A_345 = arith.constant 0 : i32
      %dma_wait3A_346 = tpu.memref_slice %arg5[%select_n3A_305, %select_n3A_321, %dma_wait3A_345] : memref<8x512x768xf32, #tpu.memory_space<hbm>> -> memref<1x16x768xf32, #tpu.memory_space<hbm>>
      %dma_wait3A_347 = tpu.memref_squeeze %dma_wait3A_346 : memref<1x16x768xf32, #tpu.memory_space<hbm>> -> memref<16x768xf32, #tpu.memory_space<hbm>>
      %dma_wait3A_348 = arith.constant 0 : i32
      %dma_wait3A_349 = tpu.memref_slice %arg5[%select_n3A_305, %select_n3A_321, %dma_wait3A_348] : memref<8x512x768xf32, #tpu.memory_space<hbm>> -> memref<1x16x768xf32, #tpu.memory_space<hbm>>
      %dma_wait3A_350 = tpu.memref_squeeze %dma_wait3A_349 : memref<1x16x768xf32, #tpu.memory_space<hbm>> -> memref<16x768xf32, #tpu.memory_space<hbm>>
      %dma_wait3A_351 = arith.constant 0 : i32
      %dma_wait3A_352 = arith.constant 0 : i32
      %dma_wait3A_353 = tpu.memref_slice %arg8[%dma_wait3A_351, %dma_wait3A_352] : memref<48x768xf32, #tpu.memory_space<vmem>> -> memref<16x768xf32, #tpu.memory_space<vmem>>
      tpu.wait_dma2 semaphore(%arg13 : memref<!tpu.dma_semaphore, #tpu.memory_space<semaphore_mem>>) src(%dma_wait3A_353 : memref<16x768xf32, #tpu.memory_space<vmem>>) dst(%dma_wait3A_350 : memref<16x768xf32, #tpu.memory_space<hbm>>)
      %dma_start3A_354 = arith.constant 0 : i32
      %dma_start3A_355 = arith.constant 0 : i32
      %dma_start3A_356 = tpu.memref_slice %arg8[%dma_start3A_354, %dma_start3A_355] : memref<48x768xf32, #tpu.memory_space<vmem>> -> memref<16x768xf32, #tpu.memory_space<vmem>>
      %dma_start3A_357 = arith.constant 96 : i32
      %dma_start3A_358 = tpu.memref_slice %arg7[%dma_start3A_357] : memref<160xi32, #tpu.memory_space<vmem>> -> memref<16xi32, #tpu.memory_space<vmem>>
      %dma_start3A_359 = arith.constant 0 : i32
      %dma_start3A_360 = arith.constant 0 : i32
      %dma_start3A_361 = tpu.memref_slice %arg4[%dma_start3A_359, %dma_start3A_360] : memref<30522x768xf32, #tpu.memory_space<hbm>> -> memref<30522x768xf32, #tpu.memory_space<hbm>>
      tpu.enqueue_indirect_dma source(%dma_start3A_361 : memref<30522x768xf32, #tpu.memory_space<hbm>>) target(%dma_start3A_356 : memref<16x768xf32, #tpu.memory_space<vmem>>) offsets(%dma_start3A_358 : memref<16xi32, #tpu.memory_space<vmem>>) semaphore(%arg12 : memref<!tpu.dma_semaphore, #tpu.memory_space<semaphore_mem>>)
      %add3A_362 = arith.constant 64 : i32
      %add3A_363 = arith.addi %add3A_11, %add3A_362 : i32
      %jit3A_364 = arith.constant 512 : i32
      %div3A_365 = arith.divsi %add3A_363, %jit3A_364 : i32
      %sign3A_366 = arith.constant 0 : i32
      %sign3A_367 = arith.cmpi sgt, %add3A_363, %sign3A_366 : i32
      %sign3A_368 = arith.extui %sign3A_367 : i1 to i32
      %sign3A_369 = arith.constant 0 : i32
      %sign3A_370 = arith.cmpi slt, %add3A_363, %sign3A_369 : i32
      %sign3A_371 = arith.extui %sign3A_370 : i1 to i32
      %sign3A_372 = arith.subi %sign3A_368, %sign3A_371 : i32
      %sign3A_373 = arith.constant 0 : i32
      %sign3A_374 = arith.cmpi sgt, %jit3A_364, %sign3A_373 : i32
      %sign3A_375 = arith.extui %sign3A_374 : i1 to i32
      %sign3A_376 = arith.constant 0 : i32
      %sign3A_377 = arith.cmpi slt, %jit3A_364, %sign3A_376 : i32
      %sign3A_378 = arith.extui %sign3A_377 : i1 to i32
      %sign3A_379 = arith.subi %sign3A_375, %sign3A_378 : i32
      %ne3A_380 = arith.cmpi ne, %sign3A_372, %sign3A_379 : i32
      %rem3A_381 = arith.remsi %add3A_363, %jit3A_364 : i32
      %ne3A_382 = arith.constant 0 : i32
      %ne3A_383 = arith.cmpi ne, %rem3A_381, %ne3A_382 : i32
      %and3A_384 = arith.andi %ne3A_380, %ne3A_383 : i1
      %sub3A_385 = arith.constant 1 : i32
      %sub3A_386 = arith.subi %div3A_365, %sub3A_385 : i32
      %select_n3A_387 = arith.select %and3A_384, %sub3A_386, %div3A_365 : i32
      %jit3A_388 = arith.constant 512 : i32
      %eq3A_389 = arith.constant 0 : i32
      %eq3A_390 = arith.cmpi eq, %jit3A_388, %eq3A_389 : i32
      %jit3A_391 = arith.constant 1 : i32
      %select_n3A_392 = arith.select %eq3A_390, %jit3A_391, %jit3A_388 : i32
      %rem3A_393 = arith.remsi %add3A_363, %select_n3A_392 : i32
      %ne3A_394 = arith.constant 0 : i32
      %ne3A_395 = arith.cmpi ne, %rem3A_393, %ne3A_394 : i32
      %lt3A_396 = arith.constant 0 : i32
      %lt3A_397 = arith.cmpi slt, %rem3A_393, %lt3A_396 : i32
      %lt3A_398 = arith.constant 0 : i32
      %lt3A_399 = arith.cmpi slt, %select_n3A_392, %lt3A_398 : i32
      %ne3A_400 = arith.xori %lt3A_397, %lt3A_399 : i1
      %and3A_401 = arith.andi %ne3A_400, %ne3A_395 : i1
      %add3A_402 = arith.addi %rem3A_393, %select_n3A_392 : i32
      %select_n3A_403 = arith.select %and3A_401, %add3A_402, %rem3A_393 : i32
      %dma_start3A_404 = arith.constant 16 : i32
      %dma_start3A_405 = arith.constant 0 : i32
      %dma_start3A_406 = tpu.memref_slice %arg8[%dma_start3A_404, %dma_start3A_405] : memref<48x768xf32, #tpu.memory_space<vmem>> -> memref<16x768xf32, #tpu.memory_space<vmem>>
      %dma_start3A_407 = arith.constant 0 : i32
      %dma_start3A_408 = tpu.memref_slice %arg5[%select_n3A_387, %select_n3A_403, %dma_start3A_407] : memref<8x512x768xf32, #tpu.memory_space<hbm>> -> memref<1x16x768xf32, #tpu.memory_space<hbm>>
      %dma_start3A_409 = tpu.memref_squeeze %dma_start3A_408 : memref<1x16x768xf32, #tpu.memory_space<hbm>> -> memref<16x768xf32, #tpu.memory_space<hbm>>
      %dma_start3A_410 = arith.constant 0 : i32
      %dma_start3A_411 = tpu.memref_slice %arg5[%select_n3A_387, %select_n3A_403, %dma_start3A_410] : memref<8x512x768xf32, #tpu.memory_space<hbm>> -> memref<1x16x768xf32, #tpu.memory_space<hbm>>
      %dma_start3A_412 = tpu.memref_squeeze %dma_start3A_411 : memref<1x16x768xf32, #tpu.memory_space<hbm>> -> memref<16x768xf32, #tpu.memory_space<hbm>>
      %dma_start3A_413 = arith.constant 16 : i32
      %dma_start3A_414 = arith.constant 0 : i32
      %dma_start3A_415 = tpu.memref_slice %arg8[%dma_start3A_413, %dma_start3A_414] : memref<48x768xf32, #tpu.memory_space<vmem>> -> memref<16x768xf32, #tpu.memory_space<vmem>>
      tpu.enqueue_dma source(%dma_start3A_415 : memref<16x768xf32, #tpu.memory_space<vmem>>) target(%dma_start3A_412 : memref<16x768xf32, #tpu.memory_space<hbm>>) target_semaphore(%arg14 : memref<!tpu.dma_semaphore, #tpu.memory_space<semaphore_mem>>)
      %dma_wait3A_416 = arith.constant 32 : i32
      %dma_wait3A_417 = arith.constant 0 : i32
      %dma_wait3A_418 = tpu.memref_slice %arg8[%dma_wait3A_416, %dma_wait3A_417] : memref<48x768xf32, #tpu.memory_space<vmem>> -> memref<16x768xf32, #tpu.memory_space<vmem>>
      %dma_wait3A_419 = arith.constant 80 : i32
      %dma_wait3A_420 = tpu.memref_slice %arg7[%dma_wait3A_419] : memref<160xi32, #tpu.memory_space<vmem>> -> memref<16xi32, #tpu.memory_space<vmem>>
      %dma_wait3A_421 = arith.constant 0 : i32
      %dma_wait3A_422 = arith.constant 0 : i32
      %dma_wait3A_423 = tpu.memref_slice %arg4[%dma_wait3A_421, %dma_wait3A_422] : memref<30522x768xf32, #tpu.memory_space<hbm>> -> memref<30522x768xf32, #tpu.memory_space<hbm>>
      tpu.wait_indirect_dma semaphore(%arg12 : memref<!tpu.dma_semaphore, #tpu.memory_space<semaphore_mem>>) src(%dma_wait3A_423 : memref<30522x768xf32, #tpu.memory_space<hbm>>) dst(%dma_wait3A_418 : memref<16x768xf32, #tpu.memory_space<vmem>>)
      %dma_wait3A_424 = arith.constant 16 : i32
      %dma_wait3A_425 = arith.constant 0 : i32
      %dma_wait3A_426 = tpu.memref_slice %arg8[%dma_wait3A_424, %dma_wait3A_425] : memref<48x768xf32, #tpu.memory_space<vmem>> -> memref<16x768xf32, #tpu.memory_space<vmem>>
      %dma_wait3A_427 = arith.constant 0 : i32
      %dma_wait3A_428 = tpu.memref_slice %arg5[%select_n3A_387, %select_n3A_403, %dma_wait3A_427] : memref<8x512x768xf32, #tpu.memory_space<hbm>> -> memref<1x16x768xf32, #tpu.memory_space<hbm>>
      %dma_wait3A_429 = tpu.memref_squeeze %dma_wait3A_428 : memref<1x16x768xf32, #tpu.memory_space<hbm>> -> memref<16x768xf32, #tpu.memory_space<hbm>>
      %dma_wait3A_430 = arith.constant 0 : i32
      %dma_wait3A_431 = tpu.memref_slice %arg5[%select_n3A_387, %select_n3A_403, %dma_wait3A_430] : memref<8x512x768xf32, #tpu.memory_space<hbm>> -> memref<1x16x768xf32, #tpu.memory_space<hbm>>
      %dma_wait3A_432 = tpu.memref_squeeze %dma_wait3A_431 : memref<1x16x768xf32, #tpu.memory_space<hbm>> -> memref<16x768xf32, #tpu.memory_space<hbm>>
      %dma_wait3A_433 = arith.constant 16 : i32
      %dma_wait3A_434 = arith.constant 0 : i32
      %dma_wait3A_435 = tpu.memref_slice %arg8[%dma_wait3A_433, %dma_wait3A_434] : memref<48x768xf32, #tpu.memory_space<vmem>> -> memref<16x768xf32, #tpu.memory_space<vmem>>
      tpu.wait_dma2 semaphore(%arg14 : memref<!tpu.dma_semaphore, #tpu.memory_space<semaphore_mem>>) src(%dma_wait3A_435 : memref<16x768xf32, #tpu.memory_space<vmem>>) dst(%dma_wait3A_432 : memref<16x768xf32, #tpu.memory_space<hbm>>)
      %dma_start3A_436 = arith.constant 16 : i32
      %dma_start3A_437 = arith.constant 0 : i32
      %dma_start3A_438 = tpu.memref_slice %arg8[%dma_start3A_436, %dma_start3A_437] : memref<48x768xf32, #tpu.memory_space<vmem>> -> memref<16x768xf32, #tpu.memory_space<vmem>>
      %dma_start3A_439 = arith.constant 112 : i32
      %dma_start3A_440 = tpu.memref_slice %arg7[%dma_start3A_439] : memref<160xi32, #tpu.memory_space<vmem>> -> memref<16xi32, #tpu.memory_space<vmem>>
      %dma_start3A_441 = arith.constant 0 : i32
      %dma_start3A_442 = arith.constant 0 : i32
      %dma_start3A_443 = tpu.memref_slice %arg4[%dma_start3A_441, %dma_start3A_442] : memref<30522x768xf32, #tpu.memory_space<hbm>> -> memref<30522x768xf32, #tpu.memory_space<hbm>>
      tpu.enqueue_indirect_dma source(%dma_start3A_443 : memref<30522x768xf32, #tpu.memory_space<hbm>>) target(%dma_start3A_438 : memref<16x768xf32, #tpu.memory_space<vmem>>) offsets(%dma_start3A_440 : memref<16xi32, #tpu.memory_space<vmem>>) semaphore(%arg12 : memref<!tpu.dma_semaphore, #tpu.memory_space<semaphore_mem>>)
      %add3A_444 = arith.constant 80 : i32
      %add3A_445 = arith.addi %add3A_11, %add3A_444 : i32
      %jit3A_446 = arith.constant 512 : i32
      %div3A_447 = arith.divsi %add3A_445, %jit3A_446 : i32
      %sign3A_448 = arith.constant 0 : i32
      %sign3A_449 = arith.cmpi sgt, %add3A_445, %sign3A_448 : i32
      %sign3A_450 = arith.extui %sign3A_449 : i1 to i32
      %sign3A_451 = arith.constant 0 : i32
      %sign3A_452 = arith.cmpi slt, %add3A_445, %sign3A_451 : i32
      %sign3A_453 = arith.extui %sign3A_452 : i1 to i32
      %sign3A_454 = arith.subi %sign3A_450, %sign3A_453 : i32
      %sign3A_455 = arith.constant 0 : i32
      %sign3A_456 = arith.cmpi sgt, %jit3A_446, %sign3A_455 : i32
      %sign3A_457 = arith.extui %sign3A_456 : i1 to i32
      %sign3A_458 = arith.constant 0 : i32
      %sign3A_459 = arith.cmpi slt, %jit3A_446, %sign3A_458 : i32
      %sign3A_460 = arith.extui %sign3A_459 : i1 to i32
      %sign3A_461 = arith.subi %sign3A_457, %sign3A_460 : i32
      %ne3A_462 = arith.cmpi ne, %sign3A_454, %sign3A_461 : i32
      %rem3A_463 = arith.remsi %add3A_445, %jit3A_446 : i32
      %ne3A_464 = arith.constant 0 : i32
      %ne3A_465 = arith.cmpi ne, %rem3A_463, %ne3A_464 : i32
      %and3A_466 = arith.andi %ne3A_462, %ne3A_465 : i1
      %sub3A_467 = arith.constant 1 : i32
      %sub3A_468 = arith.subi %div3A_447, %sub3A_467 : i32
      %select_n3A_469 = arith.select %and3A_466, %sub3A_468, %div3A_447 : i32
      %jit3A_470 = arith.constant 512 : i32
      %eq3A_471 = arith.constant 0 : i32
      %eq3A_472 = arith.cmpi eq, %jit3A_470, %eq3A_471 : i32
      %jit3A_473 = arith.constant 1 : i32
      %select_n3A_474 = arith.select %eq3A_472, %jit3A_473, %jit3A_470 : i32
      %rem3A_475 = arith.remsi %add3A_445, %select_n3A_474 : i32
      %ne3A_476 = arith.constant 0 : i32
      %ne3A_477 = arith.cmpi ne, %rem3A_475, %ne3A_476 : i32
      %lt3A_478 = arith.constant 0 : i32
      %lt3A_479 = arith.cmpi slt, %rem3A_475, %lt3A_478 : i32
      %lt3A_480 = arith.constant 0 : i32
      %lt3A_481 = arith.cmpi slt, %select_n3A_474, %lt3A_480 : i32
      %ne3A_482 = arith.xori %lt3A_479, %lt3A_481 : i1
      %and3A_483 = arith.andi %ne3A_482, %ne3A_477 : i1
      %add3A_484 = arith.addi %rem3A_475, %select_n3A_474 : i32
      %select_n3A_485 = arith.select %and3A_483, %add3A_484, %rem3A_475 : i32
      %dma_start3A_486 = arith.constant 32 : i32
      %dma_start3A_487 = arith.constant 0 : i32
      %dma_start3A_488 = tpu.memref_slice %arg8[%dma_start3A_486, %dma_start3A_487] : memref<48x768xf32, #tpu.memory_space<vmem>> -> memref<16x768xf32, #tpu.memory_space<vmem>>
      %dma_start3A_489 = arith.constant 0 : i32
      %dma_start3A_490 = tpu.memref_slice %arg5[%select_n3A_469, %select_n3A_485, %dma_start3A_489] : memref<8x512x768xf32, #tpu.memory_space<hbm>> -> memref<1x16x768xf32, #tpu.memory_space<hbm>>
      %dma_start3A_491 = tpu.memref_squeeze %dma_start3A_490 : memref<1x16x768xf32, #tpu.memory_space<hbm>> -> memref<16x768xf32, #tpu.memory_space<hbm>>
      %dma_start3A_492 = arith.constant 0 : i32
      %dma_start3A_493 = tpu.memref_slice %arg5[%select_n3A_469, %select_n3A_485, %dma_start3A_492] : memref<8x512x768xf32, #tpu.memory_space<hbm>> -> memref<1x16x768xf32, #tpu.memory_space<hbm>>
      %dma_start3A_494 = tpu.memref_squeeze %dma_start3A_493 : memref<1x16x768xf32, #tpu.memory_space<hbm>> -> memref<16x768xf32, #tpu.memory_space<hbm>>
      %dma_start3A_495 = arith.constant 32 : i32
      %dma_start3A_496 = arith.constant 0 : i32
      %dma_start3A_497 = tpu.memref_slice %arg8[%dma_start3A_495, %dma_start3A_496] : memref<48x768xf32, #tpu.memory_space<vmem>> -> memref<16x768xf32, #tpu.memory_space<vmem>>
      tpu.enqueue_dma source(%dma_start3A_497 : memref<16x768xf32, #tpu.memory_space<vmem>>) target(%dma_start3A_494 : memref<16x768xf32, #tpu.memory_space<hbm>>) target_semaphore(%arg15 : memref<!tpu.dma_semaphore, #tpu.memory_space<semaphore_mem>>)
      %dma_wait3A_498 = arith.constant 0 : i32
      %dma_wait3A_499 = arith.constant 0 : i32
      %dma_wait3A_500 = tpu.memref_slice %arg8[%dma_wait3A_498, %dma_wait3A_499] : memref<48x768xf32, #tpu.memory_space<vmem>> -> memref<16x768xf32, #tpu.memory_space<vmem>>
      %dma_wait3A_501 = arith.constant 96 : i32
      %dma_wait3A_502 = tpu.memref_slice %arg7[%dma_wait3A_501] : memref<160xi32, #tpu.memory_space<vmem>> -> memref<16xi32, #tpu.memory_space<vmem>>
      %dma_wait3A_503 = arith.constant 0 : i32
      %dma_wait3A_504 = arith.constant 0 : i32
      %dma_wait3A_505 = tpu.memref_slice %arg4[%dma_wait3A_503, %dma_wait3A_504] : memref<30522x768xf32, #tpu.memory_space<hbm>> -> memref<30522x768xf32, #tpu.memory_space<hbm>>
      tpu.wait_indirect_dma semaphore(%arg12 : memref<!tpu.dma_semaphore, #tpu.memory_space<semaphore_mem>>) src(%dma_wait3A_505 : memref<30522x768xf32, #tpu.memory_space<hbm>>) dst(%dma_wait3A_500 : memref<16x768xf32, #tpu.memory_space<vmem>>)
      %dma_wait3A_506 = arith.constant 32 : i32
      %dma_wait3A_507 = arith.constant 0 : i32
      %dma_wait3A_508 = tpu.memref_slice %arg8[%dma_wait3A_506, %dma_wait3A_507] : memref<48x768xf32, #tpu.memory_space<vmem>> -> memref<16x768xf32, #tpu.memory_space<vmem>>
      %dma_wait3A_509 = arith.constant 0 : i32
      %dma_wait3A_510 = tpu.memref_slice %arg5[%select_n3A_469, %select_n3A_485, %dma_wait3A_509] : memref<8x512x768xf32, #tpu.memory_space<hbm>> -> memref<1x16x768xf32, #tpu.memory_space<hbm>>
      %dma_wait3A_511 = tpu.memref_squeeze %dma_wait3A_510 : memref<1x16x768xf32, #tpu.memory_space<hbm>> -> memref<16x768xf32, #tpu.memory_space<hbm>>
      %dma_wait3A_512 = arith.constant 0 : i32
      %dma_wait3A_513 = tpu.memref_slice %arg5[%select_n3A_469, %select_n3A_485, %dma_wait3A_512] : memref<8x512x768xf32, #tpu.memory_space<hbm>> -> memref<1x16x768xf32, #tpu.memory_space<hbm>>
      %dma_wait3A_514 = tpu.memref_squeeze %dma_wait3A_513 : memref<1x16x768xf32, #tpu.memory_space<hbm>> -> memref<16x768xf32, #tpu.memory_space<hbm>>
      %dma_wait3A_515 = arith.constant 32 : i32
      %dma_wait3A_516 = arith.constant 0 : i32
      %dma_wait3A_517 = tpu.memref_slice %arg8[%dma_wait3A_515, %dma_wait3A_516] : memref<48x768xf32, #tpu.memory_space<vmem>> -> memref<16x768xf32, #tpu.memory_space<vmem>>
      tpu.wait_dma2 semaphore(%arg15 : memref<!tpu.dma_semaphore, #tpu.memory_space<semaphore_mem>>) src(%dma_wait3A_517 : memref<16x768xf32, #tpu.memory_space<vmem>>) dst(%dma_wait3A_514 : memref<16x768xf32, #tpu.memory_space<hbm>>)
      %dma_start3A_518 = arith.constant 32 : i32
      %dma_start3A_519 = arith.constant 0 : i32
      %dma_start3A_520 = tpu.memref_slice %arg8[%dma_start3A_518, %dma_start3A_519] : memref<48x768xf32, #tpu.memory_space<vmem>> -> memref<16x768xf32, #tpu.memory_space<vmem>>
      %dma_start3A_521 = arith.constant 128 : i32
      %dma_start3A_522 = tpu.memref_slice %arg7[%dma_start3A_521] : memref<160xi32, #tpu.memory_space<vmem>> -> memref<16xi32, #tpu.memory_space<vmem>>
      %dma_start3A_523 = arith.constant 0 : i32
      %dma_start3A_524 = arith.constant 0 : i32
      %dma_start3A_525 = tpu.memref_slice %arg4[%dma_start3A_523, %dma_start3A_524] : memref<30522x768xf32, #tpu.memory_space<hbm>> -> memref<30522x768xf32, #tpu.memory_space<hbm>>
      tpu.enqueue_indirect_dma source(%dma_start3A_525 : memref<30522x768xf32, #tpu.memory_space<hbm>>) target(%dma_start3A_520 : memref<16x768xf32, #tpu.memory_space<vmem>>) offsets(%dma_start3A_522 : memref<16xi32, #tpu.memory_space<vmem>>) semaphore(%arg12 : memref<!tpu.dma_semaphore, #tpu.memory_space<semaphore_mem>>)
      %add3A_526 = arith.constant 96 : i32
      %add3A_527 = arith.addi %add3A_11, %add3A_526 : i32
      %jit3A_528 = arith.constant 512 : i32
      %div3A_529 = arith.divsi %add3A_527, %jit3A_528 : i32
      %sign3A_530 = arith.constant 0 : i32
      %sign3A_531 = arith.cmpi sgt, %add3A_527, %sign3A_530 : i32
      %sign3A_532 = arith.extui %sign3A_531 : i1 to i32
      %sign3A_533 = arith.constant 0 : i32
      %sign3A_534 = arith.cmpi slt, %add3A_527, %sign3A_533 : i32
      %sign3A_535 = arith.extui %sign3A_534 : i1 to i32
      %sign3A_536 = arith.subi %sign3A_532, %sign3A_535 : i32
      %sign3A_537 = arith.constant 0 : i32
      %sign3A_538 = arith.cmpi sgt, %jit3A_528, %sign3A_537 : i32
      %sign3A_539 = arith.extui %sign3A_538 : i1 to i32
      %sign3A_540 = arith.constant 0 : i32
      %sign3A_541 = arith.cmpi slt, %jit3A_528, %sign3A_540 : i32
      %sign3A_542 = arith.extui %sign3A_541 : i1 to i32
      %sign3A_543 = arith.subi %sign3A_539, %sign3A_542 : i32
      %ne3A_544 = arith.cmpi ne, %sign3A_536, %sign3A_543 : i32
      %rem3A_545 = arith.remsi %add3A_527, %jit3A_528 : i32
      %ne3A_546 = arith.constant 0 : i32
      %ne3A_547 = arith.cmpi ne, %rem3A_545, %ne3A_546 : i32
      %and3A_548 = arith.andi %ne3A_544, %ne3A_547 : i1
      %sub3A_549 = arith.constant 1 : i32
      %sub3A_550 = arith.subi %div3A_529, %sub3A_549 : i32
      %select_n3A_551 = arith.select %and3A_548, %sub3A_550, %div3A_529 : i32
      %jit3A_552 = arith.constant 512 : i32
      %eq3A_553 = arith.constant 0 : i32
      %eq3A_554 = arith.cmpi eq, %jit3A_552, %eq3A_553 : i32
      %jit3A_555 = arith.constant 1 : i32
      %select_n3A_556 = arith.select %eq3A_554, %jit3A_555, %jit3A_552 : i32
      %rem3A_557 = arith.remsi %add3A_527, %select_n3A_556 : i32
      %ne3A_558 = arith.constant 0 : i32
      %ne3A_559 = arith.cmpi ne, %rem3A_557, %ne3A_558 : i32
      %lt3A_560 = arith.constant 0 : i32
      %lt3A_561 = arith.cmpi slt, %rem3A_557, %lt3A_560 : i32
      %lt3A_562 = arith.constant 0 : i32
      %lt3A_563 = arith.cmpi slt, %select_n3A_556, %lt3A_562 : i32
      %ne3A_564 = arith.xori %lt3A_561, %lt3A_563 : i1
      %and3A_565 = arith.andi %ne3A_564, %ne3A_559 : i1
      %add3A_566 = arith.addi %rem3A_557, %select_n3A_556 : i32
      %select_n3A_567 = arith.select %and3A_565, %add3A_566, %rem3A_557 : i32
      %dma_start3A_568 = arith.constant 0 : i32
      %dma_start3A_569 = arith.constant 0 : i32
      %dma_start3A_570 = tpu.memref_slice %arg8[%dma_start3A_568, %dma_start3A_569] : memref<48x768xf32, #tpu.memory_space<vmem>> -> memref<16x768xf32, #tpu.memory_space<vmem>>
      %dma_start3A_571 = arith.constant 0 : i32
      %dma_start3A_572 = tpu.memref_slice %arg5[%select_n3A_551, %select_n3A_567, %dma_start3A_571] : memref<8x512x768xf32, #tpu.memory_space<hbm>> -> memref<1x16x768xf32, #tpu.memory_space<hbm>>
      %dma_start3A_573 = tpu.memref_squeeze %dma_start3A_572 : memref<1x16x768xf32, #tpu.memory_space<hbm>> -> memref<16x768xf32, #tpu.memory_space<hbm>>
      %dma_start3A_574 = arith.constant 0 : i32
      %dma_start3A_575 = tpu.memref_slice %arg5[%select_n3A_551, %select_n3A_567, %dma_start3A_574] : memref<8x512x768xf32, #tpu.memory_space<hbm>> -> memref<1x16x768xf32, #tpu.memory_space<hbm>>
      %dma_start3A_576 = tpu.memref_squeeze %dma_start3A_575 : memref<1x16x768xf32, #tpu.memory_space<hbm>> -> memref<16x768xf32, #tpu.memory_space<hbm>>
      %dma_start3A_577 = arith.constant 0 : i32
      %dma_start3A_578 = arith.constant 0 : i32
      %dma_start3A_579 = tpu.memref_slice %arg8[%dma_start3A_577, %dma_start3A_578] : memref<48x768xf32, #tpu.memory_space<vmem>> -> memref<16x768xf32, #tpu.memory_space<vmem>>
      tpu.enqueue_dma source(%dma_start3A_579 : memref<16x768xf32, #tpu.memory_space<vmem>>) target(%dma_start3A_576 : memref<16x768xf32, #tpu.memory_space<hbm>>) target_semaphore(%arg13 : memref<!tpu.dma_semaphore, #tpu.memory_space<semaphore_mem>>)
      %dma_wait3A_580 = arith.constant 16 : i32
      %dma_wait3A_581 = arith.constant 0 : i32
      %dma_wait3A_582 = tpu.memref_slice %arg8[%dma_wait3A_580, %dma_wait3A_581] : memref<48x768xf32, #tpu.memory_space<vmem>> -> memref<16x768xf32, #tpu.memory_space<vmem>>
      %dma_wait3A_583 = arith.constant 112 : i32
      %dma_wait3A_584 = tpu.memref_slice %arg7[%dma_wait3A_583] : memref<160xi32, #tpu.memory_space<vmem>> -> memref<16xi32, #tpu.memory_space<vmem>>
      %dma_wait3A_585 = arith.constant 0 : i32
      %dma_wait3A_586 = arith.constant 0 : i32
      %dma_wait3A_587 = tpu.memref_slice %arg4[%dma_wait3A_585, %dma_wait3A_586] : memref<30522x768xf32, #tpu.memory_space<hbm>> -> memref<30522x768xf32, #tpu.memory_space<hbm>>
      tpu.wait_indirect_dma semaphore(%arg12 : memref<!tpu.dma_semaphore, #tpu.memory_space<semaphore_mem>>) src(%dma_wait3A_587 : memref<30522x768xf32, #tpu.memory_space<hbm>>) dst(%dma_wait3A_582 : memref<16x768xf32, #tpu.memory_space<vmem>>)
      %dma_wait3A_588 = arith.constant 0 : i32
      %dma_wait3A_589 = arith.constant 0 : i32
      %dma_wait3A_590 = tpu.memref_slice %arg8[%dma_wait3A_588, %dma_wait3A_589] : memref<48x768xf32, #tpu.memory_space<vmem>> -> memref<16x768xf32, #tpu.memory_space<vmem>>
      %dma_wait3A_591 = arith.constant 0 : i32
      %dma_wait3A_592 = tpu.memref_slice %arg5[%select_n3A_551, %select_n3A_567, %dma_wait3A_591] : memref<8x512x768xf32, #tpu.memory_space<hbm>> -> memref<1x16x768xf32, #tpu.memory_space<hbm>>
      %dma_wait3A_593 = tpu.memref_squeeze %dma_wait3A_592 : memref<1x16x768xf32, #tpu.memory_space<hbm>> -> memref<16x768xf32, #tpu.memory_space<hbm>>
      %dma_wait3A_594 = arith.constant 0 : i32
      %dma_wait3A_595 = tpu.memref_slice %arg5[%select_n3A_551, %select_n3A_567, %dma_wait3A_594] : memref<8x512x768xf32, #tpu.memory_space<hbm>> -> memref<1x16x768xf32, #tpu.memory_space<hbm>>
      %dma_wait3A_596 = tpu.memref_squeeze %dma_wait3A_595 : memref<1x16x768xf32, #tpu.memory_space<hbm>> -> memref<16x768xf32, #tpu.memory_space<hbm>>
      %dma_wait3A_597 = arith.constant 0 : i32
      %dma_wait3A_598 = arith.constant 0 : i32
      %dma_wait3A_599 = tpu.memref_slice %arg8[%dma_wait3A_597, %dma_wait3A_598] : memref<48x768xf32, #tpu.memory_space<vmem>> -> memref<16x768xf32, #tpu.memory_space<vmem>>
      tpu.wait_dma2 semaphore(%arg13 : memref<!tpu.dma_semaphore, #tpu.memory_space<semaphore_mem>>) src(%dma_wait3A_599 : memref<16x768xf32, #tpu.memory_space<vmem>>) dst(%dma_wait3A_596 : memref<16x768xf32, #tpu.memory_space<hbm>>)
      %dma_start3A_600 = arith.constant 0 : i32
      %dma_start3A_601 = arith.constant 0 : i32
      %dma_start3A_602 = tpu.memref_slice %arg8[%dma_start3A_600, %dma_start3A_601] : memref<48x768xf32, #tpu.memory_space<vmem>> -> memref<16x768xf32, #tpu.memory_space<vmem>>
      %dma_start3A_603 = arith.constant 144 : i32
      %dma_start3A_604 = tpu.memref_slice %arg7[%dma_start3A_603] : memref<160xi32, #tpu.memory_space<vmem>> -> memref<16xi32, #tpu.memory_space<vmem>>
      %dma_start3A_605 = arith.constant 0 : i32
      %dma_start3A_606 = arith.constant 0 : i32
      %dma_start3A_607 = tpu.memref_slice %arg4[%dma_start3A_605, %dma_start3A_606] : memref<30522x768xf32, #tpu.memory_space<hbm>> -> memref<30522x768xf32, #tpu.memory_space<hbm>>
      tpu.enqueue_indirect_dma source(%dma_start3A_607 : memref<30522x768xf32, #tpu.memory_space<hbm>>) target(%dma_start3A_602 : memref<16x768xf32, #tpu.memory_space<vmem>>) offsets(%dma_start3A_604 : memref<16xi32, #tpu.memory_space<vmem>>) semaphore(%arg12 : memref<!tpu.dma_semaphore, #tpu.memory_space<semaphore_mem>>)
      %add3A_608 = arith.constant 112 : i32
      %add3A_609 = arith.addi %add3A_11, %add3A_608 : i32
      %jit3A_610 = arith.constant 512 : i32
      %div3A_611 = arith.divsi %add3A_609, %jit3A_610 : i32
      %sign3A_612 = arith.constant 0 : i32
      %sign3A_613 = arith.cmpi sgt, %add3A_609, %sign3A_612 : i32
      %sign3A_614 = arith.extui %sign3A_613 : i1 to i32
      %sign3A_615 = arith.constant 0 : i32
      %sign3A_616 = arith.cmpi slt, %add3A_609, %sign3A_615 : i32
      %sign3A_617 = arith.extui %sign3A_616 : i1 to i32
      %sign3A_618 = arith.subi %sign3A_614, %sign3A_617 : i32
      %sign3A_619 = arith.constant 0 : i32
      %sign3A_620 = arith.cmpi sgt, %jit3A_610, %sign3A_619 : i32
      %sign3A_621 = arith.extui %sign3A_620 : i1 to i32
      %sign3A_622 = arith.constant 0 : i32
      %sign3A_623 = arith.cmpi slt, %jit3A_610, %sign3A_622 : i32
      %sign3A_624 = arith.extui %sign3A_623 : i1 to i32
      %sign3A_625 = arith.subi %sign3A_621, %sign3A_624 : i32
      %ne3A_626 = arith.cmpi ne, %sign3A_618, %sign3A_625 : i32
      %rem3A_627 = arith.remsi %add3A_609, %jit3A_610 : i32
      %ne3A_628 = arith.constant 0 : i32
      %ne3A_629 = arith.cmpi ne, %rem3A_627, %ne3A_628 : i32
      %and3A_630 = arith.andi %ne3A_626, %ne3A_629 : i1
      %sub3A_631 = arith.constant 1 : i32
      %sub3A_632 = arith.subi %div3A_611, %sub3A_631 : i32
      %select_n3A_633 = arith.select %and3A_630, %sub3A_632, %div3A_611 : i32
      %jit3A_634 = arith.constant 512 : i32
      %eq3A_635 = arith.constant 0 : i32
      %eq3A_636 = arith.cmpi eq, %jit3A_634, %eq3A_635 : i32
      %jit3A_637 = arith.constant 1 : i32
      %select_n3A_638 = arith.select %eq3A_636, %jit3A_637, %jit3A_634 : i32
      %rem3A_639 = arith.remsi %add3A_609, %select_n3A_638 : i32
      %ne3A_640 = arith.constant 0 : i32
      %ne3A_641 = arith.cmpi ne, %rem3A_639, %ne3A_640 : i32
      %lt3A_642 = arith.constant 0 : i32
      %lt3A_643 = arith.cmpi slt, %rem3A_639, %lt3A_642 : i32
      %lt3A_644 = arith.constant 0 : i32
      %lt3A_645 = arith.cmpi slt, %select_n3A_638, %lt3A_644 : i32
      %ne3A_646 = arith.xori %lt3A_643, %lt3A_645 : i1
      %and3A_647 = arith.andi %ne3A_646, %ne3A_641 : i1
      %add3A_648 = arith.addi %rem3A_639, %select_n3A_638 : i32
      %select_n3A_649 = arith.select %and3A_647, %add3A_648, %rem3A_639 : i32
      %dma_start3A_650 = arith.constant 16 : i32
      %dma_start3A_651 = arith.constant 0 : i32
      %dma_start3A_652 = tpu.memref_slice %arg8[%dma_start3A_650, %dma_start3A_651] : memref<48x768xf32, #tpu.memory_space<vmem>> -> memref<16x768xf32, #tpu.memory_space<vmem>>
      %dma_start3A_653 = arith.constant 0 : i32
      %dma_start3A_654 = tpu.memref_slice %arg5[%select_n3A_633, %select_n3A_649, %dma_start3A_653] : memref<8x512x768xf32, #tpu.memory_space<hbm>> -> memref<1x16x768xf32, #tpu.memory_space<hbm>>
      %dma_start3A_655 = tpu.memref_squeeze %dma_start3A_654 : memref<1x16x768xf32, #tpu.memory_space<hbm>> -> memref<16x768xf32, #tpu.memory_space<hbm>>
      %dma_start3A_656 = arith.constant 0 : i32
      %dma_start3A_657 = tpu.memref_slice %arg5[%select_n3A_633, %select_n3A_649, %dma_start3A_656] : memref<8x512x768xf32, #tpu.memory_space<hbm>> -> memref<1x16x768xf32, #tpu.memory_space<hbm>>
      %dma_start3A_658 = tpu.memref_squeeze %dma_start3A_657 : memref<1x16x768xf32, #tpu.memory_space<hbm>> -> memref<16x768xf32, #tpu.memory_space<hbm>>
      %dma_start3A_659 = arith.constant 16 : i32
      %dma_start3A_660 = arith.constant 0 : i32
      %dma_start3A_661 = tpu.memref_slice %arg8[%dma_start3A_659, %dma_start3A_660] : memref<48x768xf32, #tpu.memory_space<vmem>> -> memref<16x768xf32, #tpu.memory_space<vmem>>
      tpu.enqueue_dma source(%dma_start3A_661 : memref<16x768xf32, #tpu.memory_space<vmem>>) target(%dma_start3A_658 : memref<16x768xf32, #tpu.memory_space<hbm>>) target_semaphore(%arg14 : memref<!tpu.dma_semaphore, #tpu.memory_space<semaphore_mem>>)
      %dma_wait3A_662 = arith.constant 32 : i32
      %dma_wait3A_663 = arith.constant 0 : i32
      %dma_wait3A_664 = tpu.memref_slice %arg8[%dma_wait3A_662, %dma_wait3A_663] : memref<48x768xf32, #tpu.memory_space<vmem>> -> memref<16x768xf32, #tpu.memory_space<vmem>>
      %dma_wait3A_665 = arith.constant 128 : i32
      %dma_wait3A_666 = tpu.memref_slice %arg7[%dma_wait3A_665] : memref<160xi32, #tpu.memory_space<vmem>> -> memref<16xi32, #tpu.memory_space<vmem>>
      %dma_wait3A_667 = arith.constant 0 : i32
      %dma_wait3A_668 = arith.constant 0 : i32
      %dma_wait3A_669 = tpu.memref_slice %arg4[%dma_wait3A_667, %dma_wait3A_668] : memref<30522x768xf32, #tpu.memory_space<hbm>> -> memref<30522x768xf32, #tpu.memory_space<hbm>>
      tpu.wait_indirect_dma semaphore(%arg12 : memref<!tpu.dma_semaphore, #tpu.memory_space<semaphore_mem>>) src(%dma_wait3A_669 : memref<30522x768xf32, #tpu.memory_space<hbm>>) dst(%dma_wait3A_664 : memref<16x768xf32, #tpu.memory_space<vmem>>)
      %add3A_670 = arith.constant 128 : i32
      %add3A_671 = arith.addi %add3A_11, %add3A_670 : i32
      %jit3A_672 = arith.constant 512 : i32
      %div3A_673 = arith.divsi %add3A_671, %jit3A_672 : i32
      %sign3A_674 = arith.constant 0 : i32
      %sign3A_675 = arith.cmpi sgt, %add3A_671, %sign3A_674 : i32
      %sign3A_676 = arith.extui %sign3A_675 : i1 to i32
      %sign3A_677 = arith.constant 0 : i32
      %sign3A_678 = arith.cmpi slt, %add3A_671, %sign3A_677 : i32
      %sign3A_679 = arith.extui %sign3A_678 : i1 to i32
      %sign3A_680 = arith.subi %sign3A_676, %sign3A_679 : i32
      %sign3A_681 = arith.constant 0 : i32
      %sign3A_682 = arith.cmpi sgt, %jit3A_672, %sign3A_681 : i32
      %sign3A_683 = arith.extui %sign3A_682 : i1 to i32
      %sign3A_684 = arith.constant 0 : i32
      %sign3A_685 = arith.cmpi slt, %jit3A_672, %sign3A_684 : i32
      %sign3A_686 = arith.extui %sign3A_685 : i1 to i32
      %sign3A_687 = arith.subi %sign3A_683, %sign3A_686 : i32
      %ne3A_688 = arith.cmpi ne, %sign3A_680, %sign3A_687 : i32
      %rem3A_689 = arith.remsi %add3A_671, %jit3A_672 : i32
      %ne3A_690 = arith.constant 0 : i32
      %ne3A_691 = arith.cmpi ne, %rem3A_689, %ne3A_690 : i32
      %and3A_692 = arith.andi %ne3A_688, %ne3A_691 : i1
      %sub3A_693 = arith.constant 1 : i32
      %sub3A_694 = arith.subi %div3A_673, %sub3A_693 : i32
      %select_n3A_695 = arith.select %and3A_692, %sub3A_694, %div3A_673 : i32
      %jit3A_696 = arith.constant 512 : i32
      %eq3A_697 = arith.constant 0 : i32
      %eq3A_698 = arith.cmpi eq, %jit3A_696, %eq3A_697 : i32
      %jit3A_699 = arith.constant 1 : i32
      %select_n3A_700 = arith.select %eq3A_698, %jit3A_699, %jit3A_696 : i32
      %rem3A_701 = arith.remsi %add3A_671, %select_n3A_700 : i32
      %ne3A_702 = arith.constant 0 : i32
      %ne3A_703 = arith.cmpi ne, %rem3A_701, %ne3A_702 : i32
      %lt3A_704 = arith.constant 0 : i32
      %lt3A_705 = arith.cmpi slt, %rem3A_701, %lt3A_704 : i32
      %lt3A_706 = arith.constant 0 : i32
      %lt3A_707 = arith.cmpi slt, %select_n3A_700, %lt3A_706 : i32
      %ne3A_708 = arith.xori %lt3A_705, %lt3A_707 : i1
      %and3A_709 = arith.andi %ne3A_708, %ne3A_703 : i1
      %add3A_710 = arith.addi %rem3A_701, %select_n3A_700 : i32
      %select_n3A_711 = arith.select %and3A_709, %add3A_710, %rem3A_701 : i32
      %dma_start3A_712 = arith.constant 32 : i32
      %dma_start3A_713 = arith.constant 0 : i32
      %dma_start3A_714 = tpu.memref_slice %arg8[%dma_start3A_712, %dma_start3A_713] : memref<48x768xf32, #tpu.memory_space<vmem>> -> memref<16x768xf32, #tpu.memory_space<vmem>>
      %dma_start3A_715 = arith.constant 0 : i32
      %dma_start3A_716 = tpu.memref_slice %arg5[%select_n3A_695, %select_n3A_711, %dma_start3A_715] : memref<8x512x768xf32, #tpu.memory_space<hbm>> -> memref<1x16x768xf32, #tpu.memory_space<hbm>>
      %dma_start3A_717 = tpu.memref_squeeze %dma_start3A_716 : memref<1x16x768xf32, #tpu.memory_space<hbm>> -> memref<16x768xf32, #tpu.memory_space<hbm>>
      %dma_start3A_718 = arith.constant 0 : i32
      %dma_start3A_719 = tpu.memref_slice %arg5[%select_n3A_695, %select_n3A_711, %dma_start3A_718] : memref<8x512x768xf32, #tpu.memory_space<hbm>> -> memref<1x16x768xf32, #tpu.memory_space<hbm>>
      %dma_start3A_720 = tpu.memref_squeeze %dma_start3A_719 : memref<1x16x768xf32, #tpu.memory_space<hbm>> -> memref<16x768xf32, #tpu.memory_space<hbm>>
      %dma_start3A_721 = arith.constant 32 : i32
      %dma_start3A_722 = arith.constant 0 : i32
      %dma_start3A_723 = tpu.memref_slice %arg8[%dma_start3A_721, %dma_start3A_722] : memref<48x768xf32, #tpu.memory_space<vmem>> -> memref<16x768xf32, #tpu.memory_space<vmem>>
      tpu.enqueue_dma source(%dma_start3A_723 : memref<16x768xf32, #tpu.memory_space<vmem>>) target(%dma_start3A_720 : memref<16x768xf32, #tpu.memory_space<hbm>>) target_semaphore(%arg15 : memref<!tpu.dma_semaphore, #tpu.memory_space<semaphore_mem>>)
      %dma_wait3A_724 = arith.constant 0 : i32
      %dma_wait3A_725 = arith.constant 0 : i32
      %dma_wait3A_726 = tpu.memref_slice %arg8[%dma_wait3A_724, %dma_wait3A_725] : memref<48x768xf32, #tpu.memory_space<vmem>> -> memref<16x768xf32, #tpu.memory_space<vmem>>
      %dma_wait3A_727 = arith.constant 144 : i32
      %dma_wait3A_728 = tpu.memref_slice %arg7[%dma_wait3A_727] : memref<160xi32, #tpu.memory_space<vmem>> -> memref<16xi32, #tpu.memory_space<vmem>>
      %dma_wait3A_729 = arith.constant 0 : i32
      %dma_wait3A_730 = arith.constant 0 : i32
      %dma_wait3A_731 = tpu.memref_slice %arg4[%dma_wait3A_729, %dma_wait3A_730] : memref<30522x768xf32, #tpu.memory_space<hbm>> -> memref<30522x768xf32, #tpu.memory_space<hbm>>
      tpu.wait_indirect_dma semaphore(%arg12 : memref<!tpu.dma_semaphore, #tpu.memory_space<semaphore_mem>>) src(%dma_wait3A_731 : memref<30522x768xf32, #tpu.memory_space<hbm>>) dst(%dma_wait3A_726 : memref<16x768xf32, #tpu.memory_space<vmem>>)
      %add3A_732 = arith.constant 144 : i32
      %add3A_733 = arith.addi %add3A_11, %add3A_732 : i32
      %jit3A_734 = arith.constant 512 : i32
      %div3A_735 = arith.divsi %add3A_733, %jit3A_734 : i32
      %sign3A_736 = arith.constant 0 : i32
      %sign3A_737 = arith.cmpi sgt, %add3A_733, %sign3A_736 : i32
      %sign3A_738 = arith.extui %sign3A_737 : i1 to i32
      %sign3A_739 = arith.constant 0 : i32
      %sign3A_740 = arith.cmpi slt, %add3A_733, %sign3A_739 : i32
      %sign3A_741 = arith.extui %sign3A_740 : i1 to i32
      %sign3A_742 = arith.subi %sign3A_738, %sign3A_741 : i32
      %sign3A_743 = arith.constant 0 : i32
      %sign3A_744 = arith.cmpi sgt, %jit3A_734, %sign3A_743 : i32
      %sign3A_745 = arith.extui %sign3A_744 : i1 to i32
      %sign3A_746 = arith.constant 0 : i32
      %sign3A_747 = arith.cmpi slt, %jit3A_734, %sign3A_746 : i32
      %sign3A_748 = arith.extui %sign3A_747 : i1 to i32
      %sign3A_749 = arith.subi %sign3A_745, %sign3A_748 : i32
      %ne3A_750 = arith.cmpi ne, %sign3A_742, %sign3A_749 : i32
      %rem3A_751 = arith.remsi %add3A_733, %jit3A_734 : i32
      %ne3A_752 = arith.constant 0 : i32
      %ne3A_753 = arith.cmpi ne, %rem3A_751, %ne3A_752 : i32
      %and3A_754 = arith.andi %ne3A_750, %ne3A_753 : i1
      %sub3A_755 = arith.constant 1 : i32
      %sub3A_756 = arith.subi %div3A_735, %sub3A_755 : i32
      %select_n3A_757 = arith.select %and3A_754, %sub3A_756, %div3A_735 : i32
      %jit3A_758 = arith.constant 512 : i32
      %eq3A_759 = arith.constant 0 : i32
      %eq3A_760 = arith.cmpi eq, %jit3A_758, %eq3A_759 : i32
      %jit3A_761 = arith.constant 1 : i32
      %select_n3A_762 = arith.select %eq3A_760, %jit3A_761, %jit3A_758 : i32
      %rem3A_763 = arith.remsi %add3A_733, %select_n3A_762 : i32
      %ne3A_764 = arith.constant 0 : i32
      %ne3A_765 = arith.cmpi ne, %rem3A_763, %ne3A_764 : i32
      %lt3A_766 = arith.constant 0 : i32
      %lt3A_767 = arith.cmpi slt, %rem3A_763, %lt3A_766 : i32
      %lt3A_768 = arith.constant 0 : i32
      %lt3A_769 = arith.cmpi slt, %select_n3A_762, %lt3A_768 : i32
      %ne3A_770 = arith.xori %lt3A_767, %lt3A_769 : i1
      %and3A_771 = arith.andi %ne3A_770, %ne3A_765 : i1
      %add3A_772 = arith.addi %rem3A_763, %select_n3A_762 : i32
      %select_n3A_773 = arith.select %and3A_771, %add3A_772, %rem3A_763 : i32
      %dma_start3A_774 = arith.constant 0 : i32
      %dma_start3A_775 = arith.constant 0 : i32
      %dma_start3A_776 = tpu.memref_slice %arg8[%dma_start3A_774, %dma_start3A_775] : memref<48x768xf32, #tpu.memory_space<vmem>> -> memref<16x768xf32, #tpu.memory_space<vmem>>
      %dma_start3A_777 = arith.constant 0 : i32
      %dma_start3A_778 = tpu.memref_slice %arg5[%select_n3A_757, %select_n3A_773, %dma_start3A_777] : memref<8x512x768xf32, #tpu.memory_space<hbm>> -> memref<1x16x768xf32, #tpu.memory_space<hbm>>
      %dma_start3A_779 = tpu.memref_squeeze %dma_start3A_778 : memref<1x16x768xf32, #tpu.memory_space<hbm>> -> memref<16x768xf32, #tpu.memory_space<hbm>>
      %dma_start3A_780 = arith.constant 0 : i32
      %dma_start3A_781 = tpu.memref_slice %arg5[%select_n3A_757, %select_n3A_773, %dma_start3A_780] : memref<8x512x768xf32, #tpu.memory_space<hbm>> -> memref<1x16x768xf32, #tpu.memory_space<hbm>>
      %dma_start3A_782 = tpu.memref_squeeze %dma_start3A_781 : memref<1x16x768xf32, #tpu.memory_space<hbm>> -> memref<16x768xf32, #tpu.memory_space<hbm>>
      %dma_start3A_783 = arith.constant 0 : i32
      %dma_start3A_784 = arith.constant 0 : i32
      %dma_start3A_785 = tpu.memref_slice %arg8[%dma_start3A_783, %dma_start3A_784] : memref<48x768xf32, #tpu.memory_space<vmem>> -> memref<16x768xf32, #tpu.memory_space<vmem>>
      tpu.enqueue_dma source(%dma_start3A_785 : memref<16x768xf32, #tpu.memory_space<vmem>>) target(%dma_start3A_782 : memref<16x768xf32, #tpu.memory_space<hbm>>) target_semaphore(%arg13 : memref<!tpu.dma_semaphore, #tpu.memory_space<semaphore_mem>>)
      %dma_wait3A_786 = arith.constant 16 : i32
      %dma_wait3A_787 = arith.constant 0 : i32
      %dma_wait3A_788 = tpu.memref_slice %arg8[%dma_wait3A_786, %dma_wait3A_787] : memref<48x768xf32, #tpu.memory_space<vmem>> -> memref<16x768xf32, #tpu.memory_space<vmem>>
      %dma_wait3A_789 = arith.constant 0 : i32
      %dma_wait3A_790 = tpu.memref_slice %arg5[%select_n3A_633, %select_n3A_649, %dma_wait3A_789] : memref<8x512x768xf32, #tpu.memory_space<hbm>> -> memref<1x16x768xf32, #tpu.memory_space<hbm>>
      %dma_wait3A_791 = tpu.memref_squeeze %dma_wait3A_790 : memref<1x16x768xf32, #tpu.memory_space<hbm>> -> memref<16x768xf32, #tpu.memory_space<hbm>>
      %dma_wait3A_792 = arith.constant 0 : i32
      %dma_wait3A_793 = tpu.memref_slice %arg5[%select_n3A_633, %select_n3A_649, %dma_wait3A_792] : memref<8x512x768xf32, #tpu.memory_space<hbm>> -> memref<1x16x768xf32, #tpu.memory_space<hbm>>
      %dma_wait3A_794 = tpu.memref_squeeze %dma_wait3A_793 : memref<1x16x768xf32, #tpu.memory_space<hbm>> -> memref<16x768xf32, #tpu.memory_space<hbm>>
      %dma_wait3A_795 = arith.constant 16 : i32
      %dma_wait3A_796 = arith.constant 0 : i32
      %dma_wait3A_797 = tpu.memref_slice %arg8[%dma_wait3A_795, %dma_wait3A_796] : memref<48x768xf32, #tpu.memory_space<vmem>> -> memref<16x768xf32, #tpu.memory_space<vmem>>
      tpu.wait_dma2 semaphore(%arg14 : memref<!tpu.dma_semaphore, #tpu.memory_space<semaphore_mem>>) src(%dma_wait3A_797 : memref<16x768xf32, #tpu.memory_space<vmem>>) dst(%dma_wait3A_794 : memref<16x768xf32, #tpu.memory_space<hbm>>)
      %dma_wait3A_798 = arith.constant 32 : i32
      %dma_wait3A_799 = arith.constant 0 : i32
      %dma_wait3A_800 = tpu.memref_slice %arg8[%dma_wait3A_798, %dma_wait3A_799] : memref<48x768xf32, #tpu.memory_space<vmem>> -> memref<16x768xf32, #tpu.memory_space<vmem>>
      %dma_wait3A_801 = arith.constant 0 : i32
      %dma_wait3A_802 = tpu.memref_slice %arg5[%select_n3A_695, %select_n3A_711, %dma_wait3A_801] : memref<8x512x768xf32, #tpu.memory_space<hbm>> -> memref<1x16x768xf32, #tpu.memory_space<hbm>>
      %dma_wait3A_803 = tpu.memref_squeeze %dma_wait3A_802 : memref<1x16x768xf32, #tpu.memory_space<hbm>> -> memref<16x768xf32, #tpu.memory_space<hbm>>
      %dma_wait3A_804 = arith.constant 0 : i32
      %dma_wait3A_805 = tpu.memref_slice %arg5[%select_n3A_695, %select_n3A_711, %dma_wait3A_804] : memref<8x512x768xf32, #tpu.memory_space<hbm>> -> memref<1x16x768xf32, #tpu.memory_space<hbm>>
      %dma_wait3A_806 = tpu.memref_squeeze %dma_wait3A_805 : memref<1x16x768xf32, #tpu.memory_space<hbm>> -> memref<16x768xf32, #tpu.memory_space<hbm>>
      %dma_wait3A_807 = arith.constant 32 : i32
      %dma_wait3A_808 = arith.constant 0 : i32
      %dma_wait3A_809 = tpu.memref_slice %arg8[%dma_wait3A_807, %dma_wait3A_808] : memref<48x768xf32, #tpu.memory_space<vmem>> -> memref<16x768xf32, #tpu.memory_space<vmem>>
      tpu.wait_dma2 semaphore(%arg15 : memref<!tpu.dma_semaphore, #tpu.memory_space<semaphore_mem>>) src(%dma_wait3A_809 : memref<16x768xf32, #tpu.memory_space<vmem>>) dst(%dma_wait3A_806 : memref<16x768xf32, #tpu.memory_space<hbm>>)
      %dma_wait3A_810 = arith.constant 0 : i32
      %dma_wait3A_811 = arith.constant 0 : i32
      %dma_wait3A_812 = tpu.memref_slice %arg8[%dma_wait3A_810, %dma_wait3A_811] : memref<48x768xf32, #tpu.memory_space<vmem>> -> memref<16x768xf32, #tpu.memory_space<vmem>>
      %dma_wait3A_813 = arith.constant 0 : i32
      %dma_wait3A_814 = tpu.memref_slice %arg5[%select_n3A_757, %select_n3A_773, %dma_wait3A_813] : memref<8x512x768xf32, #tpu.memory_space<hbm>> -> memref<1x16x768xf32, #tpu.memory_space<hbm>>
      %dma_wait3A_815 = tpu.memref_squeeze %dma_wait3A_814 : memref<1x16x768xf32, #tpu.memory_space<hbm>> -> memref<16x768xf32, #tpu.memory_space<hbm>>
      %dma_wait3A_816 = arith.constant 0 : i32
      %dma_wait3A_817 = tpu.memref_slice %arg5[%select_n3A_757, %select_n3A_773, %dma_wait3A_816] : memref<8x512x768xf32, #tpu.memory_space<hbm>> -> memref<1x16x768xf32, #tpu.memory_space<hbm>>
      %dma_wait3A_818 = tpu.memref_squeeze %dma_wait3A_817 : memref<1x16x768xf32, #tpu.memory_space<hbm>> -> memref<16x768xf32, #tpu.memory_space<hbm>>
      %dma_wait3A_819 = arith.constant 0 : i32
      %dma_wait3A_820 = arith.constant 0 : i32
      %dma_wait3A_821 = tpu.memref_slice %arg8[%dma_wait3A_819, %dma_wait3A_820] : memref<48x768xf32, #tpu.memory_space<vmem>> -> memref<16x768xf32, #tpu.memory_space<vmem>>
      tpu.wait_dma2 semaphore(%arg13 : memref<!tpu.dma_semaphore, #tpu.memory_space<semaphore_mem>>) src(%dma_wait3A_821 : memref<16x768xf32, #tpu.memory_space<vmem>>) dst(%dma_wait3A_818 : memref<16x768xf32, #tpu.memory_space<hbm>>)
    } else {
    }
    return
  }
}

module attributes {stable_mosaic.version = 14 : i64} {
  func.func @_tc_body(%arg0: i32, %arg1: memref<2x256x512xf32, #tpu.memory_space<vmem>>, %arg2: memref<2x512x768xf32, #tpu.memory_space<vmem>>, %arg3: memref<512x768xf32, #tpu.memory_space<vmem>>, %arg4: memref<1x768xf32, #tpu.memory_space<vmem>>, %arg5: memref<1x768xf32, #tpu.memory_space<vmem>>, %arg6: memref<768x768xf32, #tpu.memory_space<vmem>>, %arg7: memref<2x768xf32, #tpu.memory_space<vmem>>, %arg8: memref<2x256x256xf32, #tpu.memory_space<vmem>>, %arg9: memref<8xi32, #tpu.memory_space<smem>>, %arg10: memref<768x3xf32, #tpu.memory_space<vmem>>, %arg11: memref<8x3xf32, #tpu.memory_space<vmem>>) attributes {dimension_semantics = [#tpu.dimension_semantics<arbitrary>], iteration_bounds = array<i64: 4>, scalar_prefetch = 0 : i64, scratch_operands = 0 : i64, tpu.core_type = #tpu.core_type<tc>, window_params = [{transform_indices = @transform_0, window_bounds = array<i64: 2, 256, 512>}, {transform_indices = @transform_1, window_bounds = array<i64: 2, 512, 768>}, {pipeline_mode = #tpu.pipeline_mode<synchronous>, transform_indices = @transform_2, window_bounds = array<i64: 512, 768>}, {pipeline_mode = #tpu.pipeline_mode<synchronous>, transform_indices = @transform_3, window_bounds = array<i64: 1, 768>}, {pipeline_mode = #tpu.pipeline_mode<synchronous>, transform_indices = @transform_4, window_bounds = array<i64: 1, 768>}, {pipeline_mode = #tpu.pipeline_mode<synchronous>, transform_indices = @transform_5, window_bounds = array<i64: 768, 768>}, {pipeline_mode = #tpu.pipeline_mode<synchronous>, transform_indices = @transform_6, window_bounds = array<i64: 2, 768>}, {transform_indices = @transform_7, window_bounds = array<i64: 2, 256, 256>}, {transform_indices = @transform_8, window_bounds = array<i64: 8>}, {pipeline_mode = #tpu.pipeline_mode<synchronous>, transform_indices = @transform_9, window_bounds = array<i64: 768, 3>}, {pipeline_mode = #tpu.pipeline_mode<synchronous>, transform_indices = @transform_10, window_bounds = array<i64: 8, 3>}]} {
    %get3A = arith.constant 0 : index
    %get3A_0 = arith.constant 0 : index
    %get3A_1 = vector.load %arg6[%get3A, %get3A_0] : memref<768x768xf32, #tpu.memory_space<vmem>>, vector<768x768xf32>
    %get3A_2 = arith.constant 0 : index
    %get3A_3 = arith.constant 0 : index
    %get3A_4 = vector.load %arg7[%get3A_2, %get3A_3] : memref<2x768xf32, #tpu.memory_space<vmem>>, vector<2x768xf32>
    %dot_general3A = arith.constant dense<0.000000e+00> : vector<768x2xf32>
    %dot_general3A_5 = tpu.matmul %get3A_1, %get3A_4, %dot_general3A {dimension_numbers = #tpu.dot_dimension_numbers<[1], [1], [0], [0], [0, 0, 1, 0], [], []>, transpose_lhs_hint = false} : vector<768x768xf32>, vector<2x768xf32>, vector<768x2xf32> -> vector<768x2xf32>
    %get3A_6 = arith.constant 0 : index
    %get3A_7 = arith.constant 0 : index
    %get3A_8 = arith.constant 0 : index
    %get3A_9 = vector.load %arg2[%get3A_6, %get3A_7, %get3A_8] : memref<2x512x768xf32, #tpu.memory_space<vmem>>, vector<1x512x768xf32>
    %get3A_10 = vector.shape_cast %get3A_9 : vector<1x512x768xf32> to vector<512x768xf32>
    %get3A_11 = arith.constant 0 : index
    %get3A_12 = arith.constant 0 : index
    %get3A_13 = vector.load %arg3[%get3A_11, %get3A_12] : memref<512x768xf32, #tpu.memory_space<vmem>>, vector<512x768xf32>
    %add3A = arith.addf %get3A_10, %get3A_13 : vector<512x768xf32>
    %get3A_14 = arith.constant 0 : index
    %get3A_15 = arith.constant 0 : index
    %get3A_16 = arith.constant 0 : index
    %get3A_17 = vector.load %arg1[%get3A_14, %get3A_15, %get3A_16] : memref<2x256x512xf32, #tpu.memory_space<vmem>>, vector<1x256x512xf32>
    %get3A_18 = vector.shape_cast %get3A_17 : vector<1x256x512xf32> to vector<256x512xf32>
    %dot_general3A_19 = arith.constant dense<0.000000e+00> : vector<256x768xf32>
    %dot_general3A_20 = tpu.matmul %get3A_18, %add3A, %dot_general3A_19 {dimension_numbers = #tpu.dot_dimension_numbers<[1], [0], [0], [1], [0, 0, 1, 1], [], []>, transpose_lhs_hint = false} : vector<256x512xf32>, vector<512x768xf32>, vector<256x768xf32> -> vector<256x768xf32>
    %reduce_sum3A = arith.constant dense<0.000000e+00> : vector<256xf32>
    %reduce_sum3A_21 = vector.multi_reduction <add>, %dot_general3A_20, %reduce_sum3A [1] : vector<256x768xf32> to vector<256xf32>
    %broadcast_in_dim3A = vector.shape_cast %reduce_sum3A_21 : vector<256xf32> to vector<256x1xf32>
    %div3A = arith.constant 7.680000e+02 : f32
    %div3A_22 = vector.broadcast %div3A : f32 to vector<256x1xf32>
    %div3A_23 = arith.divf %broadcast_in_dim3A, %div3A_22 : vector<256x1xf32>
    %sub3A = vector.broadcast %div3A_23 : vector<256x1xf32> to vector<256x768xf32>
    %sub3A_24 = arith.subf %dot_general3A_20, %sub3A : vector<256x768xf32>
    %mul3A = arith.mulf %sub3A_24, %sub3A_24 : vector<256x768xf32>
    %reduce_sum3A_25 = arith.constant dense<0.000000e+00> : vector<256xf32>
    %reduce_sum3A_26 = vector.multi_reduction <add>, %mul3A, %reduce_sum3A_25 [1] : vector<256x768xf32> to vector<256xf32>
    %broadcast_in_dim3A_27 = vector.shape_cast %reduce_sum3A_26 : vector<256xf32> to vector<256x1xf32>
    %div3A_28 = arith.constant 7.680000e+02 : f32
    %div3A_29 = vector.broadcast %div3A_28 : f32 to vector<256x1xf32>
    %div3A_30 = arith.divf %broadcast_in_dim3A_27, %div3A_29 : vector<256x1xf32>
    %add3A_31 = arith.constant 9.99999996E-13 : f32
    %add3A_32 = vector.broadcast %add3A_31 : f32 to vector<256x1xf32>
    %add3A_33 = arith.addf %div3A_30, %add3A_32 : vector<256x1xf32>
    %rsqrt3A = math.rsqrt %add3A_33 : vector<256x1xf32>
    %mul3A_34 = vector.broadcast %rsqrt3A : vector<256x1xf32> to vector<256x768xf32>
    %mul3A_35 = arith.mulf %sub3A_24, %mul3A_34 : vector<256x768xf32>
    %get3A_36 = arith.constant 0 : index
    %get3A_37 = arith.constant 0 : index
    %get3A_38 = vector.load %arg4[%get3A_36, %get3A_37] : memref<1x768xf32, #tpu.memory_space<vmem>>, vector<1x768xf32>
    %mul3A_39 = vector.broadcast %get3A_38 : vector<1x768xf32> to vector<256x768xf32>
    %mul3A_40 = arith.mulf %mul3A_35, %mul3A_39 : vector<256x768xf32>
    %get3A_41 = arith.constant 0 : index
    %get3A_42 = arith.constant 0 : index
    %get3A_43 = vector.load %arg5[%get3A_41, %get3A_42] : memref<1x768xf32, #tpu.memory_space<vmem>>, vector<1x768xf32>
    %add3A_44 = vector.broadcast %get3A_43 : vector<1x768xf32> to vector<256x768xf32>
    %add3A_45 = arith.addf %mul3A_40, %add3A_44 : vector<256x768xf32>
    %get3A_46 = arith.constant 0 : index
    %get3A_47 = arith.constant 0 : index
    %get3A_48 = vector.load %arg6[%get3A_46, %get3A_47] : memref<768x768xf32, #tpu.memory_space<vmem>>, vector<768x768xf32>
    %dot_general3A_49 = arith.constant dense<0.000000e+00> : vector<256x768xf32>
    %dot_general3A_50 = tpu.matmul %add3A_45, %get3A_48, %dot_general3A_49 {dimension_numbers = #tpu.dot_dimension_numbers<[1], [0], [0], [1], [0, 0, 1, 1], [], []>, transpose_lhs_hint = false} : vector<256x768xf32>, vector<768x768xf32>, vector<256x768xf32> -> vector<256x768xf32>
    %dot_general3A_51 = arith.constant dense<0.000000e+00> : vector<256x2xf32>
    %dot_general3A_52 = tpu.matmul %add3A_45, %dot_general3A_5, %dot_general3A_51 {dimension_numbers = #tpu.dot_dimension_numbers<[1], [0], [0], [1], [0, 0, 1, 1], [], []>, transpose_lhs_hint = false} : vector<256x768xf32>, vector<768x2xf32>, vector<256x2xf32> -> vector<256x2xf32>
    %get3A_53 = arith.constant 0 : index
    %get3A_54 = arith.constant 0 : index
    %get3A_55 = vector.load %arg7[%get3A_53, %get3A_54] : memref<2x768xf32, #tpu.memory_space<vmem>>, vector<1x768xf32>
    %dot_general3A_56 = arith.constant dense<0.000000e+00> : vector<1x256xf32>
    %dot_general3A_57 = tpu.matmul %get3A_55, %dot_general3A_50, %dot_general3A_56 {dimension_numbers = #tpu.dot_dimension_numbers<[1], [1], [0], [0], [0, 0, 1, 0], [], []>, transpose_lhs_hint = false} : vector<1x768xf32>, vector<256x768xf32>, vector<1x256xf32> -> vector<1x256xf32>
    %slice3A = vector.extract_strided_slice %dot_general3A_52 {offsets = [0, 1], sizes = [256, 1], strides = [1, 1]} : vector<256x2xf32> to vector<256x1xf32>
    %add3A_58 = vector.broadcast %slice3A : vector<256x1xf32> to vector<256x256xf32>
    %add3A_59 = vector.broadcast %dot_general3A_57 : vector<1x256xf32> to vector<256x256xf32>
    %add3A_60 = arith.addf %add3A_58, %add3A_59 : vector<256x256xf32>
    %ge3A = arith.constant 0.000000e+00 : f32
    %ge3A_61 = vector.broadcast %ge3A : f32 to vector<256x256xf32>
    %ge3A_62 = arith.cmpf oge, %add3A_60, %ge3A_61 : vector<256x256xf32>
    %mul3A_63 = arith.constant 2.000000e-01 : f32
    %mul3A_64 = vector.broadcast %mul3A_63 : f32 to vector<256x256xf32>
    %mul3A_65 = arith.mulf %mul3A_64, %add3A_60 : vector<256x256xf32>
    %select_n3A = arith.select %ge3A_62, %add3A_60, %mul3A_65 : vector<256x256xi1>, vector<256x256xf32>
    %get3A_66 = arith.constant 0 : index
    %get3A_67 = arith.constant 0 : index
    %get3A_68 = arith.constant 0 : index
    %get3A_69 = vector.load %arg8[%get3A_66, %get3A_67, %get3A_68] : memref<2x256x256xf32, #tpu.memory_space<vmem>>, vector<1x256x256xf32>
    %get3A_70 = vector.shape_cast %get3A_69 : vector<1x256x256xf32> to vector<256x256xf32>
    %gt3A = arith.constant 0.000000e+00 : f32
    %gt3A_71 = vector.broadcast %gt3A : f32 to vector<256x256xf32>
    %gt3A_72 = arith.cmpf ogt, %get3A_70, %gt3A_71 : vector<256x256xf32>
    %jit3A = arith.constant -1.000000e+30 : f32
    %broadcast_in_dim3A_73 = vector.broadcast %jit3A : f32 to vector<256x256xf32>
    %select_n3A_74 = arith.select %gt3A_72, %select_n3A, %broadcast_in_dim3A_73 : vector<256x256xi1>, vector<256x256xf32>
    %reduce_max3A = arith.constant dense<0xFF800000> : vector<256xf32>
    %reduce_max3A_75 = vector.multi_reduction <maximumf>, %select_n3A_74, %reduce_max3A [1] : vector<256x256xf32> to vector<256xf32>
    %broadcast_in_dim3A_76 = vector.shape_cast %reduce_max3A_75 : vector<256xf32> to vector<256x1xf32>
    %gt3A_77 = arith.constant -1.000000e+29 : f32
    %gt3A_78 = vector.broadcast %gt3A_77 : f32 to vector<256x1xf32>
    %gt3A_79 = arith.cmpf ogt, %broadcast_in_dim3A_76, %gt3A_78 : vector<256x1xf32>
    %jit3A_80 = arith.constant 0.000000e+00 : f32
    %broadcast_in_dim3A_81 = vector.broadcast %jit3A_80 : f32 to vector<256x1xf32>
    %select_n3A_82 = arith.select %gt3A_79, %broadcast_in_dim3A_76, %broadcast_in_dim3A_81 : vector<256x1xi1>, vector<256x1xf32>
    %sub3A_83 = vector.broadcast %select_n3A_82 : vector<256x1xf32> to vector<256x256xf32>
    %sub3A_84 = arith.subf %select_n3A_74, %sub3A_83 : vector<256x256xf32>
    %exp3A = math.exp %sub3A_84 : vector<256x256xf32>
    %mul3A_85 = arith.mulf %get3A_70, %exp3A : vector<256x256xf32>
    %reduce_sum3A_86 = arith.constant dense<0.000000e+00> : vector<256xf32>
    %reduce_sum3A_87 = vector.multi_reduction <add>, %mul3A_85, %reduce_sum3A_86 [1] : vector<256x256xf32> to vector<256xf32>
    %broadcast_in_dim3A_88 = vector.shape_cast %reduce_sum3A_87 : vector<256xf32> to vector<256x1xf32>
    %add3A_89 = arith.constant 1.000000e-16 : f32
    %add3A_90 = vector.broadcast %add3A_89 : f32 to vector<256x1xf32>
    %add3A_91 = arith.addf %broadcast_in_dim3A_88, %add3A_90 : vector<256x1xf32>
    %div3A_92 = vector.broadcast %add3A_91 : vector<256x1xf32> to vector<256x256xf32>
    %div3A_93 = arith.divf %mul3A_85, %div3A_92 : vector<256x256xf32>
    %dot_general3A_94 = arith.constant dense<0.000000e+00> : vector<256x768xf32>
    %dot_general3A_95 = tpu.matmul %div3A_93, %dot_general3A_50, %dot_general3A_94 {dimension_numbers = #tpu.dot_dimension_numbers<[1], [0], [0], [1], [0, 0, 1, 1], [], []>, transpose_lhs_hint = false} : vector<256x256xf32>, vector<256x768xf32>, vector<256x768xf32> -> vector<256x768xf32>
    %gt3A_96 = arith.constant 0.000000e+00 : f32
    %gt3A_97 = vector.broadcast %gt3A_96 : f32 to vector<256x768xf32>
    %gt3A_98 = arith.cmpf ogt, %dot_general3A_95, %gt3A_97 : vector<256x768xf32>
    %exp3A_99 = math.exp %dot_general3A_95 : vector<256x768xf32>
    %sub3A_100 = arith.constant 1.000000e+00 : f32
    %sub3A_101 = vector.broadcast %sub3A_100 : f32 to vector<256x768xf32>
    %sub3A_102 = arith.subf %exp3A_99, %sub3A_101 : vector<256x768xf32>
    %select_n3A_103 = arith.select %gt3A_98, %dot_general3A_95, %sub3A_102 : vector<256x768xi1>, vector<256x768xf32>
    %reduce_sum3A_104 = arith.constant dense<0.000000e+00> : vector<768xf32>
    %reduce_sum3A_105 = vector.multi_reduction <add>, %select_n3A_103, %reduce_sum3A_104 [0] : vector<256x768xf32> to vector<768xf32>
    %broadcast_in_dim3A_106 = vector.shape_cast %reduce_sum3A_105 : vector<768xf32> to vector<1x768xf32>
    %mul3A_107 = arith.constant 2 : i32
    %mul3A_108 = arith.muli %arg0, %mul3A_107 : i32
    %add3A_109 = arith.constant 0 : i32
    %add3A_110 = arith.addi %mul3A_108, %add3A_109 : i32
    %get3A_111 = arith.index_cast %add3A_110 : i32 to index
    %get3A_112 = memref.load %arg9[%get3A_111] : memref<8xi32, #tpu.memory_space<smem>>
    %max3A = arith.constant 1 : i32
    %max3A_113 = arith.maxsi %get3A_112, %max3A : i32
    %convert_element_type3A = arith.sitofp %max3A_113 : i32 to f32
    %div3A_114 = vector.broadcast %convert_element_type3A : f32 to vector<1x768xf32>
    %div3A_115 = arith.divf %broadcast_in_dim3A_106, %div3A_114 : vector<1x768xf32>
    %get3A_116 = arith.constant 0 : index
    %get3A_117 = arith.constant 0 : index
    %get3A_118 = vector.load %arg10[%get3A_116, %get3A_117] : memref<768x3xf32, #tpu.memory_space<vmem>>, vector<768x3xf32>
    %dot_general3A_119 = arith.constant dense<0.000000e+00> : vector<1x3xf32>
    %dot_general3A_120 = tpu.matmul %div3A_115, %get3A_118, %dot_general3A_119 {dimension_numbers = #tpu.dot_dimension_numbers<[1], [0], [0], [1], [0, 0, 1, 1], [], []>, transpose_lhs_hint = false} : vector<1x768xf32>, vector<768x3xf32>, vector<1x3xf32> -> vector<1x3xf32>
    %swap3A = arith.index_cast %add3A_110 : i32 to index
    %swap3A_121 = arith.constant 0 : index
    %swap3A_122 = vector.load %arg11[%swap3A, %swap3A_121] : memref<8x3xf32, #tpu.memory_space<vmem>>, vector<1x3xf32>
    tpu.vector_store %arg11[%swap3A, %swap3A_121], %dot_general3A_120 {strides = array<i32>} : memref<8x3xf32, #tpu.memory_space<vmem>>, vector<1x3xf32>,
    %get3A_123 = arith.constant 1 : index
    %get3A_124 = arith.constant 0 : index
    %get3A_125 = arith.constant 0 : index
    %get3A_126 = vector.load %arg2[%get3A_123, %get3A_124, %get3A_125] : memref<2x512x768xf32, #tpu.memory_space<vmem>>, vector<1x512x768xf32>
    %get3A_127 = vector.shape_cast %get3A_126 : vector<1x512x768xf32> to vector<512x768xf32>
    %get3A_128 = arith.constant 0 : index
    %get3A_129 = arith.constant 0 : index
    %get3A_130 = vector.load %arg3[%get3A_128, %get3A_129] : memref<512x768xf32, #tpu.memory_space<vmem>>, vector<512x768xf32>
    %add3A_131 = arith.addf %get3A_127, %get3A_130 : vector<512x768xf32>
    %get3A_132 = arith.constant 1 : index
    %get3A_133 = arith.constant 0 : index
    %get3A_134 = arith.constant 0 : index
    %get3A_135 = vector.load %arg1[%get3A_132, %get3A_133, %get3A_134] : memref<2x256x512xf32, #tpu.memory_space<vmem>>, vector<1x256x512xf32>
    %get3A_136 = vector.shape_cast %get3A_135 : vector<1x256x512xf32> to vector<256x512xf32>
    %dot_general3A_137 = arith.constant dense<0.000000e+00> : vector<256x768xf32>
    %dot_general3A_138 = tpu.matmul %get3A_136, %add3A_131, %dot_general3A_137 {dimension_numbers = #tpu.dot_dimension_numbers<[1], [0], [0], [1], [0, 0, 1, 1], [], []>, transpose_lhs_hint = false} : vector<256x512xf32>, vector<512x768xf32>, vector<256x768xf32> -> vector<256x768xf32>
    %reduce_sum3A_139 = arith.constant dense<0.000000e+00> : vector<256xf32>
    %reduce_sum3A_140 = vector.multi_reduction <add>, %dot_general3A_138, %reduce_sum3A_139 [1] : vector<256x768xf32> to vector<256xf32>
    %broadcast_in_dim3A_141 = vector.shape_cast %reduce_sum3A_140 : vector<256xf32> to vector<256x1xf32>
    %div3A_142 = arith.constant 7.680000e+02 : f32
    %div3A_143 = vector.broadcast %div3A_142 : f32 to vector<256x1xf32>
    %div3A_144 = arith.divf %broadcast_in_dim3A_141, %div3A_143 : vector<256x1xf32>
    %sub3A_145 = vector.broadcast %div3A_144 : vector<256x1xf32> to vector<256x768xf32>
    %sub3A_146 = arith.subf %dot_general3A_138, %sub3A_145 : vector<256x768xf32>
    %mul3A_147 = arith.mulf %sub3A_146, %sub3A_146 : vector<256x768xf32>
    %reduce_sum3A_148 = arith.constant dense<0.000000e+00> : vector<256xf32>
    %reduce_sum3A_149 = vector.multi_reduction <add>, %mul3A_147, %reduce_sum3A_148 [1] : vector<256x768xf32> to vector<256xf32>
    %broadcast_in_dim3A_150 = vector.shape_cast %reduce_sum3A_149 : vector<256xf32> to vector<256x1xf32>
    %div3A_151 = arith.constant 7.680000e+02 : f32
    %div3A_152 = vector.broadcast %div3A_151 : f32 to vector<256x1xf32>
    %div3A_153 = arith.divf %broadcast_in_dim3A_150, %div3A_152 : vector<256x1xf32>
    %add3A_154 = arith.constant 9.99999996E-13 : f32
    %add3A_155 = vector.broadcast %add3A_154 : f32 to vector<256x1xf32>
    %add3A_156 = arith.addf %div3A_153, %add3A_155 : vector<256x1xf32>
    %rsqrt3A_157 = math.rsqrt %add3A_156 : vector<256x1xf32>
    %mul3A_158 = vector.broadcast %rsqrt3A_157 : vector<256x1xf32> to vector<256x768xf32>
    %mul3A_159 = arith.mulf %sub3A_146, %mul3A_158 : vector<256x768xf32>
    %get3A_160 = arith.constant 0 : index
    %get3A_161 = arith.constant 0 : index
    %get3A_162 = vector.load %arg4[%get3A_160, %get3A_161] : memref<1x768xf32, #tpu.memory_space<vmem>>, vector<1x768xf32>
    %mul3A_163 = vector.broadcast %get3A_162 : vector<1x768xf32> to vector<256x768xf32>
    %mul3A_164 = arith.mulf %mul3A_159, %mul3A_163 : vector<256x768xf32>
    %get3A_165 = arith.constant 0 : index
    %get3A_166 = arith.constant 0 : index
    %get3A_167 = vector.load %arg5[%get3A_165, %get3A_166] : memref<1x768xf32, #tpu.memory_space<vmem>>, vector<1x768xf32>
    %add3A_168 = vector.broadcast %get3A_167 : vector<1x768xf32> to vector<256x768xf32>
    %add3A_169 = arith.addf %mul3A_164, %add3A_168 : vector<256x768xf32>
    %get3A_170 = arith.constant 0 : index
    %get3A_171 = arith.constant 0 : index
    %get3A_172 = vector.load %arg6[%get3A_170, %get3A_171] : memref<768x768xf32, #tpu.memory_space<vmem>>, vector<768x768xf32>
    %dot_general3A_173 = arith.constant dense<0.000000e+00> : vector<256x768xf32>
    %dot_general3A_174 = tpu.matmul %add3A_169, %get3A_172, %dot_general3A_173 {dimension_numbers = #tpu.dot_dimension_numbers<[1], [0], [0], [1], [0, 0, 1, 1], [], []>, transpose_lhs_hint = false} : vector<256x768xf32>, vector<768x768xf32>, vector<256x768xf32> -> vector<256x768xf32>
    %dot_general3A_175 = arith.constant dense<0.000000e+00> : vector<256x2xf32>
    %dot_general3A_176 = tpu.matmul %add3A_169, %dot_general3A_5, %dot_general3A_175 {dimension_numbers = #tpu.dot_dimension_numbers<[1], [0], [0], [1], [0, 0, 1, 1], [], []>, transpose_lhs_hint = false} : vector<256x768xf32>, vector<768x2xf32>, vector<256x2xf32> -> vector<256x2xf32>
    %get3A_177 = arith.constant 0 : index
    %get3A_178 = arith.constant 0 : index
    %get3A_179 = vector.load %arg7[%get3A_177, %get3A_178] : memref<2x768xf32, #tpu.memory_space<vmem>>, vector<1x768xf32>
    %dot_general3A_180 = arith.constant dense<0.000000e+00> : vector<1x256xf32>
    %dot_general3A_181 = tpu.matmul %get3A_179, %dot_general3A_174, %dot_general3A_180 {dimension_numbers = #tpu.dot_dimension_numbers<[1], [1], [0], [0], [0, 0, 1, 0], [], []>, transpose_lhs_hint = false} : vector<1x768xf32>, vector<256x768xf32>, vector<1x256xf32> -> vector<1x256xf32>
    %slice3A_182 = vector.extract_strided_slice %dot_general3A_176 {offsets = [0, 1], sizes = [256, 1], strides = [1, 1]} : vector<256x2xf32> to vector<256x1xf32>
    %add3A_183 = vector.broadcast %slice3A_182 : vector<256x1xf32> to vector<256x256xf32>
    %add3A_184 = vector.broadcast %dot_general3A_181 : vector<1x256xf32> to vector<256x256xf32>
    %add3A_185 = arith.addf %add3A_183, %add3A_184 : vector<256x256xf32>
    %ge3A_186 = arith.constant 0.000000e+00 : f32
    %ge3A_187 = vector.broadcast %ge3A_186 : f32 to vector<256x256xf32>
    %ge3A_188 = arith.cmpf oge, %add3A_185, %ge3A_187 : vector<256x256xf32>
    %mul3A_189 = arith.constant 2.000000e-01 : f32
    %mul3A_190 = vector.broadcast %mul3A_189 : f32 to vector<256x256xf32>
    %mul3A_191 = arith.mulf %mul3A_190, %add3A_185 : vector<256x256xf32>
    %select_n3A_192 = arith.select %ge3A_188, %add3A_185, %mul3A_191 : vector<256x256xi1>, vector<256x256xf32>
    %get3A_193 = arith.constant 1 : index
    %get3A_194 = arith.constant 0 : index
    %get3A_195 = arith.constant 0 : index
    %get3A_196 = vector.load %arg8[%get3A_193, %get3A_194, %get3A_195] : memref<2x256x256xf32, #tpu.memory_space<vmem>>, vector<1x256x256xf32>
    %get3A_197 = vector.shape_cast %get3A_196 : vector<1x256x256xf32> to vector<256x256xf32>
    %gt3A_198 = arith.constant 0.000000e+00 : f32
    %gt3A_199 = vector.broadcast %gt3A_198 : f32 to vector<256x256xf32>
    %gt3A_200 = arith.cmpf ogt, %get3A_197, %gt3A_199 : vector<256x256xf32>
    %jit3A_201 = arith.constant -1.000000e+30 : f32
    %broadcast_in_dim3A_202 = vector.broadcast %jit3A_201 : f32 to vector<256x256xf32>
    %select_n3A_203 = arith.select %gt3A_200, %select_n3A_192, %broadcast_in_dim3A_202 : vector<256x256xi1>, vector<256x256xf32>
    %reduce_max3A_204 = arith.constant dense<0xFF800000> : vector<256xf32>
    %reduce_max3A_205 = vector.multi_reduction <maximumf>, %select_n3A_203, %reduce_max3A_204 [1] : vector<256x256xf32> to vector<256xf32>
    %broadcast_in_dim3A_206 = vector.shape_cast %reduce_max3A_205 : vector<256xf32> to vector<256x1xf32>
    %gt3A_207 = arith.constant -1.000000e+29 : f32
    %gt3A_208 = vector.broadcast %gt3A_207 : f32 to vector<256x1xf32>
    %gt3A_209 = arith.cmpf ogt, %broadcast_in_dim3A_206, %gt3A_208 : vector<256x1xf32>
    %jit3A_210 = arith.constant 0.000000e+00 : f32
    %broadcast_in_dim3A_211 = vector.broadcast %jit3A_210 : f32 to vector<256x1xf32>
    %select_n3A_212 = arith.select %gt3A_209, %broadcast_in_dim3A_206, %broadcast_in_dim3A_211 : vector<256x1xi1>, vector<256x1xf32>
    %sub3A_213 = vector.broadcast %select_n3A_212 : vector<256x1xf32> to vector<256x256xf32>
    %sub3A_214 = arith.subf %select_n3A_203, %sub3A_213 : vector<256x256xf32>
    %exp3A_215 = math.exp %sub3A_214 : vector<256x256xf32>
    %mul3A_216 = arith.mulf %get3A_197, %exp3A_215 : vector<256x256xf32>
    %reduce_sum3A_217 = arith.constant dense<0.000000e+00> : vector<256xf32>
    %reduce_sum3A_218 = vector.multi_reduction <add>, %mul3A_216, %reduce_sum3A_217 [1] : vector<256x256xf32> to vector<256xf32>
    %broadcast_in_dim3A_219 = vector.shape_cast %reduce_sum3A_218 : vector<256xf32> to vector<256x1xf32>
    %add3A_220 = arith.constant 1.000000e-16 : f32
    %add3A_221 = vector.broadcast %add3A_220 : f32 to vector<256x1xf32>
    %add3A_222 = arith.addf %broadcast_in_dim3A_219, %add3A_221 : vector<256x1xf32>
    %div3A_223 = vector.broadcast %add3A_222 : vector<256x1xf32> to vector<256x256xf32>
    %div3A_224 = arith.divf %mul3A_216, %div3A_223 : vector<256x256xf32>
    %dot_general3A_225 = arith.constant dense<0.000000e+00> : vector<256x768xf32>
    %dot_general3A_226 = tpu.matmul %div3A_224, %dot_general3A_174, %dot_general3A_225 {dimension_numbers = #tpu.dot_dimension_numbers<[1], [0], [0], [1], [0, 0, 1, 1], [], []>, transpose_lhs_hint = false} : vector<256x256xf32>, vector<256x768xf32>, vector<256x768xf32> -> vector<256x768xf32>
    %gt3A_227 = arith.constant 0.000000e+00 : f32
    %gt3A_228 = vector.broadcast %gt3A_227 : f32 to vector<256x768xf32>
    %gt3A_229 = arith.cmpf ogt, %dot_general3A_226, %gt3A_228 : vector<256x768xf32>
    %exp3A_230 = math.exp %dot_general3A_226 : vector<256x768xf32>
    %sub3A_231 = arith.constant 1.000000e+00 : f32
    %sub3A_232 = vector.broadcast %sub3A_231 : f32 to vector<256x768xf32>
    %sub3A_233 = arith.subf %exp3A_230, %sub3A_232 : vector<256x768xf32>
    %select_n3A_234 = arith.select %gt3A_229, %dot_general3A_226, %sub3A_233 : vector<256x768xi1>, vector<256x768xf32>
    %reduce_sum3A_235 = arith.constant dense<0.000000e+00> : vector<768xf32>
    %reduce_sum3A_236 = vector.multi_reduction <add>, %select_n3A_234, %reduce_sum3A_235 [0] : vector<256x768xf32> to vector<768xf32>
    %broadcast_in_dim3A_237 = vector.shape_cast %reduce_sum3A_236 : vector<768xf32> to vector<1x768xf32>
    %mul3A_238 = arith.constant 2 : i32
    %mul3A_239 = arith.muli %arg0, %mul3A_238 : i32
    %add3A_240 = arith.constant 1 : i32
    %add3A_241 = arith.addi %mul3A_239, %add3A_240 : i32
    %get3A_242 = arith.index_cast %add3A_241 : i32 to index
    %get3A_243 = memref.load %arg9[%get3A_242] : memref<8xi32, #tpu.memory_space<smem>>
    %max3A_244 = arith.constant 1 : i32
    %max3A_245 = arith.maxsi %get3A_243, %max3A_244 : i32
    %convert_element_type3A_246 = arith.sitofp %max3A_245 : i32 to f32
    %div3A_247 = vector.broadcast %convert_element_type3A_246 : f32 to vector<1x768xf32>
    %div3A_248 = arith.divf %broadcast_in_dim3A_237, %div3A_247 : vector<1x768xf32>
    %get3A_249 = arith.constant 0 : index
    %get3A_250 = arith.constant 0 : index
    %get3A_251 = vector.load %arg10[%get3A_249, %get3A_250] : memref<768x3xf32, #tpu.memory_space<vmem>>, vector<768x3xf32>
    %dot_general3A_252 = arith.constant dense<0.000000e+00> : vector<1x3xf32>
    %dot_general3A_253 = tpu.matmul %div3A_248, %get3A_251, %dot_general3A_252 {dimension_numbers = #tpu.dot_dimension_numbers<[1], [0], [0], [1], [0, 0, 1, 1], [], []>, transpose_lhs_hint = false} : vector<1x768xf32>, vector<768x3xf32>, vector<1x3xf32> -> vector<1x3xf32>
    %swap3A_254 = arith.index_cast %add3A_241 : i32 to index
    %swap3A_255 = arith.constant 0 : index
    %swap3A_256 = vector.load %arg11[%swap3A_254, %swap3A_255] : memref<8x3xf32, #tpu.memory_space<vmem>>, vector<1x3xf32>
    tpu.vector_store %arg11[%swap3A_254, %swap3A_255], %dot_general3A_253 {strides = array<i32>} : memref<8x3xf32, #tpu.memory_space<vmem>>, vector<1x3xf32>,
    return
  }
  func.func @transform_0(%arg0: i32) -> (i32, i32, i32) {
    %c0_i32 = arith.constant 0 : i32
    %c0_i32_0 = arith.constant 0 : i32
    %c0_i32_1 = arith.constant 0 : i32
    return %arg0, %c0_i32, %c0_i32_0 : i32, i32, i32
  }
  func.func @transform_1(%arg0: i32) -> (i32, i32, i32) {
    %c0_i32 = arith.constant 0 : i32
    %c0_i32_0 = arith.constant 0 : i32
    %c0_i32_1 = arith.constant 0 : i32
    return %arg0, %c0_i32, %c0_i32_0 : i32, i32, i32
  }
  func.func @transform_2(%arg0: i32) -> (i32, i32) {
    %c0_i32 = arith.constant 0 : i32
    %c0_i32_0 = arith.constant 0 : i32
    %c0_i32_1 = arith.constant 0 : i32
    return %c0_i32, %c0_i32_0 : i32, i32
  }
  func.func @transform_3(%arg0: i32) -> (i32, i32) {
    %c0_i32 = arith.constant 0 : i32
    %c0_i32_0 = arith.constant 0 : i32
    %c0_i32_1 = arith.constant 0 : i32
    return %c0_i32, %c0_i32_0 : i32, i32
  }
  func.func @transform_4(%arg0: i32) -> (i32, i32) {
    %c0_i32 = arith.constant 0 : i32
    %c0_i32_0 = arith.constant 0 : i32
    %c0_i32_1 = arith.constant 0 : i32
    return %c0_i32, %c0_i32_0 : i32, i32
  }
  func.func @transform_5(%arg0: i32) -> (i32, i32) {
    %c0_i32 = arith.constant 0 : i32
    %c0_i32_0 = arith.constant 0 : i32
    %c0_i32_1 = arith.constant 0 : i32
    return %c0_i32, %c0_i32_0 : i32, i32
  }
  func.func @transform_6(%arg0: i32) -> (i32, i32) {
    %c0_i32 = arith.constant 0 : i32
    %c0_i32_0 = arith.constant 0 : i32
    %c0_i32_1 = arith.constant 0 : i32
    return %c0_i32, %c0_i32_0 : i32, i32
  }
  func.func @transform_7(%arg0: i32) -> (i32, i32, i32) {
    %c0_i32 = arith.constant 0 : i32
    %c0_i32_0 = arith.constant 0 : i32
    %c0_i32_1 = arith.constant 0 : i32
    return %arg0, %c0_i32, %c0_i32_0 : i32, i32, i32
  }
  func.func @transform_8(%arg0: i32) -> i32 {
    %c0_i32 = arith.constant 0 : i32
    %c0_i32_0 = arith.constant 0 : i32
    return %c0_i32 : i32
  }
  func.func @transform_9(%arg0: i32) -> (i32, i32) {
    %c0_i32 = arith.constant 0 : i32
    %c0_i32_0 = arith.constant 0 : i32
    %c0_i32_1 = arith.constant 0 : i32
    return %c0_i32, %c0_i32_0 : i32, i32
  }
  func.func @transform_10(%arg0: i32) -> (i32, i32) {
    %c0_i32 = arith.constant 0 : i32
    %c0_i32_0 = arith.constant 0 : i32
    %c0_i32_1 = arith.constant 0 : i32
    return %c0_i32, %c0_i32_0 : i32, i32
  }
}

</mosaic_0001>

<sc_bundles>
// kernel: kernel.4.cloned.1.call-start
scs
__scs_entry_jumppad:
0x0: {  	(pc) =	sbr.rel $0x88, $3  }
0x1: {  	(tag) =	ssettag $0x0;
	lr =	simm.s32 $0x1  }
0x2: {  	[smem:$0x3F95] =	sst lr;
	_ =	strace $0xD0000000  }
0x3: {  	_ = 	snop  }
0x4: {  	_ = 	snop  }
0x5: {  	_ = 	snop  }
0x6: {  	_ = 	snop  }
0x7: {  	_ = 	snop  }
__scs_overlays_trampoline_lowered:
0x8: {  	[smem:$0x3FA4] =	sst s0  }
0x9: {  	[smem:$0x3FA5] =	sst s1  }
0xa: {  	[smem:$0x3FA6] =	sst s2  }
0xb: {  	[smem:$0x3FA7] =	sst s3  }
0xc: {  	[smem:$0x3FA8] =	sst s4  }
0xd: {  	[smem:$0x3FA9] =	sst s5  }
0xe: {  	[smem:$0x3FAA] =	sst s6  }
0xf: {  	[smem:$0x3FAB] =	sst s7  }
0x10: {  	[smem:$0x3FAC] =	sst s8  }
0x11: {  	[smem:$0x3FAD] =	sst s9;
	s0 =	simm.s32 @!p0 $0x0  }
0x12: {  	s1 =	sld [smem:$0x3F93];
	s0 =	simm.s32 @p0 $0x1  }
0x13: {  	[smem:$0x3FAE] =	sst s0;
	s0 =	simm.s32 @!p1 $0x0  }
0x14: {  	s2 =	sld [smem:$0x3F92];
	s0 =	simm.s32 @p1 $0x1  }
0x15: {  	[smem:$0x3FAF] =	sst s0;
	s0 =	simm.s32 @!p2 $0x0  }
0x16: {  	s3 =	sld [smem:$0x3FDB];
	s0 =	simm.s32 @p2 $0x1  }
0x17: {  	s4 =	simm.s32 $0x1BF5;
	[smem:$0x3FB1] =	sst s0  }
0x18: {  	s0 =	sld [smem:$0x3F94];
	_ =	swait.ge [sflag:s4], $0x0  }
0x19: {  	s7 =	sld [smem:$0x3F95]  }
0x1a: {  	s8 =	sadd.s32 $0xFFFFE003, lr  }
0x1b: {  	s9 =	sadd.s32 $0xFFFFFEF7, lr;
	s5 =	simm.s32 $0xFFFFFFFF;
	p2 =	slt.u32 s8, $0xFFFFF086  }
0x1c: {  	p1 =	slt.u32 s9, $0xF7A;
	s5 =	simm.s32 @!p2 $0x0  }
0x1d: {  	s5 =	simm.s32 @p1 $0x1;
	p0 =	seq.s32 s7, s2  }
0x1e: {  	s7 =	smul.u32 @!p0 $0xF7A, s2;
	p2 =	seq.s32 @!p0 s5, $0x0  }
0x1f: {  	s9 =	smul.u32 $0xF7A, s1;
	s8 =	simm.s32 @!p0 $0x1BF5;
	p2 =	por !p2, p0  }
0x20: {  	[sflag:s8] =	ssyncset.s32 @!p0 $0xFFFFF086;
	s6 =	sadd.s32 @!p0 s3, s7;
	s7 =	simm.s32 @!p0 $0x108  }
0x21: {  	s3 =	sadd.s32 s3, s9;
	s6 =	sadd.s32 @!p0 $0x88, s6;
	s7 =	simm.s32 @p2 $0x1082  }
0x22: {  	[simem:s7], [sflag:s8] =	dma.local @!p0 [hbm:s6], $0xF7A  }
0x23: {  	s9 =	sor.u32 $0xD0000000, s2;
	s6 =	simm.s32 $0x108;
	_ =	swait.ge @!p0 [sflag:s8], $0x0  }
0x24: {  	s3 =	sadd.s32 $0x88, s3;
	s6 =	simm.s32 @!p1 $0x1082;
	[sflag:s4] =	ssyncset.s32 $0xFFFFF086  }
0x25: {  	[simem:s6], [sflag:s4] =	dma.local [hbm:s3], $0xF7A  }
0x26: {  	[smem:$0x3F95] =	sst s1;
	(tag) =	ssettag s2;
	_ =	strace s9  }
0x27: {  	s1 =	sld [smem:$0x3FA5]  }
0x28: {  	s2 =	sld [smem:$0x3FA6]  }
0x29: {  	s4 =	sld [smem:$0x3FA8]  }
0x2a: {  	p0 =	seq.s32 s5, $0x0;
	s5 =	sld [smem:$0x3FA9]  }
0x2b: {  	s6 =	sld [smem:$0x3FAA]  }
0x2c: {  	s7 =	sld [smem:$0x3FAB]  }
0x2d: {  	s3 =	simm.s32 $0x108;
	s8 =	sld [smem:$0x3FAC]  }
0x2e: {  	s3 =	simm.s32 @!p0 $0x1082;
	s9 =	sld [smem:$0x3FAD]  }
0x2f: {  	lr =	sadd.s32 s0, s3;
	s0 =	sld [smem:$0x3FA4]  }
0x30: {  	s3 =	sld [smem:$0x3FA7]  }
0x31: {  	[smem:$0x3FB0] =	sst s10  }
0x32: {  	s10 =	sld [smem:$0x3FAE];
	_ =	sdelay $0x3  }
0x33: {  	p0 =	seq.s32 s10, $0x1;
	s10 =	sld [smem:$0x3FB0];
	_ =	sdelay $0x3  }
0x34: {  	[smem:$0x3FB0] =	sst s10  }
0x35: {  	s10 =	sld [smem:$0x3FAF];
	_ =	sdelay $0x3  }
0x36: {  	p1 =	seq.s32 s10, $0x1;
	s10 =	sld [smem:$0x3FB0];
	_ =	sdelay $0x3  }
0x37: {  	[smem:$0x3FB0] =	sst s10  }
0x38: {  	s10 =	sld [smem:$0x3FB1]  }
0x39: {  	_ = 	snop;
	(pc) =	sbr.ind lr, $3  }
0x3a: {  	_ = 	snop  }
0x3b: {  	_ = 	snop  }
0x3c: {  	p2 =	seq.s32 s10, $0x1;
	s10 =	sld [smem:$0x3FB0]  }
0x3d: {  	_ =	shalt  }
0x3e: {  	_ =	shalt  }
0x3f: {  	_ =	shalt  }
0x40: {  	_ =	shalt  }
0x41: {  	_ =	shalt  }
0x42: {  	_ =	shalt  }
0x43: {  	_ =	shalt  }
0x44: {  	_ =	shalt  }
0x45: {  	_ =	shalt  }
0x46: {  	_ =	shalt  }
0x47: {  	_ =	shalt  }
0x48: {  	_ =	shalt  }
0x49: {  	_ =	shalt  }
0x4a: {  	_ =	shalt  }
0x4b: {  	_ =	shalt  }
0x4c: {  	_ =	shalt  }
0x4d: {  	_ =	shalt  }
0x4e: {  	_ =	shalt  }
0x4f: {  	_ =	shalt  }
0x50: {  	_ =	shalt  }
0x51: {  	_ =	shalt  }
0x52: {  	_ =	shalt  }
0x53: {  	_ =	shalt  }
0x54: {  	_ =	shalt  }
0x55: {  	_ =	shalt  }
0x56: {  	_ =	shalt  }
0x57: {  	_ =	shalt  }
0x58: {  	_ =	shalt  }
0x59: {  	_ =	shalt  }
0x5a: {  	_ =	shalt  }
0x5b: {  	_ =	shalt  }
0x5c: {  	_ =	shalt  }
0x5d: {  	_ =	shalt  }
0x5e: {  	_ =	shalt  }
0x5f: {  	_ =	shalt  }
0x60: {  	_ =	shalt  }
0x61: {  	_ =	shalt  }
0x62: {  	_ =	shalt  }
0x63: {  	_ =	shalt  }
0x64: {  	_ =	shalt  }
0x65: {  	_ =	shalt  }
0x66: {  	_ =	shalt  }
0x67: {  	_ =	shalt  }
0x68: {  	_ =	shalt  }
0x69: {  	_ =	shalt  }
0x6a: {  	_ =	shalt  }
0x6b: {  	_ =	shalt  }
0x6c: {  	_ =	shalt  }
0x6d: {  	_ =	shalt  }
0x6e: {  	_ =	shalt  }
0x6f: {  	_ =	shalt  }
0x70: {  	_ =	shalt  }
0x71: {  	_ =	shalt  }
0x72: {  	_ =	shalt  }
0x73: {  	_ =	shalt  }
0x74: {  	_ =	shalt  }
0x75: {  	_ =	shalt  }
0x76: {  	_ =	shalt  }
0x77: {  	_ =	shalt  }
0x78: {  	_ =	shalt  }
0x79: {  	_ =	shalt  }
0x7a: {  	_ =	shalt  }
0x7b: {  	_ =	shalt  }
0x7c: {  	_ =	shalt  }
0x7d: {  	_ =	shalt  }
0x7e: {  	_ =	shalt  }
0x7f: {  	_ =	shalt  }
0x80: {  	_ =	shalt  }
0x81: {  	_ =	shalt  }
0x82: {  	_ =	shalt  }
0x83: {  	_ =	shalt  }
0x84: {  	_ =	shalt  }
0x85: {  	_ =	shalt  }
0x86: {  	_ =	shalt  }
0x87: {  	_ =	shalt  }
.Lfunc_end0:
.L_simem_size_0:
called_computation_lowered:
.L_overlay_start_0:
0x88: {  	s2 =	sld [smem:$0x3FD9]  }
0x89: {  	s3 =	sld [smem:$0x3FFE];
	_ =	sdelay $0x1  }
0x8a: {  	s1 =	srdreg.scid  }
0x8b: {  	s0 =	sand.u32 $0x1, s1  }
0x8c: {  	s17 =	sshll.u32 s0, $0xA;
	s2 =	sadd.s32 s3, s2  }
0x8d: {  	s2 =	sadd.s32 s2, s17  }
0x8e: {  	[smem:$0x3FBC] =	sst s2  }
0x8f: {  	_ = 	snop  }
0x90: {  	s2 =	sld [smem:$0x3FC7]  }
0x91: {  	s18 =	sld [smem:$0x3FC5];
	(tm) =	ssettm $0x1  }
0x92: {  	s4 =	sld [smem:$0x3FFB];
	_ =	sdelay $0x3  }
0x93: {  	_ =	strace s4  }
0x94: {  	s4 =	sld [smem:$0x3FFC];
	_ =	sdelay $0x3  }
0x95: {  	_ =	strace s4  }
0x96: {  	s4 =	sld [smem:$0x3FFD];
	_ =	sdelay $0x3  }
0x97: {  	_ =	strace s4  }
0x98: {  	_ =	strace $0x8FFFFFFF  }
0x99: {  	s19 =	sld [smem:$0x3FDB];
	_ =	sdelay $0x1  }
0x9a: {  	s5 =	simm.s32 $_scs_section_size  }
0x9b: {  	s6 =	simm.s32 $_size__tile_overlayer_lowered;
	s7 =	simm.s32 $_tile_overlayer_lowered  }
0x9c: {  	s22 =	simm.s32 $0x1BFF;
	s21 =	sshll.u32 s7, $0x1;
	s4 =	sadd.s32 s5, s19  }
0x9d: {  	s8 =	simm.s32 $0x0;
	s20 =	sshll.u32 s6, $0x1;
	s6 =	sadd.s32 s21, s4  }
0x9e: {  	[timem:s8], [sflag:s22] =	dma.local [hbm:s6], s20  }
0x9f: {  	_ =	swait.ge [sflag:s22], s20  }
0xa0: {  	s5 =	ssub.s32 $0x0, s20;
	[sflag:s22] =	ssyncset.done $0x0  }
0xa1: {  	[sflag:s22] =	ssyncadd.s32 s5;
	_ =	sdelay $0x1  }
0xa2: {  	s23 =	simm.s32 $0x1B8B  }
0xa3: {  	_ =	swait.ge [sflag:s23], $0x1  }
0xa4: {  	[sflag:s23] =	ssyncset.done $0x0  }
0xa5: {  	s25 =	simm.s32 $0x1B8E;
	s24 =	sld [smem:$0x3FFE];
	[sflag:s23] =	ssyncadd.s32 $0xFFFFFFFF  }
0xa6: {  	s26 =	simm.s32 $execute0_lowered;
	[smem:$0x3FD2] =	sst s25  }
0xa7: {  	s6 =	sshll.u32 s26, $0x1;
	_ =	strace $0x80000046;
	[dreg:$0x1] =	wrdreg $0xFFFFFFFF  }
0xa8: {  	s28 =	simm.s32 $_size_execute0_lowered;
	s4 =	sadd.s32 s4, s6;
	[dreg:$0x0] =	wrdreg $0x0  }
0xa9: {  	s6 =	sshll.u32 s28, $0x1;
	[dreg:$0x2] =	wrdreg s4  }
0xaa: {  	[dreg:$0x3] =	wrdreg s6  }
0xab: {  	[dreg:$0x4] =	wrdreg $0xC0  }
0xac: {  	_ =	task [dreg:s8], $0x5FFFF  }
0xad: {  	[dreg:$0x1] =	wrdreg $0xFFFFFFFF  }
0xae: {  	[dreg:$0x0] =	wrdreg $0x60  }
0xaf: {  	[dreg:$0x2] =	wrdreg s24  }
0xb0: {  	[dreg:$0x3] =	wrdreg s2  }
0xb1: {  	[dreg:$0x4] =	wrdreg s18  }
0xb2: {  	[dreg:$0x5] =	wrdreg $0x9  }
0xb3: {  	_ =	task.clear_ibuf [dreg:s8], $0x6FFFF;
	_ =	strace $0x90000046  }
0xb4: {  	s29 =	simm.s32 $0x9;
	_ =	strace $0x80000048  }
0xb5: {  	_ =	swait.ge [sflag:s29], $0x1  }
0xb6: {  	[sflag:s29] =	ssyncadd.s32 $0xFFFFFFFF  }
0xb7: {  	_ =	strace $0x90000048  }
0xb8: {  	_ =	sfence  }
0xb9: {  	s30 =	sld [smem:$0x0];
	_ =	sdelay $0x2  }
0xba: {  	s31 =	sshll.u32 s1, $0xD;
	s1 =	sshrl.u32 s1, $0x2  }
0xbb: {  	s3 =	sand.u32 $0x4000, s31;
	s1 =	sadd.s32 s1, s30  }
0xbc: {  	s0 =	sor.u32 s3, s0;
	s1 =	sshll.u32 s1, $0x11  }
0xbd: {  	s0 =	sor.u32 s1, s0  }
0xbe: {  	s0 =	sadd.s32 $0x8F2B, s0  }
0xbf: {  	[sflag:s0] =	ssyncadd.remote.s32 $0x1  }
0xc0: {  	_ =	sfence.sel $0xFFFF  }
0xc1: {  	[dreg:$0x0] =	wrdreg $0xFFFFFFFF;
	(pc) =	sbr.abs _section_cstart, $3  }
0xc2: {  	[dreg:$0x1] =	wrdreg $0xFFFFFFFF  }
0xc3: {  	_ =	task.clear_ibuf [dreg:s8], $0x2FFFF;
	_ =	strace $0x9FFFFFFF  }
0xc4: {  	(tm) =	ssettm $0x7FFFFFFF  }
0xc5: {  	_ =	shalt  }
tec
execute0_lowered:
.L_overlay_start_1:
0x0: {  	(tag) =	ssettag $0x1  }
0x1: {  	s5 =	rddreg [dreg:$0x0]  }
0x2: {  	s0 =	rddreg [dreg:$0x1]  }
0x3: {  	s2 =	rddreg [dreg:$0x2]  }
0x4: {  	s1 =	srdreg.scid;
	s19 =	stileid.u32;
	s3 =	simm.s32 $0x0  }
0x5: {  	s28 =	simm.s32 $0x6;
	s29 =	simm.s32 $0x100;
	s30 =	simm.s32 $0x900  }
0x6: {  	s31 =	simm.s32 $0x1100;
	s6 =	sand.u32 $0x1, s1;
	s16 =	sshll.u32 s19, $0x1  }
0x7: {  	[smem:$0x7FF] =	sst s3;
	s1 =	sadd.s32 $0x1C00, s5;
	s4 =	sadd.s32 $0x11E00, s5  }
0x8: {  	p0 =	sgt.u32 s19, $0x3;
	s19 =	simm.s32 $0x8900;
	s7 =	sor.u32 s6, s16  }
0x9: {  	s17 =	ssub.s32 $0x2, s6;
	s10 =	smul.u32 $0xA0, s7;
	s8 =	sshll.u32 s7, $0xD  }
0xa: {  	_ =	strace $0x80000047;
	s9 =	sshrl.u32 s17, $0x1;
	s8 =	sadd.s32 s8, s5  }
0xb: {  	s9 =	ssub.s32 s17, s9;
	s5 =	sadd.s32 $0x100, s2;
	s18 =	sadd.s32 $0xFFFFFC00, s10  }
0xc: {  	s12 =	sshrl.u32 s10, $0x3;
	s13 =	sadd.s32 $0xFFFFFC10, s10;
	s14 =	sadd.s32 $0xFFFFFC20, s10  }
0xd: {  	s23 =	sadd.s32 $0xFFFFFC30, s10;
	s25 =	sadd.s32 $0xFFFFFC40, s10;
	s17 =	sadd.s32 $0xFFFFFC50, s10  }
0xe: {  	s11 =	sshrl.u32 s18, $0x9;
	s6 =	sshrl.u32 s18, $0x3;
	s12 =	sand.u32 $0x3C, s12  }
0xf: {  	s21 =	sshrl.u32 s13, $0x9;
	s13 =	sshrl.u32 s13, $0x3;
	s15 =	sshrl.u32 s14, $0x9  }
0x10: {  	s14 =	sshrl.u32 s14, $0x3;
	s24 =	sshrl.u32 s23, $0x9;
	s11 =	smul.u32 $0x60000, s11  }
0x11: {  	s16 =	sshrl.u32 s25, $0x9;
	s18 =	sshrl.u32 s17, $0x9;
	s12 =	smul.u32 $0x1800, s12  }
0x12: {  	s20 =	sadd.s32 s1, s6;
	s13 =	sand.u32 $0x3E, s13;
	s15 =	smul.u32 $0x60000, s15  }
0x13: {  	s6 =	sadd.s32 $0x200, s2;
	s14 =	sand.u32 $0x3C, s14;
	s13 =	smul.u32 $0x1800, s13  }
0x14: {  	s22 =	smul.u32 $0x1800, s14;
	s14 =	sshrl.u32 s23, $0x3;
	s11 =	sadd.s32 s12, s11  }
0x15: {  	s12 =	smul.u32 $0x60000, s21;
	s14 =	sand.u32 $0x3E, s14;
	s11 =	sshrl.u32 s11, $0x3  }
0x16: {  	[dreg:$0x4] =	wrdreg s20;
	s14 =	smul.u32 $0x1800, s14;
	s11 =	sadd.s32 s4, s11  }
0x17: {  	s12 =	sadd.s32 s12, s13;
	s13 =	smul.u32 $0x60000, s24;
	s24 =	sadd.s32 $0xFFFFFC80, s10  }
0x18: {  	[dreg:$0x5] =	wrdreg s11;
	s11 =	sadd.s32 s15, s22;
	s12 =	sshrl.u32 s12, $0x3  }
0x19: {  	s15 =	smul.u32 $0x60000, s18;
	s22 =	sadd.s32 $0xFFFFFC70, s10;
	s11 =	sshrl.u32 s11, $0x3  }
0x1a: {  	s12 =	sadd.s32 s4, s12;
	s26 =	sadd.s32 s13, s14;
	s13 =	smul.u32 $0x60000, s16  }
0x1b: {  	s14 =	sshrl.u32 s17, $0x3;
	s16 =	sadd.s32 $0xFFFFFC60, s10;
	s23 =	sshrl.u32 s22, $0x9  }
0x1c: {  	s10 =	sadd.s32 $0xFFFFFC90, s10;
	[dreg:$0x6] =	wrdreg s12;
	s11 =	sadd.s32 s4, s11  }
0x1d: {  	s14 =	sand.u32 $0x3E, s14;
	s17 =	sshrl.u32 s16, $0x9;
	s16 =	sshrl.u32 s16, $0x3  }
0x1e: {  	s12 =	sshrl.u32 s26, $0x3;
	s18 =	sshrl.u32 s10, $0x9;
	s10 =	sshrl.u32 s10, $0x3  }
0x1f: {  	[dreg:$0x7] =	wrdreg s11;
	s11 =	sshrl.u32 s25, $0x3;
	s14 =	smul.u32 $0x1800, s14  }
0x20: {  	s17 =	smul.u32 $0x60000, s17;
	s16 =	sand.u32 $0x3C, s16;
	s12 =	sadd.s32 s4, s12  }
0x21: {  	s25 =	sshrl.u32 s24, $0x9;
	s26 =	smul.u32 $0x60000, s18;
	s10 =	sand.u32 $0x3E, s10  }
0x22: {  	s11 =	sand.u32 $0x3C, s11;
	[dreg:$0x8] =	wrdreg s12;
	s20 =	smul.u32 $0x1800, s16  }
0x23: {  	s16 =	sshrl.u32 s24, $0x3;
	s10 =	smul.u32 $0x1800, s10;
	s24 =	sadd.s32 $0x1E00, s8  }
0x24: {  	s8 =	simm.s32 $0x3100;
	s11 =	smul.u32 $0x1800, s11;
	s21 =	sadd.s32 s15, s14  }
0x25: {  	s14 =	sshrl.u32 s22, $0x3;
	s15 =	smul.u32 $0x60000, s23;
	s16 =	sand.u32 $0x3C, s16  }
0x26: {  	s22 =	sshll.u32 s7, $0xB;
	[dreg:$0x10] =	wrdreg s24;
	s24 =	simm.s32 $0x2900  }
0x27: {  	s12 =	sadd.s32 s17, s20;
	s14 =	sand.u32 $0x3E, s14;
	s17 =	smul.u32 $0x60000, s25  }
0x28: {  	s16 =	smul.u32 $0x1800, s16;
	s10 =	sadd.s32 s26, s10;
	s0 =	sadd.s32 s0, s22  }
0x29: {  	s22 =	simm.s32 $0x0;
	s11 =	sadd.s32 s13, s11;
	s14 =	smul.u32 $0x1800, s14  }
0x2a: {  	s13 =	sshrl.u32 s21, $0x3;
	s12 =	sshrl.u32 s12, $0x3;
	s10 =	sshrl.u32 s10, $0x3  }
0x2b: {  	s21 =	sshll.u32 s7, $0x2;
	s7 =	smul.u32 $0xC00, s7;
	[dreg:$0xf] =	wrdreg s0  }
0x2c: {  	s11 =	sshrl.u32 s11, $0x3;
	s13 =	sadd.s32 s4, s13;
	s12 =	sadd.s32 s4, s12  }
0x2d: {  	s17 =	sadd.s32 s17, s16;
	s10 =	sadd.s32 s4, s10;
	s23 =	sor.u32 $0x2, s21  }
0x2e: {  	s26 =	sadd.s32 s1, s21;
	s16 =	simm.s32 $0x7100;
	[dreg:$0xa] =	wrdreg s13  }
0x2f: {  	s21 =	simm.s32 $0x5;
	s11 =	sadd.s32 s4, s11;
	[dreg:$0xb] =	wrdreg s12  }
0x30: {  	s15 =	sadd.s32 s15, s14;
	s20 =	sshrl.u32 s17, $0x3;
	[dreg:$0xe] =	wrdreg s10  }
0x31: {  	s25 =	smul.u32 $0x300, s23;
	[dreg:$0x11] =	wrdreg s26;
	s7 =	sadd.s32 s4, s7  }
0x32: {  	s1 =	sadd.s32 s1, s23;
	s23 =	smax.u32 s9, $0x1;
	s26 =	simm.s32 $0x9100  }
0x33: {  	s13 =	simm.s32 $0x5900;
	s14 =	simm.s32 $0x6100;
	[dreg:$0x9] =	wrdreg s11  }
0x34: {  	s17 =	simm.s32 $0x7900;
	s12 =	sshrl.u32 s15, $0x3;
	[dreg:$0x12] =	wrdreg s7  }
.Ltmp0:
0x35: {  	s11 =	sadd.s32 s4, s20;
	[dreg:$0x13] =	wrdreg s1;
	(pc) =	sbr.rel .LBB2_1-.Ltmp0, $4  }
0x36: {  	s1 =	simm.s32 $0x2100;
	s7 =	simm.s32 $0x4;
	s15 =	simm.s32 $0x6900  }
0x37: {  	v0 =	vimm.f32 $0.0e+00;
	v4 =	vlaneseq.u32;
	s20 =	simm.s32 $0x3;
	s18 =	sadd.s32 s4, s12;
	[dreg:$0xd] =	wrdreg s11  }
0x38: {  	v1 =	vimm.f32 $1.000000000e+00;
	vm0 =	vmmov $0xffff;
	v3 =	vshrl.u32 v4, $0x3;
	s0 =	sadd.s32 s4, s25;
	s4 =	simm.s32 $0x2;
	[dreg:$0xc] =	wrdreg s18  }
0x39: {  	v2 =	vand.u32 $0x7, v4;
	v4 =	vor.u32 $0x8, v4;
	v3 =	vmul.u32 $0x8, v3;
	[dreg:$0x14] =	wrdreg s0;
	s0 =	simm.s32 $0x1900;
	s18 =	simm.s32 $0x8100  }
.LBB2_7:
0x3a: {  	s9 =	rddreg [dreg:$0x4]  }
0x3b: {  	[tilespmem:s3], [sflag:$0x6] =	stream.linear.gather [hbm4b:s9+s3], $0xA0, $0x38;
	[tilespmem:$0x1D100] =	vst v63  }
0x3c: {  	_ =	swait.ge [sflag:s28], $0xA0  }
0x3d: {  	[sflag:s28] =	ssyncset.done $0x0  }
0x3e: {  	[sflag:s28] =	ssyncadd.s32 $0xFFFFFF60  }
0x3f: {  	v5 =	vld [tilespmem:$0x0];
	_ =	sdelay $0x4  }
0x40: {  	v6 =	vshrl.u32 v5, $0x3  }
0x41: {  	v6 =	vmul.u32 $0x30, v6  }
0x42: {  	v5 =	vand.u32 $0x7, v5  }
0x43: {  	v5 =	vor.u32 v5, v6  }
0x44: {  	v6 =	vperm.xlane v5, v2;
	_ =	sdelay $0x1  }
0x45: {  	v6 =	vadd.s32 v3, v6;
	_ =	sdelay $0x3  }
0x46: {  	v5 =	vperm.xlane v5, v4  }
0x47: {  	[tilespmem:s29], [sflag:$0x2] =	stream.indirect_vreg.gather [hbm4b:s2+s3], $0x80, v6, vm0, $0xb8;
	[tilespmem:$0x1D100] =	vst v63  }
0x48: {  	v5 =	vadd.s32 v3, v5  }
0x49: {  	[tilespmem:s30], [sflag:$0x2] =	stream.indirect_vreg.gather [hbm4b:s5+s3], $0x80, v6, vm0, $0xb8;
	[tilespmem:$0x1D100] =	vst v63  }
0x4a: {  	_ = 	snop  }
0x4b: {  	[tilespmem:s31], [sflag:$0x2] =	stream.indirect_vreg.gather [hbm4b:s6+s3], $0x80, v6, vm0, $0xb8;
	[tilespmem:$0x1D100] =	vst v63  }
0x4c: {  	_ = 	snop  }
0x4d: {  	[tilespmem:s0], [sflag:$0x2] =	stream.indirect_vreg.gather [hbm4b:s2+s3], $0x80, v5, vm0, $0xb8;
	[tilespmem:$0x1D100] =	vst v63  }
0x4e: {  	_ = 	snop  }
0x4f: {  	[tilespmem:s1], [sflag:$0x2] =	stream.indirect_vreg.gather [hbm4b:s5+s3], $0x80, v5, vm0, $0xb8;
	[tilespmem:$0x1D100] =	vst v63  }
0x50: {  	_ = 	snop  }
0x51: {  	[tilespmem:s24], [sflag:$0x2] =	stream.indirect_vreg.gather [hbm4b:s6+s3], $0x80, v5, vm0, $0xb8;
	[tilespmem:$0x1D100] =	vst v63  }
0x52: {  	v5 =	vld [tilespmem:$0x10];
	_ =	sdelay $0x4  }
0x53: {  	v6 =	vshrl.u32 v5, $0x3  }
0x54: {  	v6 =	vmul.u32 $0x30, v6  }
0x55: {  	v5 =	vand.u32 $0x7, v5  }
0x56: {  	v5 =	vor.u32 v5, v6  }
0x57: {  	v6 =	vperm.xlane v5, v2;
	_ =	sdelay $0x1  }
0x58: {  	v6 =	vadd.s32 v3, v6;
	_ =	sdelay $0x3  }
0x59: {  	v5 =	vperm.xlane v5, v4  }
0x5a: {  	[tilespmem:s8], [sflag:$0x2] =	stream.indirect_vreg.gather [hbm4b:s2+s3], $0x80, v6, vm0, $0xb8;
	[tilespmem:$0x1D100] =	vst v63  }
0x5b: {  	s10 =	simm.s32 $0x3900;
	v5 =	vadd.s32 v3, v5  }
0x5c: {  	[tilespmem:s10], [sflag:$0x2] =	stream.indirect_vreg.gather [hbm4b:s5+s3], $0x80, v6, vm0, $0xb8;
	[tilespmem:$0x1D100] =	vst v63  }
0x5d: {  	s11 =	simm.s32 $0x4100  }
0x5e: {  	[tilespmem:s11], [sflag:$0x2] =	stream.indirect_vreg.gather [hbm4b:s6+s3], $0x80, v6, vm0, $0xb8;
	[tilespmem:$0x1D100] =	vst v63  }
0x5f: {  	s12 =	simm.s32 $0x4900  }
0x60: {  	[tilespmem:s12], [sflag:$0x2] =	stream.indirect_vreg.gather [hbm4b:s2+s3], $0x80, v5, vm0, $0xb8;
	[tilespmem:$0x1D100] =	vst v63  }
0x61: {  	s25 =	simm.s32 $0x5100  }
0x62: {  	[tilespmem:s25], [sflag:$0x2] =	stream.indirect_vreg.gather [hbm4b:s5+s3], $0x80, v5, vm0, $0xb8;
	[tilespmem:$0x1D100] =	vst v63  }
0x63: {  	_ = 	snop  }
0x64: {  	[tilespmem:s13], [sflag:$0x2] =	stream.indirect_vreg.gather [hbm4b:s6+s3], $0x80, v5, vm0, $0xb8;
	[tilespmem:$0x1D100] =	vst v63  }
0x65: {  	_ =	swait.ge [sflag:s4], $0x3000  }
0x66: {  	[sflag:s4] =	ssyncset.done $0x0  }
0x67: {  	[sflag:s4] =	ssyncadd.s32 $0xFFFFD000  }
0x68: {  	v5 =	vld [tilespmem:$0x20];
	_ =	sdelay $0x4  }
0x69: {  	v6 =	vshrl.u32 v5, $0x3  }
0x6a: {  	v6 =	vmul.u32 $0x30, v6  }
0x6b: {  	v5 =	vand.u32 $0x7, v5  }
0x6c: {  	v5 =	vor.u32 v5, v6  }
0x6d: {  	v6 =	vperm.xlane v5, v2;
	_ =	sdelay $0x1  }
0x6e: {  	v6 =	vadd.s32 v3, v6;
	_ =	sdelay $0x3  }
0x6f: {  	v5 =	vperm.xlane v5, v4  }
0x70: {  	[tilespmem:s14], [sflag:$0x2] =	stream.indirect_vreg.gather [hbm4b:s2+s3], $0x80, v6, vm0, $0xb8;
	[tilespmem:$0x1D100] =	vst v63  }
0x71: {  	v5 =	vadd.s32 v3, v5  }
0x72: {  	[tilespmem:s15], [sflag:$0x2] =	stream.indirect_vreg.gather [hbm4b:s5+s3], $0x80, v6, vm0, $0xb8;
	[tilespmem:$0x1D100] =	vst v63  }
0x73: {  	_ = 	snop  }
0x74: {  	[tilespmem:s16], [sflag:$0x2] =	stream.indirect_vreg.gather [hbm4b:s6+s3], $0x80, v6, vm0, $0xb8;
	[tilespmem:$0x1D100] =	vst v63  }
0x75: {  	_ = 	snop  }
0x76: {  	[tilespmem:s17], [sflag:$0x2] =	stream.indirect_vreg.gather [hbm4b:s2+s3], $0x80, v5, vm0, $0xb8;
	[tilespmem:$0x1D100] =	vst v63  }
0x77: {  	_ = 	snop  }
0x78: {  	[tilespmem:s18], [sflag:$0x2] =	stream.indirect_vreg.gather [hbm4b:s5+s3], $0x80, v5, vm0, $0xb8;
	[tilespmem:$0x1D100] =	vst v63  }
0x79: {  	_ = 	snop  }
0x7a: {  	[tilespmem:s19], [sflag:$0x2] =	stream.indirect_vreg.gather [hbm4b:s6+s3], $0x80, v5, vm0, $0xb8;
	[tilespmem:$0x1D100] =	vst v63  }
0x7b: {  	s9 =	rddreg [dreg:$0x5]  }
0x7c: {  	[hbm4b:s9+s3] =	stream.linear.scatter [tilespmem:s29], [sflag:$0x3], $0x3000, $0x38;
	[tilespmem:$0x1D100] =	vst v63  }
0x7d: {  	_ =	swait.ge [sflag:s4], $0x3000  }
0x7e: {  	[sflag:s4] =	ssyncset.done $0x0  }
0x7f: {  	[sflag:s4] =	ssyncadd.s32 $0xFFFFD000  }
0x80: {  	_ =	swait.ge [sflag:s20], $0x3000  }
0x81: {  	[sflag:s20] =	ssyncset.done $0x0  }
0x82: {  	[sflag:s20] =	ssyncadd.s32 $0xFFFFD000  }
0x83: {  	v5 =	vld [tilespmem:$0x30];
	_ =	sdelay $0x4  }
0x84: {  	v6 =	vshrl.u32 v5, $0x3  }
0x85: {  	v6 =	vmul.u32 $0x30, v6  }
0x86: {  	v5 =	vand.u32 $0x7, v5  }
0x87: {  	v5 =	vor.u32 v5, v6  }
0x88: {  	v6 =	vperm.xlane v5, v2;
	_ =	sdelay $0x1  }
0x89: {  	v6 =	vadd.s32 v3, v6;
	_ =	sdelay $0x3  }
0x8a: {  	v5 =	vperm.xlane v5, v4  }
0x8b: {  	[tilespmem:s29], [sflag:$0x2] =	stream.indirect_vreg.gather [hbm4b:s2+s3], $0x80, v6, vm0, $0xb8;
	[tilespmem:$0x1D100] =	vst v63  }
0x8c: {  	v5 =	vadd.s32 v3, v5  }
0x8d: {  	[tilespmem:s30], [sflag:$0x2] =	stream.indirect_vreg.gather [hbm4b:s5+s3], $0x80, v6, vm0, $0xb8;
	[tilespmem:$0x1D100] =	vst v63  }
0x8e: {  	_ = 	snop  }
0x8f: {  	[tilespmem:s31], [sflag:$0x2] =	stream.indirect_vreg.gather [hbm4b:s6+s3], $0x80, v6, vm0, $0xb8;
	[tilespmem:$0x1D100] =	vst v63  }
0x90: {  	_ = 	snop  }
0x91: {  	[tilespmem:s0], [sflag:$0x2] =	stream.indirect_vreg.gather [hbm4b:s2+s3], $0x80, v5, vm0, $0xb8;
	[tilespmem:$0x1D100] =	vst v63  }
0x92: {  	_ = 	snop  }
0x93: {  	[tilespmem:s1], [sflag:$0x2] =	stream.indirect_vreg.gather [hbm4b:s5+s3], $0x80, v5, vm0, $0xb8;
	[tilespmem:$0x1D100] =	vst v63  }
0x94: {  	_ = 	snop  }
0x95: {  	[tilespmem:s24], [sflag:$0x2] =	stream.indirect_vreg.gather [hbm4b:s6+s3], $0x80, v5, vm0, $0xb8;
	[tilespmem:$0x1D100] =	vst v63  }
0x96: {  	s9 =	rddreg [dreg:$0x6]  }
0x97: {  	[hbm4b:s9+s3] =	stream.linear.scatter [tilespmem:s8], [sflag:$0x4], $0x3000, $0x38;
	[tilespmem:$0x1D100] =	vst v63  }
0x98: {  	_ =	swait.ge [sflag:s4], $0x3000  }
0x99: {  	[sflag:s4] =	ssyncset.done $0x0  }
0x9a: {  	[sflag:s4] =	ssyncadd.s32 $0xFFFFD000  }
0x9b: {  	_ =	swait.ge [sflag:s7], $0x3000  }
0x9c: {  	[sflag:s7] =	ssyncset.done $0x0  }
0x9d: {  	[sflag:s7] =	ssyncadd.s32 $0xFFFFD000  }
0x9e: {  	v5 =	vld [tilespmem:$0x40];
	_ =	sdelay $0x4  }
0x9f: {  	v6 =	vshrl.u32 v5, $0x3  }
0xa0: {  	v6 =	vmul.u32 $0x30, v6  }
0xa1: {  	v5 =	vand.u32 $0x7, v5  }
0xa2: {  	v5 =	vor.u32 v5, v6  }
0xa3: {  	v6 =	vperm.xlane v5, v2;
	_ =	sdelay $0x1  }
0xa4: {  	v6 =	vadd.s32 v3, v6;
	_ =	sdelay $0x3  }
0xa5: {  	v5 =	vperm.xlane v5, v4  }
0xa6: {  	[tilespmem:s8], [sflag:$0x2] =	stream.indirect_vreg.gather [hbm4b:s2+s3], $0x80, v6, vm0, $0xb8;
	[tilespmem:$0x1D100] =	vst v63  }
0xa7: {  	v5 =	vadd.s32 v3, v5  }
0xa8: {  	[tilespmem:s10], [sflag:$0x2] =	stream.indirect_vreg.gather [hbm4b:s5+s3], $0x80, v6, vm0, $0xb8;
	[tilespmem:$0x1D100] =	vst v63  }
0xa9: {  	_ = 	snop  }
0xaa: {  	[tilespmem:s11], [sflag:$0x2] =	stream.indirect_vreg.gather [hbm4b:s6+s3], $0x80, v6, vm0, $0xb8;
	[tilespmem:$0x1D100] =	vst v63  }
0xab: {  	_ = 	snop  }
0xac: {  	[tilespmem:s12], [sflag:$0x2] =	stream.indirect_vreg.gather [hbm4b:s2+s3], $0x80, v5, vm0, $0xb8;
	[tilespmem:$0x1D100] =	vst v63  }
0xad: {  	_ = 	snop  }
0xae: {  	[tilespmem:s25], [sflag:$0x2] =	stream.indirect_vreg.gather [hbm4b:s5+s3], $0x80, v5, vm0, $0xb8;
	[tilespmem:$0x1D100] =	vst v63  }
0xaf: {  	_ = 	snop  }
0xb0: {  	[tilespmem:s13], [sflag:$0x2] =	stream.indirect_vreg.gather [hbm4b:s6+s3], $0x80, v5, vm0, $0xb8;
	[tilespmem:$0x1D100] =	vst v63  }
0xb1: {  	s9 =	rddreg [dreg:$0x7]  }
0xb2: {  	[hbm4b:s9+s3] =	stream.linear.scatter [tilespmem:s14], [sflag:$0x5], $0x3000, $0x38;
	[tilespmem:$0x1D100] =	vst v63  }
0xb3: {  	_ =	swait.ge [sflag:s4], $0x3000  }
0xb4: {  	[sflag:s4] =	ssyncset.done $0x0  }
0xb5: {  	[sflag:s4] =	ssyncadd.s32 $0xFFFFD000  }
0xb6: {  	_ =	swait.ge [sflag:s21], $0x3000  }
0xb7: {  	[sflag:s21] =	ssyncset.done $0x0  }
0xb8: {  	[sflag:s21] =	ssyncadd.s32 $0xFFFFD000  }
0xb9: {  	v5 =	vld [tilespmem:$0x50];
	_ =	sdelay $0x4  }
0xba: {  	v6 =	vshrl.u32 v5, $0x3  }
0xbb: {  	v6 =	vmul.u32 $0x30, v6  }
0xbc: {  	v5 =	vand.u32 $0x7, v5  }
0xbd: {  	v5 =	vor.u32 v5, v6  }
0xbe: {  	v6 =	vperm.xlane v5, v2;
	_ =	sdelay $0x1  }
0xbf: {  	v6 =	vadd.s32 v3, v6;
	_ =	sdelay $0x3  }
0xc0: {  	v5 =	vperm.xlane v5, v4  }
0xc1: {  	[tilespmem:s14], [sflag:$0x2] =	stream.indirect_vreg.gather [hbm4b:s2+s3], $0x80, v6, vm0, $0xb8;
	[tilespmem:$0x1D100] =	vst v63  }
0xc2: {  	v5 =	vadd.s32 v3, v5  }
0xc3: {  	[tilespmem:s15], [sflag:$0x2] =	stream.indirect_vreg.gather [hbm4b:s5+s3], $0x80, v6, vm0, $0xb8;
	[tilespmem:$0x1D100] =	vst v63  }
0xc4: {  	_ = 	snop  }
0xc5: {  	[tilespmem:s16], [sflag:$0x2] =	stream.indirect_vreg.gather [hbm4b:s6+s3], $0x80, v6, vm0, $0xb8;
	[tilespmem:$0x1D100] =	vst v63  }
0xc6: {  	_ = 	snop  }
0xc7: {  	[tilespmem:s17], [sflag:$0x2] =	stream.indirect_vreg.gather [hbm4b:s2+s3], $0x80, v5, vm0, $0xb8;
	[tilespmem:$0x1D100] =	vst v63  }
0xc8: {  	_ = 	snop  }
0xc9: {  	[tilespmem:s18], [sflag:$0x2] =	stream.indirect_vreg.gather [hbm4b:s5+s3], $0x80, v5, vm0, $0xb8;
	[tilespmem:$0x1D100] =	vst v63  }
0xca: {  	_ = 	snop  }
0xcb: {  	[tilespmem:s19], [sflag:$0x2] =	stream.indirect_vreg.gather [hbm4b:s6+s3], $0x80, v5, vm0, $0xb8;
	[tilespmem:$0x1D100] =	vst v63  }
0xcc: {  	s9 =	rddreg [dreg:$0x8]  }
0xcd: {  	[hbm4b:s9+s3] =	stream.linear.scatter [tilespmem:s29], [sflag:$0x3], $0x3000, $0x38;
	[tilespmem:$0x1D100] =	vst v63  }
0xce: {  	_ =	swait.ge [sflag:s4], $0x3000  }
0xcf: {  	[sflag:s4] =	ssyncset.done $0x0  }
0xd0: {  	[sflag:s4] =	ssyncadd.s32 $0xFFFFD000  }
0xd1: {  	_ =	swait.ge [sflag:s20], $0x3000  }
0xd2: {  	[sflag:s20] =	ssyncset.done $0x0  }
0xd3: {  	[sflag:s20] =	ssyncadd.s32 $0xFFFFD000  }
0xd4: {  	v5 =	vld [tilespmem:$0x60];
	_ =	sdelay $0x4  }
0xd5: {  	v6 =	vshrl.u32 v5, $0x3  }
0xd6: {  	v6 =	vmul.u32 $0x30, v6  }
0xd7: {  	v5 =	vand.u32 $0x7, v5  }
0xd8: {  	v5 =	vor.u32 v5, v6  }
0xd9: {  	v6 =	vperm.xlane v5, v2;
	_ =	sdelay $0x1  }
0xda: {  	v6 =	vadd.s32 v3, v6;
	_ =	sdelay $0x3  }
0xdb: {  	v5 =	vperm.xlane v5, v4  }
0xdc: {  	[tilespmem:s29], [sflag:$0x2] =	stream.indirect_vreg.gather [hbm4b:s2+s3], $0x80, v6, vm0, $0xb8;
	[tilespmem:$0x1D100] =	vst v63  }
0xdd: {  	v5 =	vadd.s32 v3, v5  }
0xde: {  	[tilespmem:s30], [sflag:$0x2] =	stream.indirect_vreg.gather [hbm4b:s5+s3], $0x80, v6, vm0, $0xb8;
	[tilespmem:$0x1D100] =	vst v63  }
0xdf: {  	_ = 	snop  }
0xe0: {  	[tilespmem:s31], [sflag:$0x2] =	stream.indirect_vreg.gather [hbm4b:s6+s3], $0x80, v6, vm0, $0xb8;
	[tilespmem:$0x1D100] =	vst v63  }
0xe1: {  	_ = 	snop  }
0xe2: {  	[tilespmem:s0], [sflag:$0x2] =	stream.indirect_vreg.gather [hbm4b:s2+s3], $0x80, v5, vm0, $0xb8;
	[tilespmem:$0x1D100] =	vst v63  }
0xe3: {  	_ = 	snop  }
0xe4: {  	[tilespmem:s1], [sflag:$0x2] =	stream.indirect_vreg.gather [hbm4b:s5+s3], $0x80, v5, vm0, $0xb8;
	[tilespmem:$0x1D100] =	vst v63  }
0xe5: {  	_ = 	snop  }
0xe6: {  	[tilespmem:s24], [sflag:$0x2] =	stream.indirect_vreg.gather [hbm4b:s6+s3], $0x80, v5, vm0, $0xb8;
	[tilespmem:$0x1D100] =	vst v63  }
0xe7: {  	s9 =	rddreg [dreg:$0x9]  }
0xe8: {  	[hbm4b:s9+s3] =	stream.linear.scatter [tilespmem:s8], [sflag:$0x4], $0x3000, $0x38;
	[tilespmem:$0x1D100] =	vst v63  }
0xe9: {  	_ =	swait.ge [sflag:s4], $0x3000  }
0xea: {  	[sflag:s4] =	ssyncset.done $0x0  }
0xeb: {  	[sflag:s4] =	ssyncadd.s32 $0xFFFFD000  }
0xec: {  	_ =	swait.ge [sflag:s7], $0x3000  }
0xed: {  	[sflag:s7] =	ssyncset.done $0x0  }
0xee: {  	[sflag:s7] =	ssyncadd.s32 $0xFFFFD000  }
0xef: {  	v5 =	vld [tilespmem:$0x70];
	_ =	sdelay $0x4  }
0xf0: {  	v6 =	vshrl.u32 v5, $0x3  }
0xf1: {  	v6 =	vmul.u32 $0x30, v6  }
0xf2: {  	v5 =	vand.u32 $0x7, v5  }
0xf3: {  	v5 =	vor.u32 v5, v6  }
0xf4: {  	v6 =	vperm.xlane v5, v2;
	_ =	sdelay $0x1  }
0xf5: {  	v6 =	vadd.s32 v3, v6;
	_ =	sdelay $0x3  }
0xf6: {  	v5 =	vperm.xlane v5, v4  }
0xf7: {  	[tilespmem:s8], [sflag:$0x2] =	stream.indirect_vreg.gather [hbm4b:s2+s3], $0x80, v6, vm0, $0xb8;
	[tilespmem:$0x1D100] =	vst v63  }
0xf8: {  	v5 =	vadd.s32 v3, v5  }
0xf9: {  	[tilespmem:s10], [sflag:$0x2] =	stream.indirect_vreg.gather [hbm4b:s5+s3], $0x80, v6, vm0, $0xb8;
	[tilespmem:$0x1D100] =	vst v63  }
0xfa: {  	_ = 	snop  }
0xfb: {  	[tilespmem:s11], [sflag:$0x2] =	stream.indirect_vreg.gather [hbm4b:s6+s3], $0x80, v6, vm0, $0xb8;
	[tilespmem:$0x1D100] =	vst v63  }
0xfc: {  	_ = 	snop  }
0xfd: {  	[tilespmem:s12], [sflag:$0x2] =	stream.indirect_vreg.gather [hbm4b:s2+s3], $0x80, v5, vm0, $0xb8;
	[tilespmem:$0x1D100] =	vst v63  }
0xfe: {  	_ = 	snop  }
0xff: {  	[tilespmem:s25], [sflag:$0x2] =	stream.indirect_vreg.gather [hbm4b:s5+s3], $0x80, v5, vm0, $0xb8;
	[tilespmem:$0x1D100] =	vst v63  }
0x100: {  	_ = 	snop  }
0x101: {  	[tilespmem:s13], [sflag:$0x2] =	stream.indirect_vreg.gather [hbm4b:s6+s3], $0x80, v5, vm0, $0xb8;
	[tilespmem:$0x1D100] =	vst v63  }
0x102: {  	s25 =	rddreg [dreg:$0xa]  }
0x103: {  	[hbm4b:s25+s3] =	stream.linear.scatter [tilespmem:s14], [sflag:$0x5], $0x3000, $0x38;
	[tilespmem:$0x1D100] =	vst v63  }
0x104: {  	_ =	swait.ge [sflag:s4], $0x3000  }
0x105: {  	[sflag:s4] =	ssyncset.done $0x0  }
0x106: {  	[sflag:s4] =	ssyncadd.s32 $0xFFFFD000  }
0x107: {  	_ =	swait.ge [sflag:s21], $0x3000  }
0x108: {  	[sflag:s21] =	ssyncset.done $0x0  }
0x109: {  	[sflag:s21] =	ssyncadd.s32 $0xFFFFD000  }
0x10a: {  	v5 =	vld [tilespmem:$0x80];
	_ =	sdelay $0x4  }
0x10b: {  	v6 =	vshrl.u32 v5, $0x3  }
0x10c: {  	v6 =	vmul.u32 $0x30, v6  }
0x10d: {  	v5 =	vand.u32 $0x7, v5  }
0x10e: {  	v5 =	vor.u32 v5, v6  }
0x10f: {  	v6 =	vperm.xlane v5, v2;
	_ =	sdelay $0x1  }
0x110: {  	v6 =	vadd.s32 v3, v6;
	_ =	sdelay $0x3  }
0x111: {  	v5 =	vperm.xlane v5, v4  }
0x112: {  	[tilespmem:s14], [sflag:$0x2] =	stream.indirect_vreg.gather [hbm4b:s2+s3], $0x80, v6, vm0, $0xb8;
	[tilespmem:$0x1D100] =	vst v63  }
0x113: {  	v5 =	vadd.s32 v3, v5  }
0x114: {  	[tilespmem:s15], [sflag:$0x2] =	stream.indirect_vreg.gather [hbm4b:s5+s3], $0x80, v6, vm0, $0xb8;
	[tilespmem:$0x1D100] =	vst v63  }
0x115: {  	_ = 	snop  }
0x116: {  	[tilespmem:s16], [sflag:$0x2] =	stream.indirect_vreg.gather [hbm4b:s6+s3], $0x80, v6, vm0, $0xb8;
	[tilespmem:$0x1D100] =	vst v63  }
0x117: {  	_ = 	snop  }
0x118: {  	[tilespmem:s17], [sflag:$0x2] =	stream.indirect_vreg.gather [hbm4b:s2+s3], $0x80, v5, vm0, $0xb8;
	[tilespmem:$0x1D100] =	vst v63  }
0x119: {  	_ = 	snop  }
0x11a: {  	[tilespmem:s18], [sflag:$0x2] =	stream.indirect_vreg.gather [hbm4b:s5+s3], $0x80, v5, vm0, $0xb8;
	[tilespmem:$0x1D100] =	vst v63  }
0x11b: {  	_ = 	snop  }
0x11c: {  	[tilespmem:s19], [sflag:$0x2] =	stream.indirect_vreg.gather [hbm4b:s6+s3], $0x80, v5, vm0, $0xb8;
	[tilespmem:$0x1D100] =	vst v63  }
0x11d: {  	s10 =	rddreg [dreg:$0xb]  }
0x11e: {  	[hbm4b:s10+s3] =	stream.linear.scatter [tilespmem:s29], [sflag:$0x3], $0x3000, $0x38;
	[tilespmem:$0x1D100] =	vst v63  }
0x11f: {  	_ =	swait.ge [sflag:s4], $0x3000  }
0x120: {  	[sflag:s4] =	ssyncset.done $0x0  }
0x121: {  	[sflag:s4] =	ssyncadd.s32 $0xFFFFD000  }
0x122: {  	_ =	swait.ge [sflag:s20], $0x3000  }
0x123: {  	[sflag:s20] =	ssyncset.done $0x0  }
0x124: {  	[sflag:s20] =	ssyncadd.s32 $0xFFFFD000  }
0x125: {  	v5 =	vld [tilespmem:$0x90];
	_ =	sdelay $0x4  }
0x126: {  	v6 =	vshrl.u32 v5, $0x3  }
0x127: {  	v6 =	vmul.u32 $0x30, v6  }
0x128: {  	v5 =	vand.u32 $0x7, v5  }
0x129: {  	v5 =	vor.u32 v5, v6  }
0x12a: {  	v6 =	vperm.xlane v5, v2;
	_ =	sdelay $0x1  }
0x12b: {  	v6 =	vadd.s32 v3, v6;
	_ =	sdelay $0x3  }
0x12c: {  	v5 =	vperm.xlane v5, v4  }
0x12d: {  	[tilespmem:s29], [sflag:$0x2] =	stream.indirect_vreg.gather [hbm4b:s2+s3], $0x80, v6, vm0, $0xb8;
	[tilespmem:$0x1D100] =	vst v63  }
0x12e: {  	v5 =	vadd.s32 v3, v5  }
0x12f: {  	[tilespmem:s30], [sflag:$0x2] =	stream.indirect_vreg.gather [hbm4b:s5+s3], $0x80, v6, vm0, $0xb8;
	[tilespmem:$0x1D100] =	vst v63  }
0x130: {  	_ = 	snop  }
0x131: {  	[tilespmem:s31], [sflag:$0x2] =	stream.indirect_vreg.gather [hbm4b:s6+s3], $0x80, v6, vm0, $0xb8;
	[tilespmem:$0x1D100] =	vst v63  }
0x132: {  	_ = 	snop  }
0x133: {  	[tilespmem:s0], [sflag:$0x2] =	stream.indirect_vreg.gather [hbm4b:s2+s3], $0x80, v5, vm0, $0xb8;
	[tilespmem:$0x1D100] =	vst v63  }
0x134: {  	_ = 	snop  }
0x135: {  	[tilespmem:s1], [sflag:$0x2] =	stream.indirect_vreg.gather [hbm4b:s5+s3], $0x80, v5, vm0, $0xb8;
	[tilespmem:$0x1D100] =	vst v63  }
0x136: {  	_ = 	snop  }
0x137: {  	[tilespmem:s24], [sflag:$0x2] =	stream.indirect_vreg.gather [hbm4b:s6+s3], $0x80, v5, vm0, $0xb8;
	[tilespmem:$0x1D100] =	vst v63  }
0x138: {  	s11 =	rddreg [dreg:$0xc]  }
0x139: {  	[hbm4b:s11+s3] =	stream.linear.scatter [tilespmem:s8], [sflag:$0x4], $0x3000, $0x38;
	[tilespmem:$0x1D100] =	vst v63  }
0x13a: {  	_ =	swait.ge [sflag:s4], $0x3000  }
0x13b: {  	[sflag:s4] =	ssyncset.done $0x0  }
0x13c: {  	s12 =	rddreg [dreg:$0xd];
	[sflag:s4] =	ssyncadd.s32 $0xFFFFD000  }
0x13d: {  	[hbm4b:s12+s3] =	stream.linear.scatter [tilespmem:s14], [sflag:$0x5], $0x3000, $0x38;
	[tilespmem:$0x1D100] =	vst v63  }
0x13e: {  	_ =	swait.ge [sflag:s4], $0x3000  }
0x13f: {  	[sflag:s4] =	ssyncset.done $0x0  }
0x140: {  	s25 =	rddreg [dreg:$0xe];
	[sflag:s4] =	ssyncadd.s32 $0xFFFFD000  }
0x141: {  	[hbm4b:s25+s3] =	stream.linear.scatter [tilespmem:s29], [sflag:$0x3], $0x3000, $0x38;
	[tilespmem:$0x1D100] =	vst v63  }
0x142: {  	_ =	swait.ge [sflag:s7], $0x3000  }
0x143: {  	[sflag:s7] =	ssyncset.done $0x0  }
0x144: {  	[sflag:s7] =	ssyncadd.s32 $0xFFFFD000  }
0x145: {  	_ =	swait.ge [sflag:s21], $0x3000  }
0x146: {  	[sflag:s21] =	ssyncset.done $0x0  }
0x147: {  	[sflag:s21] =	ssyncadd.s32 $0xFFFFD000  }
0x148: {  	_ =	swait.ge [sflag:s20], $0x3000  }
0x149: {  	[sflag:s20] =	ssyncset.done $0x0  }
0x14a: {  	[sflag:s20] =	ssyncadd.s32 $0xFFFFD000  }
.LBB2_8:
0x14b: {  	s22 =	sadd.s32 $0x1, s22  }
0x14c: {  	p1 =	sne.s32 s22, s23  }
.Ltmp1:
0x14d: {  	_ = 	snop;
	(pc) =	sbr.rel @!p1 .LBB2_9-.Ltmp1, $1  }
0x14e: {  	_ =	sdelay $0x3  }
.LBB2_1:
.Ltmp2:
0x14f: {  	(pc) =	sbr.rel @p0 .LBB2_7-.Ltmp2, $1  }
0x150: {  	_ =	sdelay $0x3  }
0x151: {  	s9 =	simm.s32 $0x0;
	s10 =	rddreg [dreg:$0xf];
	s11 =	simm.s32 $0x19100  }
0x152: {  	[tilespmem:s11], [sflag:$0x1] =	stream.linear.gather [hbm4b:s10+s9], $0x4000, $0x38;
	[tilespmem:$0x1D100] =	vst v63  }
0x153: {  	s11 =	sand.u32 $0xF800, s9;
	s9 =	sand.u32 $0x300, s9  }
0x154: {  	s25 =	sor.u32 s9, s11  }
0x155: {  	[tilespmem:s25+$0x95F0] =	vst v0  }
0x156: {  	[tilespmem:s25+$0x9100] =	vst v0  }
0x157: {  	[tilespmem:s25+$0x9110] =	vst v0  }
0x158: {  	[tilespmem:s25+$0x9120] =	vst v0  }
0x159: {  	[tilespmem:s25+$0x9130] =	vst v0  }
0x15a: {  	[tilespmem:s25+$0x9140] =	vst v0  }
0x15b: {  	[tilespmem:s25+$0x9150] =	vst v0  }
0x15c: {  	[tilespmem:s25+$0x9160] =	vst v0  }
0x15d: {  	[tilespmem:s25+$0x9170] =	vst v0  }
0x15e: {  	[tilespmem:s25+$0x9500] =	vst v0  }
0x15f: {  	[tilespmem:s25+$0x9510] =	vst v0  }
0x160: {  	[tilespmem:s25+$0x9520] =	vst v0  }
0x161: {  	[tilespmem:s25+$0x9530] =	vst v0  }
0x162: {  	[tilespmem:s25+$0x9540] =	vst v0  }
0x163: {  	[tilespmem:s25+$0x9550] =	vst v0  }
0x164: {  	[tilespmem:s25+$0x9560] =	vst v0  }
0x165: {  	[tilespmem:s25+$0x9570] =	vst v0  }
0x166: {  	[tilespmem:s25+$0x9180] =	vst v0  }
0x167: {  	[tilespmem:s25+$0x9190] =	vst v0  }
0x168: {  	[tilespmem:s25+$0x91A0] =	vst v0  }
0x169: {  	[tilespmem:s25+$0x91B0] =	vst v0  }
0x16a: {  	[tilespmem:s25+$0x91C0] =	vst v0  }
0x16b: {  	[tilespmem:s25+$0x91D0] =	vst v0  }
0x16c: {  	[tilespmem:s25+$0x91E0] =	vst v0  }
0x16d: {  	[tilespmem:s25+$0x91F0] =	vst v0  }
0x16e: {  	[tilespmem:s25+$0x9580] =	vst v0  }
0x16f: {  	[tilespmem:s25+$0x9590] =	vst v0  }
0x170: {  	[tilespmem:s25+$0x95A0] =	vst v0  }
0x171: {  	[tilespmem:s25+$0x95B0] =	vst v0  }
0x172: {  	s12 =	simm.s32 $0x100;
	s9 =	simm.s32 $0x200;
	[tilespmem:s25+$0x95C0] =	vst v0  }
0x173: {  	s12 =	sand.u32 $0x300, s12;
	s10 =	simm.s32 $0x200;
	s11 =	sand.u32 $0xF800, s9;
	[tilespmem:s25+$0x95D0] =	vst v0  }
.LBB2_3:
0x174: {  	p1 =	sne.s32 s10, $0x7F00;
	[tilespmem:s25+$0x95E0] =	vst v0;
	s25 =	sor.u32 s12, s11  }
0x175: {  	[tilespmem:s25+$0x95F0] =	vst v0  }
0x176: {  	[tilespmem:s25+$0x9100] =	vst v0  }
0x177: {  	[tilespmem:s25+$0x9110] =	vst v0  }
0x178: {  	[tilespmem:s25+$0x9120] =	vst v0  }
0x179: {  	[tilespmem:s25+$0x9130] =	vst v0  }
0x17a: {  	[tilespmem:s25+$0x9140] =	vst v0  }
0x17b: {  	[tilespmem:s25+$0x9150] =	vst v0  }
0x17c: {  	[tilespmem:s25+$0x9160] =	vst v0  }
0x17d: {  	[tilespmem:s25+$0x9170] =	vst v0  }
0x17e: {  	[tilespmem:s25+$0x9500] =	vst v0  }
0x17f: {  	[tilespmem:s25+$0x9510] =	vst v0  }
0x180: {  	[tilespmem:s25+$0x9520] =	vst v0  }
0x181: {  	[tilespmem:s25+$0x9530] =	vst v0  }
0x182: {  	[tilespmem:s25+$0x9540] =	vst v0  }
0x183: {  	[tilespmem:s25+$0x9550] =	vst v0  }
0x184: {  	[tilespmem:s25+$0x9560] =	vst v0  }
0x185: {  	[tilespmem:s25+$0x9570] =	vst v0  }
0x186: {  	[tilespmem:s25+$0x9180] =	vst v0  }
0x187: {  	[tilespmem:s25+$0x9190] =	vst v0  }
0x188: {  	[tilespmem:s25+$0x91A0] =	vst v0  }
0x189: {  	[tilespmem:s25+$0x91B0] =	vst v0  }
0x18a: {  	[tilespmem:s25+$0x91C0] =	vst v0  }
0x18b: {  	[tilespmem:s25+$0x91D0] =	vst v0  }
0x18c: {  	[tilespmem:s25+$0x91E0] =	vst v0  }
0x18d: {  	[tilespmem:s25+$0x91F0] =	vst v0  }
0x18e: {  	[tilespmem:s25+$0x9580] =	vst v0  }
.Ltmp3:
0x18f: {  	[tilespmem:s25+$0x9590] =	vst v0;
	(pc) =	sbr.rel @p1 .LBB2_3-.Ltmp3, $4  }
0x190: {  	[tilespmem:s25+$0x95A0] =	vst v0  }
0x191: {  	[tilespmem:s25+$0x95B0] =	vst v0  }
0x192: {  	s9 =	sadd.s32 $0x200, s9;
	[tilespmem:s25+$0x95C0] =	vst v0  }
0x193: {  	s12 =	sand.u32 $0x300, s10;
	s10 =	sadd.s32 $0x100, s10;
	s11 =	sand.u32 $0xF800, s9;
	[tilespmem:s25+$0x95D0] =	vst v0  }
0x194: {  	s9 =	sor.u32 s12, s11;
	[tilespmem:s25+$0x95E0] =	vst v0  }
0x195: {  	[tilespmem:s9+$0x95F0] =	vst v0  }
0x196: {  	[tilespmem:s9+$0x9100] =	vst v0  }
0x197: {  	[tilespmem:s9+$0x9110] =	vst v0  }
0x198: {  	[tilespmem:s9+$0x9120] =	vst v0  }
0x199: {  	[tilespmem:s9+$0x9130] =	vst v0  }
0x19a: {  	[tilespmem:s9+$0x9140] =	vst v0  }
0x19b: {  	[tilespmem:s9+$0x9150] =	vst v0  }
0x19c: {  	[tilespmem:s9+$0x9160] =	vst v0  }
0x19d: {  	[tilespmem:s9+$0x9170] =	vst v0  }
0x19e: {  	[tilespmem:s9+$0x9500] =	vst v0  }
0x19f: {  	[tilespmem:s9+$0x9510] =	vst v0  }
0x1a0: {  	[tilespmem:s9+$0x9520] =	vst v0  }
0x1a1: {  	[tilespmem:s9+$0x9530] =	vst v0  }
0x1a2: {  	[tilespmem:s9+$0x9540] =	vst v0  }
0x1a3: {  	[tilespmem:s9+$0x9550] =	vst v0  }
0x1a4: {  	[tilespmem:s9+$0x9560] =	vst v0  }
0x1a5: {  	[tilespmem:s9+$0x9570] =	vst v0  }
0x1a6: {  	[tilespmem:s9+$0x9180] =	vst v0  }
0x1a7: {  	[tilespmem:s9+$0x9190] =	vst v0  }
0x1a8: {  	[tilespmem:s9+$0x91A0] =	vst v0  }
0x1a9: {  	[tilespmem:s9+$0x91B0] =	vst v0  }
0x1aa: {  	[tilespmem:s9+$0x91C0] =	vst v0  }
0x1ab: {  	[tilespmem:s9+$0x91D0] =	vst v0  }
0x1ac: {  	[tilespmem:s9+$0x91E0] =	vst v0  }
0x1ad: {  	[tilespmem:s9+$0x91F0] =	vst v0  }
0x1ae: {  	[tilespmem:s9+$0x9580] =	vst v0  }
0x1af: {  	[tilespmem:s9+$0x9590] =	vst v0  }
0x1b0: {  	[tilespmem:s9+$0x95A0] =	vst v0  }
0x1b1: {  	[tilespmem:s9+$0x95B0] =	vst v0  }
0x1b2: {  	[tilespmem:s9+$0x95C0] =	vst v0  }
0x1b3: {  	[tilespmem:s9+$0x95D0] =	vst v0  }
0x1b4: {  	s25 =	simm.s32 $0x1;
	[tilespmem:s9+$0x95E0] =	vst v0  }
0x1b5: {  	_ =	swait.ge [sflag:s25], $0x4000  }
0x1b6: {  	p1 =	por $0x0, $0x0;
	[sflag:s25] =	ssyncset.done $0x0  }
0x1b7: {  	s10 =	simm.s32 $0x0;
	s9 =	simm.s32 $0x0;
	[sflag:s25] =	ssyncadd.s32 $0xFFFFC000  }
.LBB2_5:
0x1b8: {  	s11 =	simm.s32 $0x1  }
0x1b9: {  	s11 =	simm.s32 @!p1 $0x0  }
0x1ba: {  	s12 =	sand.u32 $0x40, s10;
	s25 =	sand.u32 $0x3F00, s9;
	s11 =	sshll.u32 s11, $0x6  }
0x1bb: {  	s12 =	sor.u32 s12, s25;
	s11 =	sadd.s32 s11, s9  }
0x1bc: {  	v5 =	vld [tilespmem:s12+$0x19100];
	s25 =	sor.u32 $0x80, s11  }
0x1bd: {  	v6 =	vld [tilespmem:s25+$0x19100];
	_ =	sdelay $0x4  }
0x1be: {  	v8 =	vshll.u32 v5, $0x3;
	v7 =	vshll.u32 v6, $0x8  }
0x1bf: {  	v8 =	vand.u32 $0xFFFFFC00, v8;
	v6 =	vshll.u32 v6, $0x7;
	v7 =	vand.u32 $0xFFFFF800, v7  }
0x1c0: {  	v6 =	vand.u32 $0x380, v6;
	v7 =	vadd.s32 v8, v7  }
0x1c1: {  	v5 =	vand.u32 $0x7F, v5;
	v6 =	vor.u32 v6, v7  }
0x1c2: {  	v5 =	vor.u32 v5, v6;
	_ =	sdelay $0x4  }
0x1c3: {  	s12 =	sadd.s32 $0x19100, s12;
	s25 =	sadd.s32 $0x10, s11;
	[tilespmem:v5+s26+$0x0] =	vst.idx.add.f32.msk $0xffff, v1  }
0x1c4: {  	s25 =	sor.u32 $0x80, s25;
	v5 =	vld [tilespmem:s12+$0x10]  }
0x1c5: {  	v6 =	vld [tilespmem:s25+$0x19100];
	_ =	sdelay $0x4  }
0x1c6: {  	v7 =	vshll.u32 v6, $0x8;
	v61 =	vshll.u32 v5, $0x3  }
0x1c7: {  	v6 =	vshll.u32 v6, $0x7;
	v7 =	vand.u32 $0xFFFFF800, v7;
	v8 =	vand.u32 $0xFFFFFC00, v61  }
0x1c8: {  	v6 =	vand.u32 $0x380, v6;
	v7 =	vadd.s32 v8, v7  }
0x1c9: {  	v5 =	vand.u32 $0x7F, v5;
	v6 =	vor.u32 v6, v7  }
0x1ca: {  	v5 =	vor.u32 v5, v6;
	_ =	sdelay $0x4  }
0x1cb: {  	s25 =	sadd.s32 $0x20, s11;
	[tilespmem:v5+s26+$0x0] =	vst.idx.add.f32.msk $0xffff, v1  }
0x1cc: {  	s25 =	sor.u32 $0x80, s25;
	v5 =	vld [tilespmem:s12+$0x20]  }
0x1cd: {  	v6 =	vld [tilespmem:s25+$0x19100];
	_ =	sdelay $0x4  }
0x1ce: {  	v7 =	vshll.u32 v6, $0x8;
	v62 =	vshll.u32 v5, $0x3  }
0x1cf: {  	v6 =	vshll.u32 v6, $0x7;
	v7 =	vand.u32 $0xFFFFF800, v7;
	v8 =	vand.u32 $0xFFFFFC00, v62  }
0x1d0: {  	v6 =	vand.u32 $0x380, v6;
	v7 =	vadd.s32 v8, v7  }
0x1d1: {  	v5 =	vand.u32 $0x7F, v5;
	v6 =	vor.u32 v6, v7  }
0x1d2: {  	v5 =	vor.u32 v5, v6;
	_ =	sdelay $0x4  }
0x1d3: {  	s11 =	sadd.s32 $0x30, s11;
	[tilespmem:v5+s26+$0x0] =	vst.idx.add.f32.msk $0xffff, v1  }
0x1d4: {  	s11 =	sor.u32 $0x80, s11;
	v5 =	vld [tilespmem:s12+$0x30]  }
0x1d5: {  	v6 =	vld [tilespmem:s11+$0x19100];
	_ =	sdelay $0x4  }
0x1d6: {  	v7 =	vshll.u32 v6, $0x8;
	v63 =	vshll.u32 v5, $0x3  }
0x1d7: {  	v6 =	vshll.u32 v6, $0x7;
	v7 =	vand.u32 $0xFFFFF800, v7;
	v8 =	vand.u32 $0xFFFFFC00, v63  }
0x1d8: {  	v6 =	vand.u32 $0x380, v6;
	v7 =	vadd.s32 v8, v7  }
0x1d9: {  	v5 =	vand.u32 $0x7F, v5;
	v6 =	vor.u32 v6, v7  }
0x1da: {  	p2 =	sne.s32 s10, $0x1FC0;
	v5 =	vor.u32 v5, v6  }
.Ltmp4:
0x1db: {  	_ = 	snop;
	(pc) =	sbr.rel @p2 .LBB2_5-.Ltmp4, $2  }
0x1dc: {  	_ =	sdelay $0x2  }
0x1dd: {  	s10 =	sadd.s32 $0x40, s10;
	p1 =	por !p1, !p1;
	s9 =	sadd.s32 $0x80, s9;
	[tilespmem:v5+s26+$0x0] =	vst.idx.add.f32.msk $0xffff, v1  }
0x1de: {  	s9 =	rddreg [dreg:$0x10]  }
0x1df: {  	[hbm4b:s9+s3] =	stream.linear.scatter [tilespmem:s26], [sflag:$0x4], $0x10000, $0x38;
	[tilespmem:$0x1D100] =	vst v63  }
0x1e0: {  	s10 =	rddreg [dreg:$0x11]  }
0x1e1: {  	[tilespmem:s3], [sflag:$0x6] =	stream.linear.gather [hbm4b:s10+s3], $0x10, $0x38;
	[tilespmem:$0x1D100] =	vst v63  }
0x1e2: {  	_ =	swait.ge [sflag:s28], $0x10  }
0x1e3: {  	[sflag:s28] =	ssyncset.done $0x0  }
0x1e4: {  	[sflag:s28] =	ssyncadd.s32 $0xFFFFFFF0  }
0x1e5: {  	v5 =	vld [tilespmem:$0x0];
	_ =	sdelay $0x4  }
0x1e6: {  	v6 =	vshrl.u32 v5, $0x3  }
0x1e7: {  	v6 =	vmul.u32 $0x30, v6  }
0x1e8: {  	v5 =	vand.u32 $0x7, v5  }
0x1e9: {  	v5 =	vor.u32 v5, v6  }
0x1ea: {  	v6 =	vperm.xlane v5, v2;
	_ =	sdelay $0x1  }
0x1eb: {  	v6 =	vadd.s32 v3, v6;
	_ =	sdelay $0x3  }
0x1ec: {  	v5 =	vperm.xlane v5, v4  }
0x1ed: {  	[tilespmem:s29], [sflag:$0x2] =	stream.indirect_vreg.gather [hbm4b:s2+s3], $0x80, v6, vm0, $0xb8;
	[tilespmem:$0x1D100] =	vst v63  }
0x1ee: {  	v5 =	vadd.s32 v3, v5  }
0x1ef: {  	[tilespmem:s30], [sflag:$0x2] =	stream.indirect_vreg.gather [hbm4b:s5+s3], $0x80, v6, vm0, $0xb8;
	[tilespmem:$0x1D100] =	vst v63  }
0x1f0: {  	_ = 	snop  }
0x1f1: {  	[tilespmem:s31], [sflag:$0x2] =	stream.indirect_vreg.gather [hbm4b:s6+s3], $0x80, v6, vm0, $0xb8;
	[tilespmem:$0x1D100] =	vst v63  }
0x1f2: {  	_ = 	snop  }
0x1f3: {  	[tilespmem:s0], [sflag:$0x2] =	stream.indirect_vreg.gather [hbm4b:s2+s3], $0x80, v5, vm0, $0xb8;
	[tilespmem:$0x1D100] =	vst v63  }
0x1f4: {  	_ = 	snop  }
0x1f5: {  	[tilespmem:s1], [sflag:$0x2] =	stream.indirect_vreg.gather [hbm4b:s5+s3], $0x80, v5, vm0, $0xb8;
	[tilespmem:$0x1D100] =	vst v63  }
0x1f6: {  	_ = 	snop  }
0x1f7: {  	[tilespmem:s24], [sflag:$0x2] =	stream.indirect_vreg.gather [hbm4b:s6+s3], $0x80, v5, vm0, $0xb8;
	[tilespmem:$0x1D100] =	vst v63  }
0x1f8: {  	_ =	swait.ge [sflag:s4], $0x3000  }
0x1f9: {  	[sflag:s4] =	ssyncset.done $0x0  }
0x1fa: {  	s11 =	rddreg [dreg:$0x12];
	[sflag:s4] =	ssyncadd.s32 $0xFFFFD000  }
0x1fb: {  	[hbm4b:s11+s3] =	stream.linear.scatter [tilespmem:s29], [sflag:$0x6], $0x3000, $0x38;
	[tilespmem:$0x1D100] =	vst v63  }
0x1fc: {  	_ =	swait.ge [sflag:s28], $0x3000  }
0x1fd: {  	[sflag:s28] =	ssyncset.done $0x0  }
0x1fe: {  	s12 =	rddreg [dreg:$0x13];
	[sflag:s28] =	ssyncadd.s32 $0xFFFFD000  }
0x1ff: {  	[tilespmem:s3], [sflag:$0x6] =	stream.linear.gather [hbm4b:s12+s3], $0x10, $0x38;
	[tilespmem:$0x1D100] =	vst v63  }
0x200: {  	_ =	swait.ge [sflag:s28], $0x10  }
0x201: {  	[sflag:s28] =	ssyncset.done $0x0  }
0x202: {  	[sflag:s28] =	ssyncadd.s32 $0xFFFFFFF0  }
0x203: {  	v5 =	vld [tilespmem:$0x0];
	_ =	sdelay $0x4  }
0x204: {  	v6 =	vshrl.u32 v5, $0x3  }
0x205: {  	v6 =	vmul.u32 $0x30, v6  }
0x206: {  	v5 =	vand.u32 $0x7, v5  }
0x207: {  	v5 =	vor.u32 v5, v6  }
0x208: {  	v6 =	vperm.xlane v5, v2;
	_ =	sdelay $0x1  }
0x209: {  	v6 =	vadd.s32 v3, v6;
	_ =	sdelay $0x3  }
0x20a: {  	v5 =	vperm.xlane v5, v4  }
0x20b: {  	[tilespmem:s29], [sflag:$0x2] =	stream.indirect_vreg.gather [hbm4b:s2+s3], $0x80, v6, vm0, $0xb8;
	[tilespmem:$0x1D100] =	vst v63  }
0x20c: {  	v5 =	vadd.s32 v3, v5  }
0x20d: {  	[tilespmem:s30], [sflag:$0x2] =	stream.indirect_vreg.gather [hbm4b:s5+s3], $0x80, v6, vm0, $0xb8;
	[tilespmem:$0x1D100] =	vst v63  }
0x20e: {  	_ = 	snop  }
0x20f: {  	[tilespmem:s31], [sflag:$0x2] =	stream.indirect_vreg.gather [hbm4b:s6+s3], $0x80, v6, vm0, $0xb8;
	[tilespmem:$0x1D100] =	vst v63  }
0x210: {  	_ = 	snop  }
0x211: {  	[tilespmem:s0], [sflag:$0x2] =	stream.indirect_vreg.gather [hbm4b:s2+s3], $0x80, v5, vm0, $0xb8;
	[tilespmem:$0x1D100] =	vst v63  }
0x212: {  	_ = 	snop  }
0x213: {  	[tilespmem:s1], [sflag:$0x2] =	stream.indirect_vreg.gather [hbm4b:s5+s3], $0x80, v5, vm0, $0xb8;
	[tilespmem:$0x1D100] =	vst v63  }
0x214: {  	_ = 	snop  }
0x215: {  	[tilespmem:s24], [sflag:$0x2] =	stream.indirect_vreg.gather [hbm4b:s6+s3], $0x80, v5, vm0, $0xb8;
	[tilespmem:$0x1D100] =	vst v63  }
0x216: {  	_ =	swait.ge [sflag:s4], $0x3000  }
0x217: {  	[sflag:s4] =	ssyncset.done $0x0  }
0x218: {  	s25 =	rddreg [dreg:$0x14];
	[sflag:s4] =	ssyncadd.s32 $0xFFFFD000  }
0x219: {  	[hbm4b:s25+s3] =	stream.linear.scatter [tilespmem:s29], [sflag:$0x6], $0x3000, $0x38;
	[tilespmem:$0x1D100] =	vst v63  }
0x21a: {  	_ =	swait.ge [sflag:s28], $0x3000  }
.Ltmp5:
0x21b: {  	[sflag:s28] =	ssyncset.done $0x0;
	(pc) =	sbr.rel .LBB2_8-.Ltmp5, $4  }
0x21c: {  	[sflag:s28] =	ssyncadd.s32 $0xFFFFD000  }
0x21d: {  	_ =	swait.ge [sflag:s7], $0x10000  }
0x21e: {  	[sflag:s7] =	ssyncset.done $0x0  }
0x21f: {  	[sflag:s7] =	ssyncadd.s32 $0xFFFF0000  }
.LBB2_9:
0x220: {  	_ =	sfence.sel $0x180000  }
0x221: {  	[bflag:$0x0] =	sbarrier.arrive $0xFFFF  }
0x222: {  	_ =	strace $0x90000047  }
0x223: {  	s0 =	stileid.u32;
	[bflag:$0x2] =	sbarrier.arrive $0xFFFF  }
0x224: {  	p0 =	sne.s32 s0, $0x0;
	s0 =	rddreg [dreg:$0x3]  }
0x225: {  	s0 =	sadd.s32 @!p0 $0x100000, s0  }
0x226: {  	[sflag:s0] =	ssyncadd.tile.s32 @!p0 $0x1;
	_ =	shalt  }
.Lfunc_end2:
_tile_overlayer_lowered:
.L_overlay_start_2:
0x227: {  	(tag) =	ssettag $0x2  }
0x228: {  	s0 =	rddreg [dreg:$0x0];
	s2 =	stileid.u32  }
0x229: {  	s1 =	rddreg [dreg:$0x1];
	p0 =	sne.s32 s2, $0x0  }
0x22a: {  	s3 =	rddreg [dreg:$0x2];
	[bflag:$0x3] =	sbarrier.arrive $0xFFFF;
	s2 =	simm.s32 @!p0 $0x1C06  }
0x22b: {  	[timem:s3], [sflag:s2] =	dma.local @!p0 [hbm:s0], s1  }
0x22c: {  	s0 =	simm.s32 @!p0 $0x6  }
0x22d: {  	_ =	swait.ge @!p0 [sflag:s0], s1  }
0x22e: {  	s1 =	ssub.s32 @!p0 $0x0, s1;
	[sflag:s0] =	ssyncset.done @!p0 $0x0  }
0x22f: {  	[sflag:s0] =	ssyncadd.s32 @!p0 s1  }
0x230: {  	[bflag:$0x3] =	sbarrier.arrive $0xFFFF  }
0x231: {  	_ =	shalt  }

</sc_bundles>
